<compile_context>
chip_gen: v7x
topology: tpu7x:2x2x1
jax: 0.10.2.dev20260603
libtpu: 0.0.44.dev20260713+nightly
codegen_flags: <defaults>
</compile_context>

<pallas_src>
import jax
import jax.numpy as jnp
from jax import lax
from jax.experimental import pallas as pl
from jax.experimental.pallas import tpu as pltpu
from jax.experimental.pallas import tpu_sc as plsc

N = 10000
E = 320000
D = 128
G = 64

_NC = 2
_NS = 16
_NW = _NC * _NS
_CH = 128
_NCHUNK = 80
_EROWS = E // _CH
_EP = _NW * _NCHUNK * _CH
_NP = 10240
_RPT = _NP // _NS
_GRP = 8


def _edge_body(h_hbm, e_hbm, src_hbm, dst_hbm, out_hbm,
               src_v, dst_v, hrows, erows, sem, agg_sh):
    c = lax.axis_index("c")
    s = lax.axis_index("s")
    wid = c * _NS + s

    zero16 = jnp.zeros((16,), jnp.float32)

    def _zfill(r, carry):
        for v in range(D // 16):
            erows[r, pl.ds(v * 16, 16)] = zero16
        return carry
    lax.fori_loop(0, _CH, _zfill, 0)
    for j in range(_RPT // _CH):
        pltpu.sync_copy(erows, agg_sh.at[pl.ds(s * _RPT + j * _CH, _CH)])

    plsc.subcore_barrier()

    def _group(gidx, carry):
        row0 = wid * _NCHUNK + gidx * _GRP
        pltpu.sync_copy(src_hbm.at[pl.ds(row0, _GRP)], src_v)
        pltpu.sync_copy(dst_hbm.at[pl.ds(row0, _GRP)], dst_v)

        def _chunk(k, inner):
            pltpu.async_copy(h_hbm.at[src_v.at[k]], hrows, sem).wait()
            pltpu.sync_copy(e_hbm.at[pl.ds((row0 + k) * _CH, _CH)], erows)

            def _row(r, inner2):
                for v in range(D // 16):
                    sl = pl.ds(v * 16, 16)
                    erows[r, sl] = jnp.maximum(hrows[r, sl] + erows[r, sl],
                                               0.0)
                return inner2
            lax.fori_loop(0, _CH, _row, 0)
            pltpu.sync_copy(erows, agg_sh.at[dst_v.at[k]], add=True)
            return inner
        lax.fori_loop(0, _GRP, _chunk, 0)
        return carry
    lax.fori_loop(0, _NCHUNK // _GRP, _group, 0)

    plsc.subcore_barrier()
    pltpu.sync_copy(agg_sh.at[pl.ds(s * _RPT, _RPT)],
                    out_hbm.at[c, pl.ds(s * _RPT, _RPT)])


_edge_pass = pl.kernel(
    _edge_body,
    out_type=jax.ShapeDtypeStruct((_NC, _NP, D), jnp.float32),
    mesh=plsc.VectorSubcoreMesh(core_axis_name="c", subcore_axis_name="s"),
    scratch_types=[
        pltpu.VMEM((_GRP, _CH), jnp.int32),
        pltpu.VMEM((_GRP, _CH), jnp.int32),
        pltpu.VMEM((_CH, D), jnp.float32),
        pltpu.VMEM((_CH, D), jnp.float32),
        pltpu.SemaphoreType.DMA,
        pltpu.VMEM_SHARED((_NP, D), jnp.float32),
    ],
)


_BE = 2000

def _ematmul_body(ea_ref, w_ref, c0_ref, c1_ref, c2_ref,
                  e0_ref, e1_ref, e2_ref):
    z = jnp.dot(ea_ref[...].astype(jnp.bfloat16),
                w_ref[...].astype(jnp.bfloat16),
                preferred_element_type=jnp.float32)
    e0_ref[...] = z[:, :D] + c0_ref[...]
    e1_ref[...] = z[:, D:2 * D] + c1_ref[...]
    e2_ref[...] = z[:, 2 * D:] + c2_ref[...]


def _ematmul(ea, w_all, c0, c1, c2):
    grid = (E // _BE,)
    return pl.pallas_call(
        _ematmul_body,
        grid=grid,
        in_specs=[
            pl.BlockSpec((_BE, 16), lambda k: (k, 0)),
            pl.BlockSpec((16, 3 * D), lambda k: (0, 0)),
            pl.BlockSpec((1, D), lambda k: (0, 0)),
            pl.BlockSpec((1, D), lambda k: (0, 0)),
            pl.BlockSpec((1, D), lambda k: (0, 0)),
        ],
        out_specs=[pl.BlockSpec((_BE, D), lambda k: (k, 0))] * 3,
        out_shape=[jax.ShapeDtypeStruct((E, D), jnp.float32)] * 3,
    )(ea, w_all, c0, c1, c2)


_BN = 2000

def _node_mm_body(h_ref, a0_ref, a1_ref, w_ref, b_ref, z_ref, s_ref, q_ref):
    t = h_ref[...] + a0_ref[0] + a1_ref[0]
    z = jnp.dot(t.astype(jnp.bfloat16), w_ref[...].astype(jnp.bfloat16),
                preferred_element_type=jnp.float32) + b_ref[...]
    z_ref[...] = z

    @pl.when(pl.program_id(0) == 0)
    def _():
        s_ref[...] = jnp.zeros_like(s_ref)
        q_ref[...] = jnp.zeros_like(q_ref)

    s_ref[...] += jnp.sum(z, axis=0, keepdims=True)
    q_ref[...] += jnp.sum(z * z, axis=0, keepdims=True)


def _node_mm(h, aggs, w, b):
    grid = (N // _BN,)
    return pl.pallas_call(
        _node_mm_body,
        grid=grid,
        in_specs=[
            pl.BlockSpec((_BN, D), lambda k: (k, 0)),
            pl.BlockSpec((1, _BN, D), lambda k: (0, k, 0)),
            pl.BlockSpec((1, _BN, D), lambda k: (1, k, 0)),
            pl.BlockSpec((D, D), lambda k: (0, 0)),
            pl.BlockSpec((1, D), lambda k: (0, 0)),
        ],
        out_specs=[
            pl.BlockSpec((_BN, D), lambda k: (k, 0)),
            pl.BlockSpec((1, D), lambda k: (0, 0)),
            pl.BlockSpec((1, D), lambda k: (0, 0)),
        ],
        out_shape=[
            jax.ShapeDtypeStruct((N, D), jnp.float32),
            jax.ShapeDtypeStruct((1, D), jnp.float32),
            jax.ShapeDtypeStruct((1, D), jnp.float32),
        ],
    )(h, aggs, aggs, w, b)


def _bn_relu_body(z_ref, s_ref, q_ref, g_ref, bt_ref, o_ref):
    mu = s_ref[...] / N
    var = q_ref[...] / N - mu * mu
    inv = 1.0 / jnp.sqrt(var + 1e-5)
    o_ref[...] = jnp.maximum((z_ref[...] - mu) * inv * g_ref[...] + bt_ref[...],
                             0.0)


def _bn_relu(z, s, q, g, bt):
    grid = (N // _BN,)
    return pl.pallas_call(
        _bn_relu_body,
        grid=grid,
        in_specs=[
            pl.BlockSpec((_BN, D), lambda k: (k, 0)),
            pl.BlockSpec((1, D), lambda k: (0, 0)),
            pl.BlockSpec((1, D), lambda k: (0, 0)),
            pl.BlockSpec((1, D), lambda k: (0, 0)),
            pl.BlockSpec((1, D), lambda k: (0, 0)),
        ],
        out_specs=pl.BlockSpec((_BN, D), lambda k: (k, 0)),
        out_shape=jax.ShapeDtypeStruct((N, D), jnp.float32),
    )(z, s, q, g, bt)


def _pool_head_body(h_ref, b_ref, hg0_ref, hbt0_ref, hw1_ref, hb1_ref,
                    hg1_ref, hbt1_ref, hw2_ref, hb2_ref, o_ref,
                    sums_ref, cnt_ref):
    k = pl.program_id(0)

    @pl.when(k == 0)
    def _():
        sums_ref[...] = jnp.zeros_like(sums_ref)
        cnt_ref[...] = jnp.zeros_like(cnt_ref)

    b = b_ref[...].reshape(1, _BN)
    gid = lax.broadcasted_iota(jnp.int32, (G, _BN), 0)
    oh = (gid == b).astype(jnp.float32)
    sums_ref[...] += jnp.dot(oh, h_ref[...], preferred_element_type=jnp.float32,
                             precision=lax.Precision.HIGHEST)
    cnt_ref[...] += jnp.sum(oh, axis=1, keepdims=True)

    @pl.when(k == pl.num_programs(0) - 1)
    def _():
        gp = sums_ref[...] / jnp.maximum(cnt_ref[...], 1.0)
        mu = jnp.mean(gp, axis=0, keepdims=True)
        var = jnp.mean((gp - mu) ** 2, axis=0, keepdims=True)
        o = (gp - mu) / jnp.sqrt(var + 1e-5) * hg0_ref[...] + hbt0_ref[...]
        o = jnp.dot(o.astype(jnp.bfloat16), hw1_ref[...].astype(jnp.bfloat16),
                    preferred_element_type=jnp.float32)
        o = jnp.maximum(o + hb1_ref[...], 0.0)
        mu = jnp.mean(o, axis=0, keepdims=True)
        var = jnp.mean((o - mu) ** 2, axis=0, keepdims=True)
        o = (o - mu) / jnp.sqrt(var + 1e-5) * hg1_ref[...] + hbt1_ref[...]
        o_ref[...] = jnp.dot(o.astype(jnp.bfloat16),
                             hw2_ref[...].astype(jnp.bfloat16),
                             preferred_element_type=jnp.float32) + hb2_ref[...]


def _pool_head(h, batch3, hg0, hbt0, hw1, hb1, hg1, hbt1, hw2, hb2):
    grid = (N // _BN,)
    cst = lambda k: (0, 0)
    return pl.pallas_call(
        _pool_head_body,
        grid=grid,
        in_specs=[
            pl.BlockSpec((_BN, D), lambda k: (k, 0)),
            pl.BlockSpec((1, 1, _BN), lambda k: (k, 0, 0)),
            pl.BlockSpec((1, D), cst),
            pl.BlockSpec((1, D), cst),
            pl.BlockSpec((D, D), cst),
            pl.BlockSpec((1, D), cst),
            pl.BlockSpec((1, D), cst),
            pl.BlockSpec((1, D), cst),
            pl.BlockSpec((D, 1), cst),
            pl.BlockSpec((1, 1), cst),
        ],
        out_specs=pl.BlockSpec((G, 1), cst),
        out_shape=jax.ShapeDtypeStruct((G, 1), jnp.float32),
        scratch_shapes=[
            pltpu.VMEM((G, D), jnp.float32),
            pltpu.VMEM((G, 1), jnp.float32),
        ],
    )(h, batch3, hg0, hbt0, hw1, hb1, hg1, hbt1, hw2, hb2)




def kernel(x, edge_attr, We0, be0, Wn0, bb0, g0, bt0, We1, be1, Wn1, bb1, g1,
           bt1, We2, be2, Wn2, bb2, g2, bt2, hg0, hbt0, hW1, hb1, hg1, hbt1,
           hW2, hb2, edge_index, batch):
    x0 = jax.nn.one_hot(x[:, 0].astype(jnp.int32), 119, dtype=jnp.float32)
    h = jnp.concatenate([x0, x[:, 1:]], axis=1)
    ea0 = jax.nn.one_hot(edge_attr[:, 0].astype(jnp.int32), 22,
                         dtype=jnp.float32)
    ea = jnp.concatenate([ea0, edge_attr[:, 1:]], axis=1)

    src_pad = jnp.arange(_EP - E, dtype=jnp.int32) % N
    dst_pad = jnp.arange(_EP - E, dtype=jnp.int32) % (_NP - N) + N
    src2 = jnp.concatenate([edge_index[0], src_pad]).reshape(_EP // _CH, _CH)
    dst2 = jnp.concatenate([edge_index[1], dst_pad]).reshape(_EP // _CH, _CH)

    def _bn(hh, g, b):
        mu = jnp.mean(hh, axis=0, keepdims=True)
        var = jnp.mean((hh - mu) ** 2, axis=0, keepdims=True)
        return (hh - mu) / jnp.sqrt(var + 1e-5) * g + b

    for We, be, Wn, bb, g, bt in ((We0, be0, Wn0, bb0, g0, bt0),
                                  (We1, be1, Wn1, bb1, g1, bt1),
                                  (We2, be2, Wn2, bb2, g2, bt2)):
        e = ea @ We + be
        e_pad = jnp.pad(e, ((0, _EP - E), (0, 0)))
        aggs = _edge_pass(h, e_pad, src2, dst2)
        agg = (aggs[0] + aggs[1])[:N]
        h = jax.nn.relu(_bn((h + agg) @ Wn + bb, g, bt))

    batch3 = batch.reshape(N // _BN, 1, _BN)
    return _pool_head(h, batch3, hg0[None], hbt0[None], hW1, hb1[None],
                      hg1[None], hbt1[None], hW2, hb2[None])

# --- scband reference (transcript-rebuilt; emitter-appended) ---
"""Pipeline reference for scband-my-final-network-7258494730827 (READ-ONLY COPY).

The authoritative reference and input builder live on the scoring server;
editing this copy changes nothing except your own understanding.
"""

import jax, jax.numpy as jnp
import numpy as np

N = 10000
E = 320000
D = 128
DE = 37
G = 64

def _bn(h, g, b):
    mu = jnp.mean(h, axis=0, keepdims=True)
    var = jnp.mean((h - mu) ** 2, axis=0, keepdims=True)
    return (h - mu) / jnp.sqrt(var + 1e-5) * g + b

def _forward(x, edge_attr, params, edge_index, batch):
    x0 = jax.nn.one_hot(jax.lax.stop_gradient(x[:, 0]).astype(jnp.int32), 119, dtype=jnp.float32)
    h = jnp.concatenate([x0, x[:, 1:]], axis=1)
    ea0 = jax.nn.one_hot(jax.lax.stop_gradient(edge_attr[:, 0]).astype(jnp.int32), 22, dtype=jnp.float32)
    ea = jnp.concatenate([ea0, edge_attr[:, 1:]], axis=1)
    src = edge_index[0]
    dst = edge_index[1]
    (We0, be0, Wn0, bb0, g0, bt0,
     We1, be1, Wn1, bb1, g1, bt1,
     We2, be2, Wn2, bb2, g2, bt2,
     hg0, hbt0, hW1, hb1, hg1, hbt1, hW2, hb2) = params
    layers = [(We0, be0, Wn0, bb0, g0, bt0),
              (We1, be1, Wn1, bb1, g1, bt1),
              (We2, be2, Wn2, bb2, g2, bt2)]
    for We, be, Wn, bb, g, bt in layers:
        e = ea @ We + be
        msg = jax.nn.relu(h[src] + e)
        agg = jax.ops.segment_sum(msg, dst, num_segments=N)
        h = jax.nn.relu(_bn((h + agg) @ Wn + bb, g, bt))
    sums = jax.ops.segment_sum(h, batch, num_segments=G)
    cnt = jax.ops.segment_sum(jnp.ones((N, 1), jnp.float32), batch, num_segments=G)
    gp = sums / jnp.clip(cnt, 1.0)
    out = _bn(gp, hg0, hbt0)
    out = jax.nn.relu(out @ hW1 + hb1)
    out = _bn(out, hg1, hbt1)
    return out @ hW2 + hb2

def setup_inputs(seed: int = 0):
    key = jax.random.key(seed)
    ks = jax.random.split(key, 40)
    inp = {}
    inp["x"] = jax.random.uniform(ks[0], (N, 10), dtype=jnp.float32)
    inp["edge_attr"] = jax.random.uniform(ks[1], (E, 16), dtype=jnp.float32)
    k = 2
    for i in range(3):
        inp["We%d" % i] = jax.random.normal(ks[k], (DE, D), dtype=jnp.float32) * 0.05; k += 1
        inp["be%d" % i] = jnp.zeros((D,), jnp.float32)
        inp["Wn%d" % i] = jax.random.normal(ks[k], (D, D), dtype=jnp.float32) * 0.05; k += 1
        inp["bb%d" % i] = jnp.zeros((D,), jnp.float32)
        inp["g%d" % i] = jnp.ones((D,), jnp.float32)
        inp["bt%d" % i] = jnp.zeros((D,), jnp.float32)
    inp["hg0"] = jnp.ones((D,), jnp.float32)
    inp["hbt0"] = jnp.zeros((D,), jnp.float32)
    inp["hW1"] = jax.random.normal(ks[k], (D, D), dtype=jnp.float32) * 0.05; k += 1
    inp["hb1"] = jnp.zeros((D,), jnp.float32)
    inp["hg1"] = jnp.ones((D,), jnp.float32)
    inp["hbt1"] = jnp.zeros((D,), jnp.float32)
    inp["hW2"] = jax.random.normal(ks[k], (D, 1), dtype=jnp.float32) * 0.05; k += 1
    inp["hb2"] = jnp.zeros((1,), jnp.float32)
    inp["edge_index"] = jax.random.randint(ks[k], (2, E), 0, N, dtype=jnp.int32); k += 1
    inp["batch"] = jnp.sort(jax.random.randint(ks[k], (N,), 0, G, dtype=jnp.int32))
    return inp

def reference(x, edge_attr, We0, be0, Wn0, bb0, g0, bt0, We1, be1, Wn1, bb1, g1, bt1, We2, be2, Wn2, bb2, g2, bt2, hg0, hbt0, hW1, hb1, hg1, hbt1, hW2, hb2, edge_index, batch):
    params = (We0, be0, Wn0, bb0, g0, bt0, We1, be1, Wn1, bb1, g1, bt1, We2, be2, Wn2, bb2, g2, bt2, hg0, hbt0, hW1, hb1, hg1, hbt1, hW2, hb2)
    return _forward(x, edge_attr, params, edge_index, batch)

if __name__ == "__main__":
    import jax
    _d = setup_inputs()
    print(jax.jit(kernel)(*tuple(_d.values())))

</pallas_src>

<mosaic_0001>
#map = affine_map<(d0, d1) -> (0, 0)>
#map1 = affine_map<(d0, d1) -> (0, 0, 0)>
module attributes {stable_mosaic.version = 14 : i64} {
  func.func @_edge_body(%arg0: i32, %arg1: i32, %arg2: memref<10000x128xf32, #tpu.memory_space<hbm>>, %arg3: memref<327680x128xf32, #tpu.memory_space<hbm>>, %arg4: memref<2560x128xi32, #tpu.memory_space<hbm>>, %arg5: memref<2560x128xi32, #tpu.memory_space<hbm>>, %arg6: memref<2x10240x128xf32, #tpu.memory_space<hbm>>, %arg7: memref<8x128xi32, #tpu.memory_space<vmem>>, %arg8: memref<8x128xi32, #tpu.memory_space<vmem>>, %arg9: memref<128x128xf32, #tpu.memory_space<vmem>>, %arg10: memref<128x128xf32, #tpu.memory_space<vmem>>, %arg11: memref<!tpu.dma_semaphore, #tpu.memory_space<semaphore_mem>>, %arg12: memref<10240x128xf32, #tpu.memory_space<vmem_shared>>) attributes {dimension_semantics = [#tpu.dimension_semantics<core_parallel>, #tpu.dimension_semantics<subcore_parallel>], iteration_bounds = array<i64: 2, 16>, scalar_prefetch = 0 : i64, scratch_operands = 6 : i64, tpu.core_type = #tpu.core_type<sc_vector_subcore>, window_params = [{transform_indices = #map}, {transform_indices = #map}, {transform_indices = #map}, {transform_indices = #map}, {transform_indices = #map1}]} {
    %mul3A = arith.constant 16 : i32
    %mul3A_0 = arith.muli %arg0, %mul3A : i32
    %add3A = arith.addi %mul3A_0, %arg1 : i32
    %broadcast_in_dim3A = arith.constant 0.000000e+00 : f32
    %broadcast_in_dim3A_1 = vector.broadcast %broadcast_in_dim3A : f32 to vector<16xf32>
    %scan3A = arith.constant 0 : i32
    %scan3A_2 = arith.constant 0 : i32
    %scan3A_3 = arith.constant 128 : i32
    %scan3A_4 = arith.addi %scan3A_2, %scan3A_3 : i32
    %scan3A_5 = arith.constant 1 : i32
    scf.for %scan3A_38 = %scan3A_2 to %scan3A_4 step %scan3A_5  : i32 {
      %swap3A = arith.index_cast %scan3A_38 : i32 to index
      %swap3A_39 = arith.constant 0 : index
      %swap3A_40 = tpu.vector_load %arg10[%swap3A, %swap3A_39] {strides = array<i32>} : memref<128x128xf32, #tpu.memory_space<vmem>>, vector<1x16xf32>,
      %swap3A_41 = vector.shape_cast %swap3A_40 : vector<1x16xf32> to vector<16xf32>
      %swap3A_42 = vector.shape_cast %broadcast_in_dim3A_1 : vector<16xf32> to vector<1x16xf32>
      tpu.vector_store %arg10[%swap3A, %swap3A_39], %swap3A_42 {strides = array<i32>} : memref<128x128xf32, #tpu.memory_space<vmem>>, vector<1x16xf32>,
      %swap3A_43 = arith.index_cast %scan3A_38 : i32 to index
      %swap3A_44 = arith.constant 16 : index
      %swap3A_45 = tpu.vector_load %arg10[%swap3A_43, %swap3A_44] {strides = array<i32>} : memref<128x128xf32, #tpu.memory_space<vmem>>, vector<1x16xf32>,
      %swap3A_46 = vector.shape_cast %swap3A_45 : vector<1x16xf32> to vector<16xf32>
      %swap3A_47 = vector.shape_cast %broadcast_in_dim3A_1 : vector<16xf32> to vector<1x16xf32>
      tpu.vector_store %arg10[%swap3A_43, %swap3A_44], %swap3A_47 {strides = array<i32>} : memref<128x128xf32, #tpu.memory_space<vmem>>, vector<1x16xf32>,
      %swap3A_48 = arith.index_cast %scan3A_38 : i32 to index
      %swap3A_49 = arith.constant 32 : index
      %swap3A_50 = tpu.vector_load %arg10[%swap3A_48, %swap3A_49] {strides = array<i32>} : memref<128x128xf32, #tpu.memory_space<vmem>>, vector<1x16xf32>,
      %swap3A_51 = vector.shape_cast %swap3A_50 : vector<1x16xf32> to vector<16xf32>
      %swap3A_52 = vector.shape_cast %broadcast_in_dim3A_1 : vector<16xf32> to vector<1x16xf32>
      tpu.vector_store %arg10[%swap3A_48, %swap3A_49], %swap3A_52 {strides = array<i32>} : memref<128x128xf32, #tpu.memory_space<vmem>>, vector<1x16xf32>,
      %swap3A_53 = arith.index_cast %scan3A_38 : i32 to index
      %swap3A_54 = arith.constant 48 : index
      %swap3A_55 = tpu.vector_load %arg10[%swap3A_53, %swap3A_54] {strides = array<i32>} : memref<128x128xf32, #tpu.memory_space<vmem>>, vector<1x16xf32>,
      %swap3A_56 = vector.shape_cast %swap3A_55 : vector<1x16xf32> to vector<16xf32>
      %swap3A_57 = vector.shape_cast %broadcast_in_dim3A_1 : vector<16xf32> to vector<1x16xf32>
      tpu.vector_store %arg10[%swap3A_53, %swap3A_54], %swap3A_57 {strides = array<i32>} : memref<128x128xf32, #tpu.memory_space<vmem>>, vector<1x16xf32>,
      %swap3A_58 = arith.index_cast %scan3A_38 : i32 to index
      %swap3A_59 = arith.constant 64 : index
      %swap3A_60 = tpu.vector_load %arg10[%swap3A_58, %swap3A_59] {strides = array<i32>} : memref<128x128xf32, #tpu.memory_space<vmem>>, vector<1x16xf32>,
      %swap3A_61 = vector.shape_cast %swap3A_60 : vector<1x16xf32> to vector<16xf32>
      %swap3A_62 = vector.shape_cast %broadcast_in_dim3A_1 : vector<16xf32> to vector<1x16xf32>
      tpu.vector_store %arg10[%swap3A_58, %swap3A_59], %swap3A_62 {strides = array<i32>} : memref<128x128xf32, #tpu.memory_space<vmem>>, vector<1x16xf32>,
      %swap3A_63 = arith.index_cast %scan3A_38 : i32 to index
      %swap3A_64 = arith.constant 80 : index
      %swap3A_65 = tpu.vector_load %arg10[%swap3A_63, %swap3A_64] {strides = array<i32>} : memref<128x128xf32, #tpu.memory_space<vmem>>, vector<1x16xf32>,
      %swap3A_66 = vector.shape_cast %swap3A_65 : vector<1x16xf32> to vector<16xf32>
      %swap3A_67 = vector.shape_cast %broadcast_in_dim3A_1 : vector<16xf32> to vector<1x16xf32>
      tpu.vector_store %arg10[%swap3A_63, %swap3A_64], %swap3A_67 {strides = array<i32>} : memref<128x128xf32, #tpu.memory_space<vmem>>, vector<1x16xf32>,
      %swap3A_68 = arith.index_cast %scan3A_38 : i32 to index
      %swap3A_69 = arith.constant 96 : index
      %swap3A_70 = tpu.vector_load %arg10[%swap3A_68, %swap3A_69] {strides = array<i32>} : memref<128x128xf32, #tpu.memory_space<vmem>>, vector<1x16xf32>,
      %swap3A_71 = vector.shape_cast %swap3A_70 : vector<1x16xf32> to vector<16xf32>
      %swap3A_72 = vector.shape_cast %broadcast_in_dim3A_1 : vector<16xf32> to vector<1x16xf32>
      tpu.vector_store %arg10[%swap3A_68, %swap3A_69], %swap3A_72 {strides = array<i32>} : memref<128x128xf32, #tpu.memory_space<vmem>>, vector<1x16xf32>,
      %swap3A_73 = arith.index_cast %scan3A_38 : i32 to index
      %swap3A_74 = arith.constant 112 : index
      %swap3A_75 = tpu.vector_load %arg10[%swap3A_73, %swap3A_74] {strides = array<i32>} : memref<128x128xf32, #tpu.memory_space<vmem>>, vector<1x16xf32>,
      %swap3A_76 = vector.shape_cast %swap3A_75 : vector<1x16xf32> to vector<16xf32>
      %swap3A_77 = vector.shape_cast %broadcast_in_dim3A_1 : vector<16xf32> to vector<1x16xf32>
      tpu.vector_store %arg10[%swap3A_73, %swap3A_74], %swap3A_77 {strides = array<i32>} : memref<128x128xf32, #tpu.memory_space<vmem>>, vector<1x16xf32>,
    }
    %scan3A_6 = arith.constant 128 : i32
    %mul3A_7 = arith.constant 640 : i32
    %mul3A_8 = arith.muli %arg1, %mul3A_7 : i32
    %add3A_9 = arith.constant 0 : i32
    %add3A_10 = arith.addi %mul3A_8, %add3A_9 : i32
    "tpu.region"() ({
      %run_scoped3A = tpu.sem_alloc : memref<!tpu.dma_semaphore, #tpu.memory_space<semaphore_mem>>
      %dma_start3A = arith.constant 0 : i32
      %dma_start3A_38 = tpu.memref_slice %arg12[%add3A_10, %dma_start3A] : memref<10240x128xf32, #tpu.memory_space<vmem_shared>> -> memref<128x128xf32, #tpu.memory_space<vmem_shared>>
      %dma_start3A_39 = arith.constant 0 : i32
      %dma_start3A_40 = tpu.memref_slice %arg12[%add3A_10, %dma_start3A_39] : memref<10240x128xf32, #tpu.memory_space<vmem_shared>> -> memref<128x128xf32, #tpu.memory_space<vmem_shared>>
      tpu.enqueue_dma source(%arg10 : memref<128x128xf32, #tpu.memory_space<vmem>>) target(%dma_start3A_40 : memref<128x128xf32, #tpu.memory_space<vmem_shared>>) target_semaphore(%run_scoped3A : memref<!tpu.dma_semaphore, #tpu.memory_space<semaphore_mem>>)
      %dma_wait3A = arith.constant 0 : i32
      %dma_wait3A_41 = tpu.memref_slice %arg12[%add3A_10, %dma_wait3A] : memref<10240x128xf32, #tpu.memory_space<vmem_shared>> -> memref<128x128xf32, #tpu.memory_space<vmem_shared>>
      %dma_wait3A_42 = arith.constant 0 : i32
      %dma_wait3A_43 = tpu.memref_slice %arg12[%add3A_10, %dma_wait3A_42] : memref<10240x128xf32, #tpu.memory_space<vmem_shared>> -> memref<128x128xf32, #tpu.memory_space<vmem_shared>>
      tpu.wait_dma2 semaphore(%run_scoped3A : memref<!tpu.dma_semaphore, #tpu.memory_space<semaphore_mem>>) src(%arg10 : memref<128x128xf32, #tpu.memory_space<vmem>>) dst(%dma_wait3A_43 : memref<128x128xf32, #tpu.memory_space<vmem_shared>>)
      tpu.yield
    }) : () -> ()
    %mul3A_11 = arith.constant 640 : i32
    %mul3A_12 = arith.muli %arg1, %mul3A_11 : i32
    %add3A_13 = arith.constant 128 : i32
    %add3A_14 = arith.addi %mul3A_12, %add3A_13 : i32
    "tpu.region"() ({
      %run_scoped3A = tpu.sem_alloc : memref<!tpu.dma_semaphore, #tpu.memory_space<semaphore_mem>>
      %dma_start3A = arith.constant 0 : i32
      %dma_start3A_38 = tpu.memref_slice %arg12[%add3A_14, %dma_start3A] : memref<10240x128xf32, #tpu.memory_space<vmem_shared>> -> memref<128x128xf32, #tpu.memory_space<vmem_shared>>
      %dma_start3A_39 = arith.constant 0 : i32
      %dma_start3A_40 = tpu.memref_slice %arg12[%add3A_14, %dma_start3A_39] : memref<10240x128xf32, #tpu.memory_space<vmem_shared>> -> memref<128x128xf32, #tpu.memory_space<vmem_shared>>
      tpu.enqueue_dma source(%arg10 : memref<128x128xf32, #tpu.memory_space<vmem>>) target(%dma_start3A_40 : memref<128x128xf32, #tpu.memory_space<vmem_shared>>) target_semaphore(%run_scoped3A : memref<!tpu.dma_semaphore, #tpu.memory_space<semaphore_mem>>)
      %dma_wait3A = arith.constant 0 : i32
      %dma_wait3A_41 = tpu.memref_slice %arg12[%add3A_14, %dma_wait3A] : memref<10240x128xf32, #tpu.memory_space<vmem_shared>> -> memref<128x128xf32, #tpu.memory_space<vmem_shared>>
      %dma_wait3A_42 = arith.constant 0 : i32
      %dma_wait3A_43 = tpu.memref_slice %arg12[%add3A_14, %dma_wait3A_42] : memref<10240x128xf32, #tpu.memory_space<vmem_shared>> -> memref<128x128xf32, #tpu.memory_space<vmem_shared>>
      tpu.wait_dma2 semaphore(%run_scoped3A : memref<!tpu.dma_semaphore, #tpu.memory_space<semaphore_mem>>) src(%arg10 : memref<128x128xf32, #tpu.memory_space<vmem>>) dst(%dma_wait3A_43 : memref<128x128xf32, #tpu.memory_space<vmem_shared>>)
      tpu.yield
    }) : () -> ()
    %mul3A_15 = arith.constant 640 : i32
    %mul3A_16 = arith.muli %arg1, %mul3A_15 : i32
    %add3A_17 = arith.constant 256 : i32
    %add3A_18 = arith.addi %mul3A_16, %add3A_17 : i32
    "tpu.region"() ({
      %run_scoped3A = tpu.sem_alloc : memref<!tpu.dma_semaphore, #tpu.memory_space<semaphore_mem>>
      %dma_start3A = arith.constant 0 : i32
      %dma_start3A_38 = tpu.memref_slice %arg12[%add3A_18, %dma_start3A] : memref<10240x128xf32, #tpu.memory_space<vmem_shared>> -> memref<128x128xf32, #tpu.memory_space<vmem_shared>>
      %dma_start3A_39 = arith.constant 0 : i32
      %dma_start3A_40 = tpu.memref_slice %arg12[%add3A_18, %dma_start3A_39] : memref<10240x128xf32, #tpu.memory_space<vmem_shared>> -> memref<128x128xf32, #tpu.memory_space<vmem_shared>>
      tpu.enqueue_dma source(%arg10 : memref<128x128xf32, #tpu.memory_space<vmem>>) target(%dma_start3A_40 : memref<128x128xf32, #tpu.memory_space<vmem_shared>>) target_semaphore(%run_scoped3A : memref<!tpu.dma_semaphore, #tpu.memory_space<semaphore_mem>>)
      %dma_wait3A = arith.constant 0 : i32
      %dma_wait3A_41 = tpu.memref_slice %arg12[%add3A_18, %dma_wait3A] : memref<10240x128xf32, #tpu.memory_space<vmem_shared>> -> memref<128x128xf32, #tpu.memory_space<vmem_shared>>
      %dma_wait3A_42 = arith.constant 0 : i32
      %dma_wait3A_43 = tpu.memref_slice %arg12[%add3A_18, %dma_wait3A_42] : memref<10240x128xf32, #tpu.memory_space<vmem_shared>> -> memref<128x128xf32, #tpu.memory_space<vmem_shared>>
      tpu.wait_dma2 semaphore(%run_scoped3A : memref<!tpu.dma_semaphore, #tpu.memory_space<semaphore_mem>>) src(%arg10 : memref<128x128xf32, #tpu.memory_space<vmem>>) dst(%dma_wait3A_43 : memref<128x128xf32, #tpu.memory_space<vmem_shared>>)
      tpu.yield
    }) : () -> ()
    %mul3A_19 = arith.constant 640 : i32
    %mul3A_20 = arith.muli %arg1, %mul3A_19 : i32
    %add3A_21 = arith.constant 384 : i32
    %add3A_22 = arith.addi %mul3A_20, %add3A_21 : i32
    "tpu.region"() ({
      %run_scoped3A = tpu.sem_alloc : memref<!tpu.dma_semaphore, #tpu.memory_space<semaphore_mem>>
      %dma_start3A = arith.constant 0 : i32
      %dma_start3A_38 = tpu.memref_slice %arg12[%add3A_22, %dma_start3A] : memref<10240x128xf32, #tpu.memory_space<vmem_shared>> -> memref<128x128xf32, #tpu.memory_space<vmem_shared>>
      %dma_start3A_39 = arith.constant 0 : i32
      %dma_start3A_40 = tpu.memref_slice %arg12[%add3A_22, %dma_start3A_39] : memref<10240x128xf32, #tpu.memory_space<vmem_shared>> -> memref<128x128xf32, #tpu.memory_space<vmem_shared>>
      tpu.enqueue_dma source(%arg10 : memref<128x128xf32, #tpu.memory_space<vmem>>) target(%dma_start3A_40 : memref<128x128xf32, #tpu.memory_space<vmem_shared>>) target_semaphore(%run_scoped3A : memref<!tpu.dma_semaphore, #tpu.memory_space<semaphore_mem>>)
      %dma_wait3A = arith.constant 0 : i32
      %dma_wait3A_41 = tpu.memref_slice %arg12[%add3A_22, %dma_wait3A] : memref<10240x128xf32, #tpu.memory_space<vmem_shared>> -> memref<128x128xf32, #tpu.memory_space<vmem_shared>>
      %dma_wait3A_42 = arith.constant 0 : i32
      %dma_wait3A_43 = tpu.memref_slice %arg12[%add3A_22, %dma_wait3A_42] : memref<10240x128xf32, #tpu.memory_space<vmem_shared>> -> memref<128x128xf32, #tpu.memory_space<vmem_shared>>
      tpu.wait_dma2 semaphore(%run_scoped3A : memref<!tpu.dma_semaphore, #tpu.memory_space<semaphore_mem>>) src(%arg10 : memref<128x128xf32, #tpu.memory_space<vmem>>) dst(%dma_wait3A_43 : memref<128x128xf32, #tpu.memory_space<vmem_shared>>)
      tpu.yield
    }) : () -> ()
    %mul3A_23 = arith.constant 640 : i32
    %mul3A_24 = arith.muli %arg1, %mul3A_23 : i32
    %add3A_25 = arith.constant 512 : i32
    %add3A_26 = arith.addi %mul3A_24, %add3A_25 : i32
    "tpu.region"() ({
      %run_scoped3A = tpu.sem_alloc : memref<!tpu.dma_semaphore, #tpu.memory_space<semaphore_mem>>
      %dma_start3A = arith.constant 0 : i32
      %dma_start3A_38 = tpu.memref_slice %arg12[%add3A_26, %dma_start3A] : memref<10240x128xf32, #tpu.memory_space<vmem_shared>> -> memref<128x128xf32, #tpu.memory_space<vmem_shared>>
      %dma_start3A_39 = arith.constant 0 : i32
      %dma_start3A_40 = tpu.memref_slice %arg12[%add3A_26, %dma_start3A_39] : memref<10240x128xf32, #tpu.memory_space<vmem_shared>> -> memref<128x128xf32, #tpu.memory_space<vmem_shared>>
      tpu.enqueue_dma source(%arg10 : memref<128x128xf32, #tpu.memory_space<vmem>>) target(%dma_start3A_40 : memref<128x128xf32, #tpu.memory_space<vmem_shared>>) target_semaphore(%run_scoped3A : memref<!tpu.dma_semaphore, #tpu.memory_space<semaphore_mem>>)
      %dma_wait3A = arith.constant 0 : i32
      %dma_wait3A_41 = tpu.memref_slice %arg12[%add3A_26, %dma_wait3A] : memref<10240x128xf32, #tpu.memory_space<vmem_shared>> -> memref<128x128xf32, #tpu.memory_space<vmem_shared>>
      %dma_wait3A_42 = arith.constant 0 : i32
      %dma_wait3A_43 = tpu.memref_slice %arg12[%add3A_26, %dma_wait3A_42] : memref<10240x128xf32, #tpu.memory_space<vmem_shared>> -> memref<128x128xf32, #tpu.memory_space<vmem_shared>>
      tpu.wait_dma2 semaphore(%run_scoped3A : memref<!tpu.dma_semaphore, #tpu.memory_space<semaphore_mem>>) src(%arg10 : memref<128x128xf32, #tpu.memory_space<vmem>>) dst(%dma_wait3A_43 : memref<128x128xf32, #tpu.memory_space<vmem_shared>>)
      tpu.yield
    }) : () -> ()
    %barrier3A = arith.constant 0 : index
    tpu.barrier barrier_id(%barrier3A)
    %scan3A_27 = arith.constant 0 : i32
    %scan3A_28 = arith.constant 0 : i32
    %scan3A_29 = arith.constant 10 : i32
    %scan3A_30 = arith.addi %scan3A_28, %scan3A_29 : i32
    %scan3A_31 = arith.constant 1 : i32
    scf.for %scan3A_38 = %scan3A_28 to %scan3A_30 step %scan3A_31  : i32 {
      %mul3A_39 = arith.constant 80 : i32
      %mul3A_40 = arith.muli %add3A, %mul3A_39 : i32
      %mul3A_41 = arith.constant 8 : i32
      %mul3A_42 = arith.muli %scan3A_38, %mul3A_41 : i32
      %add3A_43 = arith.addi %mul3A_40, %mul3A_42 : i32
      "tpu.region"() ({
        %run_scoped3A = tpu.sem_alloc : memref<!tpu.dma_semaphore, #tpu.memory_space<semaphore_mem>>
        %dma_start3A = arith.constant 0 : i32
        %dma_start3A_50 = tpu.memref_slice %arg4[%add3A_43, %dma_start3A] : memref<2560x128xi32, #tpu.memory_space<hbm>> -> memref<8x128xi32, #tpu.memory_space<hbm>>
        %dma_start3A_51 = arith.constant 0 : i32
        %dma_start3A_52 = tpu.memref_slice %arg4[%add3A_43, %dma_start3A_51] : memref<2560x128xi32, #tpu.memory_space<hbm>> -> memref<8x128xi32, #tpu.memory_space<hbm>>
        tpu.enqueue_dma source(%dma_start3A_52 : memref<8x128xi32, #tpu.memory_space<hbm>>) target(%arg7 : memref<8x128xi32, #tpu.memory_space<vmem>>) target_semaphore(%run_scoped3A : memref<!tpu.dma_semaphore, #tpu.memory_space<semaphore_mem>>)
        %dma_wait3A = arith.constant 0 : i32
        %dma_wait3A_53 = tpu.memref_slice %arg4[%add3A_43, %dma_wait3A] : memref<2560x128xi32, #tpu.memory_space<hbm>> -> memref<8x128xi32, #tpu.memory_space<hbm>>
        %dma_wait3A_54 = arith.constant 0 : i32
        %dma_wait3A_55 = tpu.memref_slice %arg4[%add3A_43, %dma_wait3A_54] : memref<2560x128xi32, #tpu.memory_space<hbm>> -> memref<8x128xi32, #tpu.memory_space<hbm>>
        tpu.wait_dma2 semaphore(%run_scoped3A : memref<!tpu.dma_semaphore, #tpu.memory_space<semaphore_mem>>) src(%dma_wait3A_55 : memref<8x128xi32, #tpu.memory_space<hbm>>) dst(%arg7 : memref<8x128xi32, #tpu.memory_space<vmem>>)
        tpu.yield
      }) : () -> ()
      "tpu.region"() ({
        %run_scoped3A = tpu.sem_alloc : memref<!tpu.dma_semaphore, #tpu.memory_space<semaphore_mem>>
        %dma_start3A = arith.constant 0 : i32
        %dma_start3A_50 = tpu.memref_slice %arg5[%add3A_43, %dma_start3A] : memref<2560x128xi32, #tpu.memory_space<hbm>> -> memref<8x128xi32, #tpu.memory_space<hbm>>
        %dma_start3A_51 = arith.constant 0 : i32
        %dma_start3A_52 = tpu.memref_slice %arg5[%add3A_43, %dma_start3A_51] : memref<2560x128xi32, #tpu.memory_space<hbm>> -> memref<8x128xi32, #tpu.memory_space<hbm>>
        tpu.enqueue_dma source(%dma_start3A_52 : memref<8x128xi32, #tpu.memory_space<hbm>>) target(%arg8 : memref<8x128xi32, #tpu.memory_space<vmem>>) target_semaphore(%run_scoped3A : memref<!tpu.dma_semaphore, #tpu.memory_space<semaphore_mem>>)
        %dma_wait3A = arith.constant 0 : i32
        %dma_wait3A_53 = tpu.memref_slice %arg5[%add3A_43, %dma_wait3A] : memref<2560x128xi32, #tpu.memory_space<hbm>> -> memref<8x128xi32, #tpu.memory_space<hbm>>
        %dma_wait3A_54 = arith.constant 0 : i32
        %dma_wait3A_55 = tpu.memref_slice %arg5[%add3A_43, %dma_wait3A_54] : memref<2560x128xi32, #tpu.memory_space<hbm>> -> memref<8x128xi32, #tpu.memory_space<hbm>>
        tpu.wait_dma2 semaphore(%run_scoped3A : memref<!tpu.dma_semaphore, #tpu.memory_space<semaphore_mem>>) src(%dma_wait3A_55 : memref<8x128xi32, #tpu.memory_space<hbm>>) dst(%arg8 : memref<8x128xi32, #tpu.memory_space<vmem>>)
        tpu.yield
      }) : () -> ()
      %scan3A_44 = arith.constant 0 : i32
      %scan3A_45 = arith.constant 0 : i32
      %scan3A_46 = arith.constant 8 : i32
      %scan3A_47 = arith.addi %scan3A_45, %scan3A_46 : i32
      %scan3A_48 = arith.constant 1 : i32
      scf.for %scan3A_50 = %scan3A_45 to %scan3A_47 step %scan3A_48  : i32 {
        %dma_start3A = arith.constant 0 : i32
        %dma_start3A_51 = tpu.memref_slice %arg7[%scan3A_50, %dma_start3A] : memref<8x128xi32, #tpu.memory_space<vmem>> -> memref<1x128xi32, #tpu.memory_space<vmem>>
        %dma_start3A_52 = tpu.memref_squeeze %dma_start3A_51 : memref<1x128xi32, #tpu.memory_space<vmem>> -> memref<128xi32, #tpu.memory_space<vmem>>
        %dma_start3A_53 = arith.constant 0 : i32
        %dma_start3A_54 = arith.constant 0 : i32
        %dma_start3A_55 = tpu.memref_slice %arg2[%dma_start3A_53, %dma_start3A_54] : memref<10000x128xf32, #tpu.memory_space<hbm>> -> memref<10000x128xf32, #tpu.memory_space<hbm>>
        tpu.enqueue_indirect_dma source(%dma_start3A_55 : memref<10000x128xf32, #tpu.memory_space<hbm>>) target(%arg9 : memref<128x128xf32, #tpu.memory_space<vmem>>) offsets(%dma_start3A_52 : memref<128xi32, #tpu.memory_space<vmem>>) semaphore(%arg11 : memref<!tpu.dma_semaphore, #tpu.memory_space<semaphore_mem>>)
        %dma_wait3A = arith.constant 0 : i32
        %dma_wait3A_56 = tpu.memref_slice %arg7[%scan3A_50, %dma_wait3A] : memref<8x128xi32, #tpu.memory_space<vmem>> -> memref<1x128xi32, #tpu.memory_space<vmem>>
        %dma_wait3A_57 = tpu.memref_squeeze %dma_wait3A_56 : memref<1x128xi32, #tpu.memory_space<vmem>> -> memref<128xi32, #tpu.memory_space<vmem>>
        %dma_wait3A_58 = arith.constant 0 : i32
        %dma_wait3A_59 = arith.constant 0 : i32
        %dma_wait3A_60 = tpu.memref_slice %arg2[%dma_wait3A_58, %dma_wait3A_59] : memref<10000x128xf32, #tpu.memory_space<hbm>> -> memref<10000x128xf32, #tpu.memory_space<hbm>>
        tpu.wait_indirect_dma semaphore(%arg11 : memref<!tpu.dma_semaphore, #tpu.memory_space<semaphore_mem>>) src(%dma_wait3A_60 : memref<10000x128xf32, #tpu.memory_space<hbm>>) dst(%arg9 : memref<128x128xf32, #tpu.memory_space<vmem>>)
        %add3A_61 = arith.addi %add3A_43, %scan3A_50 : i32
        %mul3A_62 = arith.constant 128 : i32
        %mul3A_63 = arith.muli %add3A_61, %mul3A_62 : i32
        "tpu.region"() ({
          %run_scoped3A = tpu.sem_alloc : memref<!tpu.dma_semaphore, #tpu.memory_space<semaphore_mem>>
          %dma_start3A_70 = arith.constant 0 : i32
          %dma_start3A_71 = tpu.memref_slice %arg3[%mul3A_63, %dma_start3A_70] : memref<327680x128xf32, #tpu.memory_space<hbm>> -> memref<128x128xf32, #tpu.memory_space<hbm>>
          %dma_start3A_72 = arith.constant 0 : i32
          %dma_start3A_73 = tpu.memref_slice %arg3[%mul3A_63, %dma_start3A_72] : memref<327680x128xf32, #tpu.memory_space<hbm>> -> memref<128x128xf32, #tpu.memory_space<hbm>>
          tpu.enqueue_dma source(%dma_start3A_73 : memref<128x128xf32, #tpu.memory_space<hbm>>) target(%arg10 : memref<128x128xf32, #tpu.memory_space<vmem>>) target_semaphore(%run_scoped3A : memref<!tpu.dma_semaphore, #tpu.memory_space<semaphore_mem>>)
          %dma_wait3A_74 = arith.constant 0 : i32
          %dma_wait3A_75 = tpu.memref_slice %arg3[%mul3A_63, %dma_wait3A_74] : memref<327680x128xf32, #tpu.memory_space<hbm>> -> memref<128x128xf32, #tpu.memory_space<hbm>>
          %dma_wait3A_76 = arith.constant 0 : i32
          %dma_wait3A_77 = tpu.memref_slice %arg3[%mul3A_63, %dma_wait3A_76] : memref<327680x128xf32, #tpu.memory_space<hbm>> -> memref<128x128xf32, #tpu.memory_space<hbm>>
          tpu.wait_dma2 semaphore(%run_scoped3A : memref<!tpu.dma_semaphore, #tpu.memory_space<semaphore_mem>>) src(%dma_wait3A_77 : memref<128x128xf32, #tpu.memory_space<hbm>>) dst(%arg10 : memref<128x128xf32, #tpu.memory_space<vmem>>)
          tpu.yield
        }) : () -> ()
        %scan3A_64 = arith.constant 0 : i32
        %scan3A_65 = arith.constant 0 : i32
        %scan3A_66 = arith.constant 128 : i32
        %scan3A_67 = arith.addi %scan3A_65, %scan3A_66 : i32
        %scan3A_68 = arith.constant 1 : i32
        scf.for %scan3A_70 = %scan3A_65 to %scan3A_67 step %scan3A_68  : i32 {
          %get3A = arith.index_cast %scan3A_70 : i32 to index
          %get3A_71 = arith.constant 0 : index
          %get3A_72 = tpu.vector_load %arg9[%get3A, %get3A_71] {strides = array<i32>} : memref<128x128xf32, #tpu.memory_space<vmem>>, vector<1x16xf32>,
          %get3A_73 = vector.shape_cast %get3A_72 : vector<1x16xf32> to vector<16xf32>
          %get3A_74 = arith.index_cast %scan3A_70 : i32 to index
          %get3A_75 = arith.constant 0 : index
          %get3A_76 = tpu.vector_load %arg10[%get3A_74, %get3A_75] {strides = array<i32>} : memref<128x128xf32, #tpu.memory_space<vmem>>, vector<1x16xf32>,
          %get3A_77 = vector.shape_cast %get3A_76 : vector<1x16xf32> to vector<16xf32>
          %add3A_78 = arith.addf %get3A_73, %get3A_77 : vector<16xf32>
          %max3A = arith.constant 0.000000e+00 : f32
          %max3A_79 = vector.broadcast %max3A : f32 to vector<16xf32>
          %max3A_80 = arith.maximumf %add3A_78, %max3A_79 : vector<16xf32>
          %swap3A = arith.index_cast %scan3A_70 : i32 to index
          %swap3A_81 = arith.constant 0 : index
          %swap3A_82 = tpu.vector_load %arg10[%swap3A, %swap3A_81] {strides = array<i32>} : memref<128x128xf32, #tpu.memory_space<vmem>>, vector<1x16xf32>,
          %swap3A_83 = vector.shape_cast %swap3A_82 : vector<1x16xf32> to vector<16xf32>
          %swap3A_84 = vector.shape_cast %max3A_80 : vector<16xf32> to vector<1x16xf32>
          tpu.vector_store %arg10[%swap3A, %swap3A_81], %swap3A_84 {strides = array<i32>} : memref<128x128xf32, #tpu.memory_space<vmem>>, vector<1x16xf32>,
          %get3A_85 = arith.index_cast %scan3A_70 : i32 to index
          %get3A_86 = arith.constant 16 : index
          %get3A_87 = tpu.vector_load %arg9[%get3A_85, %get3A_86] {strides = array<i32>} : memref<128x128xf32, #tpu.memory_space<vmem>>, vector<1x16xf32>,
          %get3A_88 = vector.shape_cast %get3A_87 : vector<1x16xf32> to vector<16xf32>
          %get3A_89 = arith.index_cast %scan3A_70 : i32 to index
          %get3A_90 = arith.constant 16 : index
          %get3A_91 = tpu.vector_load %arg10[%get3A_89, %get3A_90] {strides = array<i32>} : memref<128x128xf32, #tpu.memory_space<vmem>>, vector<1x16xf32>,
          %get3A_92 = vector.shape_cast %get3A_91 : vector<1x16xf32> to vector<16xf32>
          %add3A_93 = arith.addf %get3A_88, %get3A_92 : vector<16xf32>
          %max3A_94 = arith.constant 0.000000e+00 : f32
          %max3A_95 = vector.broadcast %max3A_94 : f32 to vector<16xf32>
          %max3A_96 = arith.maximumf %add3A_93, %max3A_95 : vector<16xf32>
          %swap3A_97 = arith.index_cast %scan3A_70 : i32 to index
          %swap3A_98 = arith.constant 16 : index
          %swap3A_99 = tpu.vector_load %arg10[%swap3A_97, %swap3A_98] {strides = array<i32>} : memref<128x128xf32, #tpu.memory_space<vmem>>, vector<1x16xf32>,
          %swap3A_100 = vector.shape_cast %swap3A_99 : vector<1x16xf32> to vector<16xf32>
          %swap3A_101 = vector.shape_cast %max3A_96 : vector<16xf32> to vector<1x16xf32>
          tpu.vector_store %arg10[%swap3A_97, %swap3A_98], %swap3A_101 {strides = array<i32>} : memref<128x128xf32, #tpu.memory_space<vmem>>, vector<1x16xf32>,
          %get3A_102 = arith.index_cast %scan3A_70 : i32 to index
          %get3A_103 = arith.constant 32 : index
          %get3A_104 = tpu.vector_load %arg9[%get3A_102, %get3A_103] {strides = array<i32>} : memref<128x128xf32, #tpu.memory_space<vmem>>, vector<1x16xf32>,
          %get3A_105 = vector.shape_cast %get3A_104 : vector<1x16xf32> to vector<16xf32>
          %get3A_106 = arith.index_cast %scan3A_70 : i32 to index
          %get3A_107 = arith.constant 32 : index
          %get3A_108 = tpu.vector_load %arg10[%get3A_106, %get3A_107] {strides = array<i32>} : memref<128x128xf32, #tpu.memory_space<vmem>>, vector<1x16xf32>,
          %get3A_109 = vector.shape_cast %get3A_108 : vector<1x16xf32> to vector<16xf32>
          %add3A_110 = arith.addf %get3A_105, %get3A_109 : vector<16xf32>
          %max3A_111 = arith.constant 0.000000e+00 : f32
          %max3A_112 = vector.broadcast %max3A_111 : f32 to vector<16xf32>
          %max3A_113 = arith.maximumf %add3A_110, %max3A_112 : vector<16xf32>
          %swap3A_114 = arith.index_cast %scan3A_70 : i32 to index
          %swap3A_115 = arith.constant 32 : index
          %swap3A_116 = tpu.vector_load %arg10[%swap3A_114, %swap3A_115] {strides = array<i32>} : memref<128x128xf32, #tpu.memory_space<vmem>>, vector<1x16xf32>,
          %swap3A_117 = vector.shape_cast %swap3A_116 : vector<1x16xf32> to vector<16xf32>
          %swap3A_118 = vector.shape_cast %max3A_113 : vector<16xf32> to vector<1x16xf32>
          tpu.vector_store %arg10[%swap3A_114, %swap3A_115], %swap3A_118 {strides = array<i32>} : memref<128x128xf32, #tpu.memory_space<vmem>>, vector<1x16xf32>,
          %get3A_119 = arith.index_cast %scan3A_70 : i32 to index
          %get3A_120 = arith.constant 48 : index
          %get3A_121 = tpu.vector_load %arg9[%get3A_119, %get3A_120] {strides = array<i32>} : memref<128x128xf32, #tpu.memory_space<vmem>>, vector<1x16xf32>,
          %get3A_122 = vector.shape_cast %get3A_121 : vector<1x16xf32> to vector<16xf32>
          %get3A_123 = arith.index_cast %scan3A_70 : i32 to index
          %get3A_124 = arith.constant 48 : index
          %get3A_125 = tpu.vector_load %arg10[%get3A_123, %get3A_124] {strides = array<i32>} : memref<128x128xf32, #tpu.memory_space<vmem>>, vector<1x16xf32>,
          %get3A_126 = vector.shape_cast %get3A_125 : vector<1x16xf32> to vector<16xf32>
          %add3A_127 = arith.addf %get3A_122, %get3A_126 : vector<16xf32>
          %max3A_128 = arith.constant 0.000000e+00 : f32
          %max3A_129 = vector.broadcast %max3A_128 : f32 to vector<16xf32>
          %max3A_130 = arith.maximumf %add3A_127, %max3A_129 : vector<16xf32>
          %swap3A_131 = arith.index_cast %scan3A_70 : i32 to index
          %swap3A_132 = arith.constant 48 : index
          %swap3A_133 = tpu.vector_load %arg10[%swap3A_131, %swap3A_132] {strides = array<i32>} : memref<128x128xf32, #tpu.memory_space<vmem>>, vector<1x16xf32>,
          %swap3A_134 = vector.shape_cast %swap3A_133 : vector<1x16xf32> to vector<16xf32>
          %swap3A_135 = vector.shape_cast %max3A_130 : vector<16xf32> to vector<1x16xf32>
          tpu.vector_store %arg10[%swap3A_131, %swap3A_132], %swap3A_135 {strides = array<i32>} : memref<128x128xf32, #tpu.memory_space<vmem>>, vector<1x16xf32>,
          %get3A_136 = arith.index_cast %scan3A_70 : i32 to index
          %get3A_137 = arith.constant 64 : index
          %get3A_138 = tpu.vector_load %arg9[%get3A_136, %get3A_137] {strides = array<i32>} : memref<128x128xf32, #tpu.memory_space<vmem>>, vector<1x16xf32>,
          %get3A_139 = vector.shape_cast %get3A_138 : vector<1x16xf32> to vector<16xf32>
          %get3A_140 = arith.index_cast %scan3A_70 : i32 to index
          %get3A_141 = arith.constant 64 : index
          %get3A_142 = tpu.vector_load %arg10[%get3A_140, %get3A_141] {strides = array<i32>} : memref<128x128xf32, #tpu.memory_space<vmem>>, vector<1x16xf32>,
          %get3A_143 = vector.shape_cast %get3A_142 : vector<1x16xf32> to vector<16xf32>
          %add3A_144 = arith.addf %get3A_139, %get3A_143 : vector<16xf32>
          %max3A_145 = arith.constant 0.000000e+00 : f32
          %max3A_146 = vector.broadcast %max3A_145 : f32 to vector<16xf32>
          %max3A_147 = arith.maximumf %add3A_144, %max3A_146 : vector<16xf32>
          %swap3A_148 = arith.index_cast %scan3A_70 : i32 to index
          %swap3A_149 = arith.constant 64 : index
          %swap3A_150 = tpu.vector_load %arg10[%swap3A_148, %swap3A_149] {strides = array<i32>} : memref<128x128xf32, #tpu.memory_space<vmem>>, vector<1x16xf32>,
          %swap3A_151 = vector.shape_cast %swap3A_150 : vector<1x16xf32> to vector<16xf32>
          %swap3A_152 = vector.shape_cast %max3A_147 : vector<16xf32> to vector<1x16xf32>
          tpu.vector_store %arg10[%swap3A_148, %swap3A_149], %swap3A_152 {strides = array<i32>} : memref<128x128xf32, #tpu.memory_space<vmem>>, vector<1x16xf32>,
          %get3A_153 = arith.index_cast %scan3A_70 : i32 to index
          %get3A_154 = arith.constant 80 : index
          %get3A_155 = tpu.vector_load %arg9[%get3A_153, %get3A_154] {strides = array<i32>} : memref<128x128xf32, #tpu.memory_space<vmem>>, vector<1x16xf32>,
          %get3A_156 = vector.shape_cast %get3A_155 : vector<1x16xf32> to vector<16xf32>
          %get3A_157 = arith.index_cast %scan3A_70 : i32 to index
          %get3A_158 = arith.constant 80 : index
          %get3A_159 = tpu.vector_load %arg10[%get3A_157, %get3A_158] {strides = array<i32>} : memref<128x128xf32, #tpu.memory_space<vmem>>, vector<1x16xf32>,
          %get3A_160 = vector.shape_cast %get3A_159 : vector<1x16xf32> to vector<16xf32>
          %add3A_161 = arith.addf %get3A_156, %get3A_160 : vector<16xf32>
          %max3A_162 = arith.constant 0.000000e+00 : f32
          %max3A_163 = vector.broadcast %max3A_162 : f32 to vector<16xf32>
          %max3A_164 = arith.maximumf %add3A_161, %max3A_163 : vector<16xf32>
          %swap3A_165 = arith.index_cast %scan3A_70 : i32 to index
          %swap3A_166 = arith.constant 80 : index
          %swap3A_167 = tpu.vector_load %arg10[%swap3A_165, %swap3A_166] {strides = array<i32>} : memref<128x128xf32, #tpu.memory_space<vmem>>, vector<1x16xf32>,
          %swap3A_168 = vector.shape_cast %swap3A_167 : vector<1x16xf32> to vector<16xf32>
          %swap3A_169 = vector.shape_cast %max3A_164 : vector<16xf32> to vector<1x16xf32>
          tpu.vector_store %arg10[%swap3A_165, %swap3A_166], %swap3A_169 {strides = array<i32>} : memref<128x128xf32, #tpu.memory_space<vmem>>, vector<1x16xf32>,
          %get3A_170 = arith.index_cast %scan3A_70 : i32 to index
          %get3A_171 = arith.constant 96 : index
          %get3A_172 = tpu.vector_load %arg9[%get3A_170, %get3A_171] {strides = array<i32>} : memref<128x128xf32, #tpu.memory_space<vmem>>, vector<1x16xf32>,
          %get3A_173 = vector.shape_cast %get3A_172 : vector<1x16xf32> to vector<16xf32>
          %get3A_174 = arith.index_cast %scan3A_70 : i32 to index
          %get3A_175 = arith.constant 96 : index
          %get3A_176 = tpu.vector_load %arg10[%get3A_174, %get3A_175] {strides = array<i32>} : memref<128x128xf32, #tpu.memory_space<vmem>>, vector<1x16xf32>,
          %get3A_177 = vector.shape_cast %get3A_176 : vector<1x16xf32> to vector<16xf32>
          %add3A_178 = arith.addf %get3A_173, %get3A_177 : vector<16xf32>
          %max3A_179 = arith.constant 0.000000e+00 : f32
          %max3A_180 = vector.broadcast %max3A_179 : f32 to vector<16xf32>
          %max3A_181 = arith.maximumf %add3A_178, %max3A_180 : vector<16xf32>
          %swap3A_182 = arith.index_cast %scan3A_70 : i32 to index
          %swap3A_183 = arith.constant 96 : index
          %swap3A_184 = tpu.vector_load %arg10[%swap3A_182, %swap3A_183] {strides = array<i32>} : memref<128x128xf32, #tpu.memory_space<vmem>>, vector<1x16xf32>,
          %swap3A_185 = vector.shape_cast %swap3A_184 : vector<1x16xf32> to vector<16xf32>
          %swap3A_186 = vector.shape_cast %max3A_181 : vector<16xf32> to vector<1x16xf32>
          tpu.vector_store %arg10[%swap3A_182, %swap3A_183], %swap3A_186 {strides = array<i32>} : memref<128x128xf32, #tpu.memory_space<vmem>>, vector<1x16xf32>,
          %get3A_187 = arith.index_cast %scan3A_70 : i32 to index
          %get3A_188 = arith.constant 112 : index
          %get3A_189 = tpu.vector_load %arg9[%get3A_187, %get3A_188] {strides = array<i32>} : memref<128x128xf32, #tpu.memory_space<vmem>>, vector<1x16xf32>,
          %get3A_190 = vector.shape_cast %get3A_189 : vector<1x16xf32> to vector<16xf32>
          %get3A_191 = arith.index_cast %scan3A_70 : i32 to index
          %get3A_192 = arith.constant 112 : index
          %get3A_193 = tpu.vector_load %arg10[%get3A_191, %get3A_192] {strides = array<i32>} : memref<128x128xf32, #tpu.memory_space<vmem>>, vector<1x16xf32>,
          %get3A_194 = vector.shape_cast %get3A_193 : vector<1x16xf32> to vector<16xf32>
          %add3A_195 = arith.addf %get3A_190, %get3A_194 : vector<16xf32>
          %max3A_196 = arith.constant 0.000000e+00 : f32
          %max3A_197 = vector.broadcast %max3A_196 : f32 to vector<16xf32>
          %max3A_198 = arith.maximumf %add3A_195, %max3A_197 : vector<16xf32>
          %swap3A_199 = arith.index_cast %scan3A_70 : i32 to index
          %swap3A_200 = arith.constant 112 : index
          %swap3A_201 = tpu.vector_load %arg10[%swap3A_199, %swap3A_200] {strides = array<i32>} : memref<128x128xf32, #tpu.memory_space<vmem>>, vector<1x16xf32>,
          %swap3A_202 = vector.shape_cast %swap3A_201 : vector<1x16xf32> to vector<16xf32>
          %swap3A_203 = vector.shape_cast %max3A_198 : vector<16xf32> to vector<1x16xf32>
          tpu.vector_store %arg10[%swap3A_199, %swap3A_200], %swap3A_203 {strides = array<i32>} : memref<128x128xf32, #tpu.memory_space<vmem>>, vector<1x16xf32>,
        }
        %scan3A_69 = arith.constant 128 : i32
        "tpu.region"() ({
          %run_scoped3A = tpu.sem_alloc : memref<!tpu.dma_semaphore, #tpu.memory_space<semaphore_mem>>
          %dma_start3A_70 = arith.constant 0 : i32
          %dma_start3A_71 = tpu.memref_slice %arg8[%scan3A_50, %dma_start3A_70] : memref<8x128xi32, #tpu.memory_space<vmem>> -> memref<1x128xi32, #tpu.memory_space<vmem>>
          %dma_start3A_72 = tpu.memref_squeeze %dma_start3A_71 : memref<1x128xi32, #tpu.memory_space<vmem>> -> memref<128xi32, #tpu.memory_space<vmem>>
          %dma_start3A_73 = arith.constant 0 : i32
          %dma_start3A_74 = arith.constant 0 : i32
          %dma_start3A_75 = tpu.memref_slice %arg12[%dma_start3A_73, %dma_start3A_74] : memref<10240x128xf32, #tpu.memory_space<vmem_shared>> -> memref<10240x128xf32, #tpu.memory_space<vmem_shared>>
          tpu.enqueue_indirect_dma source(%arg10 : memref<128x128xf32, #tpu.memory_space<vmem>>) target(%dma_start3A_75 : memref<10240x128xf32, #tpu.memory_space<vmem_shared>>) offsets(%dma_start3A_72 : memref<128xi32, #tpu.memory_space<vmem>>) semaphore(%run_scoped3A : memref<!tpu.dma_semaphore, #tpu.memory_space<semaphore_mem>>) {add = true}
          %dma_wait3A_76 = arith.constant 0 : i32
          %dma_wait3A_77 = tpu.memref_slice %arg8[%scan3A_50, %dma_wait3A_76] : memref<8x128xi32, #tpu.memory_space<vmem>> -> memref<1x128xi32, #tpu.memory_space<vmem>>
          %dma_wait3A_78 = tpu.memref_squeeze %dma_wait3A_77 : memref<1x128xi32, #tpu.memory_space<vmem>> -> memref<128xi32, #tpu.memory_space<vmem>>
          %dma_wait3A_79 = arith.constant 0 : i32
          %dma_wait3A_80 = arith.constant 0 : i32
          %dma_wait3A_81 = tpu.memref_slice %arg12[%dma_wait3A_79, %dma_wait3A_80] : memref<10240x128xf32, #tpu.memory_space<vmem_shared>> -> memref<10240x128xf32, #tpu.memory_space<vmem_shared>>
          tpu.wait_indirect_dma semaphore(%run_scoped3A : memref<!tpu.dma_semaphore, #tpu.memory_space<semaphore_mem>>) src(%arg10 : memref<128x128xf32, #tpu.memory_space<vmem>>) dst(%dma_wait3A_81 : memref<10240x128xf32, #tpu.memory_space<vmem_shared>>)
          tpu.yield
        }) : () -> ()
      }
      %scan3A_49 = arith.constant 8 : i32
    }
    %scan3A_32 = arith.constant 10 : i32
    %barrier3A_33 = arith.constant 0 : index
    tpu.barrier barrier_id(%barrier3A_33)
    %mul3A_34 = arith.constant 640 : i32
    %mul3A_35 = arith.muli %arg1, %mul3A_34 : i32
    %mul3A_36 = arith.constant 640 : i32
    %mul3A_37 = arith.muli %arg1, %mul3A_36 : i32
    "tpu.region"() ({
      %run_scoped3A = tpu.sem_alloc : memref<!tpu.dma_semaphore, #tpu.memory_space<semaphore_mem>>
      %dma_start3A = arith.constant 0 : i32
      %dma_start3A_38 = tpu.memref_slice %arg6[%arg0, %mul3A_37, %dma_start3A] : memref<2x10240x128xf32, #tpu.memory_space<hbm>> -> memref<1x640x128xf32, #tpu.memory_space<hbm>>
      %dma_start3A_39 = tpu.memref_squeeze %dma_start3A_38 : memref<1x640x128xf32, #tpu.memory_space<hbm>> -> memref<640x128xf32, #tpu.memory_space<hbm>>
      %dma_start3A_40 = arith.constant 0 : i32
      %dma_start3A_41 = tpu.memref_slice %arg12[%mul3A_35, %dma_start3A_40] : memref<10240x128xf32, #tpu.memory_space<vmem_shared>> -> memref<640x128xf32, #tpu.memory_space<vmem_shared>>
      tpu.enqueue_dma source(%dma_start3A_41 : memref<640x128xf32, #tpu.memory_space<vmem_shared>>) target(%dma_start3A_39 : memref<640x128xf32, #tpu.memory_space<hbm>>) target_semaphore(%run_scoped3A : memref<!tpu.dma_semaphore, #tpu.memory_space<semaphore_mem>>)
      %dma_wait3A = arith.constant 0 : i32
      %dma_wait3A_42 = tpu.memref_slice %arg6[%arg0, %mul3A_37, %dma_wait3A] : memref<2x10240x128xf32, #tpu.memory_space<hbm>> -> memref<1x640x128xf32, #tpu.memory_space<hbm>>
      %dma_wait3A_43 = tpu.memref_squeeze %dma_wait3A_42 : memref<1x640x128xf32, #tpu.memory_space<hbm>> -> memref<640x128xf32, #tpu.memory_space<hbm>>
      %dma_wait3A_44 = arith.constant 0 : i32
      %dma_wait3A_45 = tpu.memref_slice %arg12[%mul3A_35, %dma_wait3A_44] : memref<10240x128xf32, #tpu.memory_space<vmem_shared>> -> memref<640x128xf32, #tpu.memory_space<vmem_shared>>
      tpu.wait_dma2 semaphore(%run_scoped3A : memref<!tpu.dma_semaphore, #tpu.memory_space<semaphore_mem>>) src(%dma_wait3A_45 : memref<640x128xf32, #tpu.memory_space<vmem_shared>>) dst(%dma_wait3A_43 : memref<640x128xf32, #tpu.memory_space<hbm>>)
      tpu.yield
    }) : () -> ()
    return
  }
}

#map = affine_map<(d0, d1) -> (0, 0)>
#map1 = affine_map<(d0, d1) -> (0, 0, 0)>
module attributes {stable_mosaic.version = 14 : i64} {
  func.func @_edge_body(%arg0: i32, %arg1: i32, %arg2: memref<10000x128xf32, #tpu.memory_space<hbm>>, %arg3: memref<327680x128xf32, #tpu.memory_space<hbm>>, %arg4: memref<2560x128xi32, #tpu.memory_space<hbm>>, %arg5: memref<2560x128xi32, #tpu.memory_space<hbm>>, %arg6: memref<2x10240x128xf32, #tpu.memory_space<hbm>>, %arg7: memref<8x128xi32, #tpu.memory_space<vmem>>, %arg8: memref<8x128xi32, #tpu.memory_space<vmem>>, %arg9: memref<128x128xf32, #tpu.memory_space<vmem>>, %arg10: memref<128x128xf32, #tpu.memory_space<vmem>>, %arg11: memref<!tpu.dma_semaphore, #tpu.memory_space<semaphore_mem>>, %arg12: memref<10240x128xf32, #tpu.memory_space<vmem_shared>>) attributes {dimension_semantics = [#tpu.dimension_semantics<core_parallel>, #tpu.dimension_semantics<subcore_parallel>], iteration_bounds = array<i64: 2, 16>, scalar_prefetch = 0 : i64, scratch_operands = 6 : i64, tpu.core_type = #tpu.core_type<sc_vector_subcore>, window_params = [{transform_indices = #map}, {transform_indices = #map}, {transform_indices = #map}, {transform_indices = #map}, {transform_indices = #map1}]} {
    %mul3A = arith.constant 16 : i32
    %mul3A_0 = arith.muli %arg0, %mul3A : i32
    %add3A = arith.addi %mul3A_0, %arg1 : i32
    %broadcast_in_dim3A = arith.constant 0.000000e+00 : f32
    %broadcast_in_dim3A_1 = vector.broadcast %broadcast_in_dim3A : f32 to vector<16xf32>
    %scan3A = arith.constant 0 : i32
    %scan3A_2 = arith.constant 0 : i32
    %scan3A_3 = arith.constant 128 : i32
    %scan3A_4 = arith.addi %scan3A_2, %scan3A_3 : i32
    %scan3A_5 = arith.constant 1 : i32
    scf.for %scan3A_38 = %scan3A_2 to %scan3A_4 step %scan3A_5  : i32 {
      %swap3A = arith.index_cast %scan3A_38 : i32 to index
      %swap3A_39 = arith.constant 0 : index
      %swap3A_40 = tpu.vector_load %arg10[%swap3A, %swap3A_39] {strides = array<i32>} : memref<128x128xf32, #tpu.memory_space<vmem>>, vector<1x16xf32>,
      %swap3A_41 = vector.shape_cast %swap3A_40 : vector<1x16xf32> to vector<16xf32>
      %swap3A_42 = vector.shape_cast %broadcast_in_dim3A_1 : vector<16xf32> to vector<1x16xf32>
      tpu.vector_store %arg10[%swap3A, %swap3A_39], %swap3A_42 {strides = array<i32>} : memref<128x128xf32, #tpu.memory_space<vmem>>, vector<1x16xf32>,
      %swap3A_43 = arith.index_cast %scan3A_38 : i32 to index
      %swap3A_44 = arith.constant 16 : index
      %swap3A_45 = tpu.vector_load %arg10[%swap3A_43, %swap3A_44] {strides = array<i32>} : memref<128x128xf32, #tpu.memory_space<vmem>>, vector<1x16xf32>,
      %swap3A_46 = vector.shape_cast %swap3A_45 : vector<1x16xf32> to vector<16xf32>
      %swap3A_47 = vector.shape_cast %broadcast_in_dim3A_1 : vector<16xf32> to vector<1x16xf32>
      tpu.vector_store %arg10[%swap3A_43, %swap3A_44], %swap3A_47 {strides = array<i32>} : memref<128x128xf32, #tpu.memory_space<vmem>>, vector<1x16xf32>,
      %swap3A_48 = arith.index_cast %scan3A_38 : i32 to index
      %swap3A_49 = arith.constant 32 : index
      %swap3A_50 = tpu.vector_load %arg10[%swap3A_48, %swap3A_49] {strides = array<i32>} : memref<128x128xf32, #tpu.memory_space<vmem>>, vector<1x16xf32>,
      %swap3A_51 = vector.shape_cast %swap3A_50 : vector<1x16xf32> to vector<16xf32>
      %swap3A_52 = vector.shape_cast %broadcast_in_dim3A_1 : vector<16xf32> to vector<1x16xf32>
      tpu.vector_store %arg10[%swap3A_48, %swap3A_49], %swap3A_52 {strides = array<i32>} : memref<128x128xf32, #tpu.memory_space<vmem>>, vector<1x16xf32>,
      %swap3A_53 = arith.index_cast %scan3A_38 : i32 to index
      %swap3A_54 = arith.constant 48 : index
      %swap3A_55 = tpu.vector_load %arg10[%swap3A_53, %swap3A_54] {strides = array<i32>} : memref<128x128xf32, #tpu.memory_space<vmem>>, vector<1x16xf32>,
      %swap3A_56 = vector.shape_cast %swap3A_55 : vector<1x16xf32> to vector<16xf32>
      %swap3A_57 = vector.shape_cast %broadcast_in_dim3A_1 : vector<16xf32> to vector<1x16xf32>
      tpu.vector_store %arg10[%swap3A_53, %swap3A_54], %swap3A_57 {strides = array<i32>} : memref<128x128xf32, #tpu.memory_space<vmem>>, vector<1x16xf32>,
      %swap3A_58 = arith.index_cast %scan3A_38 : i32 to index
      %swap3A_59 = arith.constant 64 : index
      %swap3A_60 = tpu.vector_load %arg10[%swap3A_58, %swap3A_59] {strides = array<i32>} : memref<128x128xf32, #tpu.memory_space<vmem>>, vector<1x16xf32>,
      %swap3A_61 = vector.shape_cast %swap3A_60 : vector<1x16xf32> to vector<16xf32>
      %swap3A_62 = vector.shape_cast %broadcast_in_dim3A_1 : vector<16xf32> to vector<1x16xf32>
      tpu.vector_store %arg10[%swap3A_58, %swap3A_59], %swap3A_62 {strides = array<i32>} : memref<128x128xf32, #tpu.memory_space<vmem>>, vector<1x16xf32>,
      %swap3A_63 = arith.index_cast %scan3A_38 : i32 to index
      %swap3A_64 = arith.constant 80 : index
      %swap3A_65 = tpu.vector_load %arg10[%swap3A_63, %swap3A_64] {strides = array<i32>} : memref<128x128xf32, #tpu.memory_space<vmem>>, vector<1x16xf32>,
      %swap3A_66 = vector.shape_cast %swap3A_65 : vector<1x16xf32> to vector<16xf32>
      %swap3A_67 = vector.shape_cast %broadcast_in_dim3A_1 : vector<16xf32> to vector<1x16xf32>
      tpu.vector_store %arg10[%swap3A_63, %swap3A_64], %swap3A_67 {strides = array<i32>} : memref<128x128xf32, #tpu.memory_space<vmem>>, vector<1x16xf32>,
      %swap3A_68 = arith.index_cast %scan3A_38 : i32 to index
      %swap3A_69 = arith.constant 96 : index
      %swap3A_70 = tpu.vector_load %arg10[%swap3A_68, %swap3A_69] {strides = array<i32>} : memref<128x128xf32, #tpu.memory_space<vmem>>, vector<1x16xf32>,
      %swap3A_71 = vector.shape_cast %swap3A_70 : vector<1x16xf32> to vector<16xf32>
      %swap3A_72 = vector.shape_cast %broadcast_in_dim3A_1 : vector<16xf32> to vector<1x16xf32>
      tpu.vector_store %arg10[%swap3A_68, %swap3A_69], %swap3A_72 {strides = array<i32>} : memref<128x128xf32, #tpu.memory_space<vmem>>, vector<1x16xf32>,
      %swap3A_73 = arith.index_cast %scan3A_38 : i32 to index
      %swap3A_74 = arith.constant 112 : index
      %swap3A_75 = tpu.vector_load %arg10[%swap3A_73, %swap3A_74] {strides = array<i32>} : memref<128x128xf32, #tpu.memory_space<vmem>>, vector<1x16xf32>,
      %swap3A_76 = vector.shape_cast %swap3A_75 : vector<1x16xf32> to vector<16xf32>
      %swap3A_77 = vector.shape_cast %broadcast_in_dim3A_1 : vector<16xf32> to vector<1x16xf32>
      tpu.vector_store %arg10[%swap3A_73, %swap3A_74], %swap3A_77 {strides = array<i32>} : memref<128x128xf32, #tpu.memory_space<vmem>>, vector<1x16xf32>,
    }
    %scan3A_6 = arith.constant 128 : i32
    %mul3A_7 = arith.constant 640 : i32
    %mul3A_8 = arith.muli %arg1, %mul3A_7 : i32
    %add3A_9 = arith.constant 0 : i32
    %add3A_10 = arith.addi %mul3A_8, %add3A_9 : i32
    "tpu.region"() ({
      %run_scoped3A = tpu.sem_alloc : memref<!tpu.dma_semaphore, #tpu.memory_space<semaphore_mem>>
      %dma_start3A = arith.constant 0 : i32
      %dma_start3A_38 = tpu.memref_slice %arg12[%add3A_10, %dma_start3A] : memref<10240x128xf32, #tpu.memory_space<vmem_shared>> -> memref<128x128xf32, #tpu.memory_space<vmem_shared>>
      %dma_start3A_39 = arith.constant 0 : i32
      %dma_start3A_40 = tpu.memref_slice %arg12[%add3A_10, %dma_start3A_39] : memref<10240x128xf32, #tpu.memory_space<vmem_shared>> -> memref<128x128xf32, #tpu.memory_space<vmem_shared>>
      tpu.enqueue_dma source(%arg10 : memref<128x128xf32, #tpu.memory_space<vmem>>) target(%dma_start3A_40 : memref<128x128xf32, #tpu.memory_space<vmem_shared>>) target_semaphore(%run_scoped3A : memref<!tpu.dma_semaphore, #tpu.memory_space<semaphore_mem>>)
      %dma_wait3A = arith.constant 0 : i32
      %dma_wait3A_41 = tpu.memref_slice %arg12[%add3A_10, %dma_wait3A] : memref<10240x128xf32, #tpu.memory_space<vmem_shared>> -> memref<128x128xf32, #tpu.memory_space<vmem_shared>>
      %dma_wait3A_42 = arith.constant 0 : i32
      %dma_wait3A_43 = tpu.memref_slice %arg12[%add3A_10, %dma_wait3A_42] : memref<10240x128xf32, #tpu.memory_space<vmem_shared>> -> memref<128x128xf32, #tpu.memory_space<vmem_shared>>
      tpu.wait_dma2 semaphore(%run_scoped3A : memref<!tpu.dma_semaphore, #tpu.memory_space<semaphore_mem>>) src(%arg10 : memref<128x128xf32, #tpu.memory_space<vmem>>) dst(%dma_wait3A_43 : memref<128x128xf32, #tpu.memory_space<vmem_shared>>)
      tpu.yield
    }) : () -> ()
    %mul3A_11 = arith.constant 640 : i32
    %mul3A_12 = arith.muli %arg1, %mul3A_11 : i32
    %add3A_13 = arith.constant 128 : i32
    %add3A_14 = arith.addi %mul3A_12, %add3A_13 : i32
    "tpu.region"() ({
      %run_scoped3A = tpu.sem_alloc : memref<!tpu.dma_semaphore, #tpu.memory_space<semaphore_mem>>
      %dma_start3A = arith.constant 0 : i32
      %dma_start3A_38 = tpu.memref_slice %arg12[%add3A_14, %dma_start3A] : memref<10240x128xf32, #tpu.memory_space<vmem_shared>> -> memref<128x128xf32, #tpu.memory_space<vmem_shared>>
      %dma_start3A_39 = arith.constant 0 : i32
      %dma_start3A_40 = tpu.memref_slice %arg12[%add3A_14, %dma_start3A_39] : memref<10240x128xf32, #tpu.memory_space<vmem_shared>> -> memref<128x128xf32, #tpu.memory_space<vmem_shared>>
      tpu.enqueue_dma source(%arg10 : memref<128x128xf32, #tpu.memory_space<vmem>>) target(%dma_start3A_40 : memref<128x128xf32, #tpu.memory_space<vmem_shared>>) target_semaphore(%run_scoped3A : memref<!tpu.dma_semaphore, #tpu.memory_space<semaphore_mem>>)
      %dma_wait3A = arith.constant 0 : i32
      %dma_wait3A_41 = tpu.memref_slice %arg12[%add3A_14, %dma_wait3A] : memref<10240x128xf32, #tpu.memory_space<vmem_shared>> -> memref<128x128xf32, #tpu.memory_space<vmem_shared>>
      %dma_wait3A_42 = arith.constant 0 : i32
      %dma_wait3A_43 = tpu.memref_slice %arg12[%add3A_14, %dma_wait3A_42] : memref<10240x128xf32, #tpu.memory_space<vmem_shared>> -> memref<128x128xf32, #tpu.memory_space<vmem_shared>>
      tpu.wait_dma2 semaphore(%run_scoped3A : memref<!tpu.dma_semaphore, #tpu.memory_space<semaphore_mem>>) src(%arg10 : memref<128x128xf32, #tpu.memory_space<vmem>>) dst(%dma_wait3A_43 : memref<128x128xf32, #tpu.memory_space<vmem_shared>>)
      tpu.yield
    }) : () -> ()
    %mul3A_15 = arith.constant 640 : i32
    %mul3A_16 = arith.muli %arg1, %mul3A_15 : i32
    %add3A_17 = arith.constant 256 : i32
    %add3A_18 = arith.addi %mul3A_16, %add3A_17 : i32
    "tpu.region"() ({
      %run_scoped3A = tpu.sem_alloc : memref<!tpu.dma_semaphore, #tpu.memory_space<semaphore_mem>>
      %dma_start3A = arith.constant 0 : i32
      %dma_start3A_38 = tpu.memref_slice %arg12[%add3A_18, %dma_start3A] : memref<10240x128xf32, #tpu.memory_space<vmem_shared>> -> memref<128x128xf32, #tpu.memory_space<vmem_shared>>
      %dma_start3A_39 = arith.constant 0 : i32
      %dma_start3A_40 = tpu.memref_slice %arg12[%add3A_18, %dma_start3A_39] : memref<10240x128xf32, #tpu.memory_space<vmem_shared>> -> memref<128x128xf32, #tpu.memory_space<vmem_shared>>
      tpu.enqueue_dma source(%arg10 : memref<128x128xf32, #tpu.memory_space<vmem>>) target(%dma_start3A_40 : memref<128x128xf32, #tpu.memory_space<vmem_shared>>) target_semaphore(%run_scoped3A : memref<!tpu.dma_semaphore, #tpu.memory_space<semaphore_mem>>)
      %dma_wait3A = arith.constant 0 : i32
      %dma_wait3A_41 = tpu.memref_slice %arg12[%add3A_18, %dma_wait3A] : memref<10240x128xf32, #tpu.memory_space<vmem_shared>> -> memref<128x128xf32, #tpu.memory_space<vmem_shared>>
      %dma_wait3A_42 = arith.constant 0 : i32
      %dma_wait3A_43 = tpu.memref_slice %arg12[%add3A_18, %dma_wait3A_42] : memref<10240x128xf32, #tpu.memory_space<vmem_shared>> -> memref<128x128xf32, #tpu.memory_space<vmem_shared>>
      tpu.wait_dma2 semaphore(%run_scoped3A : memref<!tpu.dma_semaphore, #tpu.memory_space<semaphore_mem>>) src(%arg10 : memref<128x128xf32, #tpu.memory_space<vmem>>) dst(%dma_wait3A_43 : memref<128x128xf32, #tpu.memory_space<vmem_shared>>)
      tpu.yield
    }) : () -> ()
    %mul3A_19 = arith.constant 640 : i32
    %mul3A_20 = arith.muli %arg1, %mul3A_19 : i32
    %add3A_21 = arith.constant 384 : i32
    %add3A_22 = arith.addi %mul3A_20, %add3A_21 : i32
    "tpu.region"() ({
      %run_scoped3A = tpu.sem_alloc : memref<!tpu.dma_semaphore, #tpu.memory_space<semaphore_mem>>
      %dma_start3A = arith.constant 0 : i32
      %dma_start3A_38 = tpu.memref_slice %arg12[%add3A_22, %dma_start3A] : memref<10240x128xf32, #tpu.memory_space<vmem_shared>> -> memref<128x128xf32, #tpu.memory_space<vmem_shared>>
      %dma_start3A_39 = arith.constant 0 : i32
      %dma_start3A_40 = tpu.memref_slice %arg12[%add3A_22, %dma_start3A_39] : memref<10240x128xf32, #tpu.memory_space<vmem_shared>> -> memref<128x128xf32, #tpu.memory_space<vmem_shared>>
      tpu.enqueue_dma source(%arg10 : memref<128x128xf32, #tpu.memory_space<vmem>>) target(%dma_start3A_40 : memref<128x128xf32, #tpu.memory_space<vmem_shared>>) target_semaphore(%run_scoped3A : memref<!tpu.dma_semaphore, #tpu.memory_space<semaphore_mem>>)
      %dma_wait3A = arith.constant 0 : i32
      %dma_wait3A_41 = tpu.memref_slice %arg12[%add3A_22, %dma_wait3A] : memref<10240x128xf32, #tpu.memory_space<vmem_shared>> -> memref<128x128xf32, #tpu.memory_space<vmem_shared>>
      %dma_wait3A_42 = arith.constant 0 : i32
      %dma_wait3A_43 = tpu.memref_slice %arg12[%add3A_22, %dma_wait3A_42] : memref<10240x128xf32, #tpu.memory_space<vmem_shared>> -> memref<128x128xf32, #tpu.memory_space<vmem_shared>>
      tpu.wait_dma2 semaphore(%run_scoped3A : memref<!tpu.dma_semaphore, #tpu.memory_space<semaphore_mem>>) src(%arg10 : memref<128x128xf32, #tpu.memory_space<vmem>>) dst(%dma_wait3A_43 : memref<128x128xf32, #tpu.memory_space<vmem_shared>>)
      tpu.yield
    }) : () -> ()
    %mul3A_23 = arith.constant 640 : i32
    %mul3A_24 = arith.muli %arg1, %mul3A_23 : i32
    %add3A_25 = arith.constant 512 : i32
    %add3A_26 = arith.addi %mul3A_24, %add3A_25 : i32
    "tpu.region"() ({
      %run_scoped3A = tpu.sem_alloc : memref<!tpu.dma_semaphore, #tpu.memory_space<semaphore_mem>>
      %dma_start3A = arith.constant 0 : i32
      %dma_start3A_38 = tpu.memref_slice %arg12[%add3A_26, %dma_start3A] : memref<10240x128xf32, #tpu.memory_space<vmem_shared>> -> memref<128x128xf32, #tpu.memory_space<vmem_shared>>
      %dma_start3A_39 = arith.constant 0 : i32
      %dma_start3A_40 = tpu.memref_slice %arg12[%add3A_26, %dma_start3A_39] : memref<10240x128xf32, #tpu.memory_space<vmem_shared>> -> memref<128x128xf32, #tpu.memory_space<vmem_shared>>
      tpu.enqueue_dma source(%arg10 : memref<128x128xf32, #tpu.memory_space<vmem>>) target(%dma_start3A_40 : memref<128x128xf32, #tpu.memory_space<vmem_shared>>) target_semaphore(%run_scoped3A : memref<!tpu.dma_semaphore, #tpu.memory_space<semaphore_mem>>)
      %dma_wait3A = arith.constant 0 : i32
      %dma_wait3A_41 = tpu.memref_slice %arg12[%add3A_26, %dma_wait3A] : memref<10240x128xf32, #tpu.memory_space<vmem_shared>> -> memref<128x128xf32, #tpu.memory_space<vmem_shared>>
      %dma_wait3A_42 = arith.constant 0 : i32
      %dma_wait3A_43 = tpu.memref_slice %arg12[%add3A_26, %dma_wait3A_42] : memref<10240x128xf32, #tpu.memory_space<vmem_shared>> -> memref<128x128xf32, #tpu.memory_space<vmem_shared>>
      tpu.wait_dma2 semaphore(%run_scoped3A : memref<!tpu.dma_semaphore, #tpu.memory_space<semaphore_mem>>) src(%arg10 : memref<128x128xf32, #tpu.memory_space<vmem>>) dst(%dma_wait3A_43 : memref<128x128xf32, #tpu.memory_space<vmem_shared>>)
      tpu.yield
    }) : () -> ()
    %barrier3A = arith.constant 0 : index
    tpu.barrier barrier_id(%barrier3A)
    %scan3A_27 = arith.constant 0 : i32
    %scan3A_28 = arith.constant 0 : i32
    %scan3A_29 = arith.constant 10 : i32
    %scan3A_30 = arith.addi %scan3A_28, %scan3A_29 : i32
    %scan3A_31 = arith.constant 1 : i32
    scf.for %scan3A_38 = %scan3A_28 to %scan3A_30 step %scan3A_31  : i32 {
      %mul3A_39 = arith.constant 80 : i32
      %mul3A_40 = arith.muli %add3A, %mul3A_39 : i32
      %mul3A_41 = arith.constant 8 : i32
      %mul3A_42 = arith.muli %scan3A_38, %mul3A_41 : i32
      %add3A_43 = arith.addi %mul3A_40, %mul3A_42 : i32
      "tpu.region"() ({
        %run_scoped3A = tpu.sem_alloc : memref<!tpu.dma_semaphore, #tpu.memory_space<semaphore_mem>>
        %dma_start3A = arith.constant 0 : i32
        %dma_start3A_50 = tpu.memref_slice %arg4[%add3A_43, %dma_start3A] : memref<2560x128xi32, #tpu.memory_space<hbm>> -> memref<8x128xi32, #tpu.memory_space<hbm>>
        %dma_start3A_51 = arith.constant 0 : i32
        %dma_start3A_52 = tpu.memref_slice %arg4[%add3A_43, %dma_start3A_51] : memref<2560x128xi32, #tpu.memory_space<hbm>> -> memref<8x128xi32, #tpu.memory_space<hbm>>
        tpu.enqueue_dma source(%dma_start3A_52 : memref<8x128xi32, #tpu.memory_space<hbm>>) target(%arg7 : memref<8x128xi32, #tpu.memory_space<vmem>>) target_semaphore(%run_scoped3A : memref<!tpu.dma_semaphore, #tpu.memory_space<semaphore_mem>>)
        %dma_wait3A = arith.constant 0 : i32
        %dma_wait3A_53 = tpu.memref_slice %arg4[%add3A_43, %dma_wait3A] : memref<2560x128xi32, #tpu.memory_space<hbm>> -> memref<8x128xi32, #tpu.memory_space<hbm>>
        %dma_wait3A_54 = arith.constant 0 : i32
        %dma_wait3A_55 = tpu.memref_slice %arg4[%add3A_43, %dma_wait3A_54] : memref<2560x128xi32, #tpu.memory_space<hbm>> -> memref<8x128xi32, #tpu.memory_space<hbm>>
        tpu.wait_dma2 semaphore(%run_scoped3A : memref<!tpu.dma_semaphore, #tpu.memory_space<semaphore_mem>>) src(%dma_wait3A_55 : memref<8x128xi32, #tpu.memory_space<hbm>>) dst(%arg7 : memref<8x128xi32, #tpu.memory_space<vmem>>)
        tpu.yield
      }) : () -> ()
      "tpu.region"() ({
        %run_scoped3A = tpu.sem_alloc : memref<!tpu.dma_semaphore, #tpu.memory_space<semaphore_mem>>
        %dma_start3A = arith.constant 0 : i32
        %dma_start3A_50 = tpu.memref_slice %arg5[%add3A_43, %dma_start3A] : memref<2560x128xi32, #tpu.memory_space<hbm>> -> memref<8x128xi32, #tpu.memory_space<hbm>>
        %dma_start3A_51 = arith.constant 0 : i32
        %dma_start3A_52 = tpu.memref_slice %arg5[%add3A_43, %dma_start3A_51] : memref<2560x128xi32, #tpu.memory_space<hbm>> -> memref<8x128xi32, #tpu.memory_space<hbm>>
        tpu.enqueue_dma source(%dma_start3A_52 : memref<8x128xi32, #tpu.memory_space<hbm>>) target(%arg8 : memref<8x128xi32, #tpu.memory_space<vmem>>) target_semaphore(%run_scoped3A : memref<!tpu.dma_semaphore, #tpu.memory_space<semaphore_mem>>)
        %dma_wait3A = arith.constant 0 : i32
        %dma_wait3A_53 = tpu.memref_slice %arg5[%add3A_43, %dma_wait3A] : memref<2560x128xi32, #tpu.memory_space<hbm>> -> memref<8x128xi32, #tpu.memory_space<hbm>>
        %dma_wait3A_54 = arith.constant 0 : i32
        %dma_wait3A_55 = tpu.memref_slice %arg5[%add3A_43, %dma_wait3A_54] : memref<2560x128xi32, #tpu.memory_space<hbm>> -> memref<8x128xi32, #tpu.memory_space<hbm>>
        tpu.wait_dma2 semaphore(%run_scoped3A : memref<!tpu.dma_semaphore, #tpu.memory_space<semaphore_mem>>) src(%dma_wait3A_55 : memref<8x128xi32, #tpu.memory_space<hbm>>) dst(%arg8 : memref<8x128xi32, #tpu.memory_space<vmem>>)
        tpu.yield
      }) : () -> ()
      %scan3A_44 = arith.constant 0 : i32
      %scan3A_45 = arith.constant 0 : i32
      %scan3A_46 = arith.constant 8 : i32
      %scan3A_47 = arith.addi %scan3A_45, %scan3A_46 : i32
      %scan3A_48 = arith.constant 1 : i32
      scf.for %scan3A_50 = %scan3A_45 to %scan3A_47 step %scan3A_48  : i32 {
        %dma_start3A = arith.constant 0 : i32
        %dma_start3A_51 = tpu.memref_slice %arg7[%scan3A_50, %dma_start3A] : memref<8x128xi32, #tpu.memory_space<vmem>> -> memref<1x128xi32, #tpu.memory_space<vmem>>
        %dma_start3A_52 = tpu.memref_squeeze %dma_start3A_51 : memref<1x128xi32, #tpu.memory_space<vmem>> -> memref<128xi32, #tpu.memory_space<vmem>>
        %dma_start3A_53 = arith.constant 0 : i32
        %dma_start3A_54 = arith.constant 0 : i32
        %dma_start3A_55 = tpu.memref_slice %arg2[%dma_start3A_53, %dma_start3A_54] : memref<10000x128xf32, #tpu.memory_space<hbm>> -> memref<10000x128xf32, #tpu.memory_space<hbm>>
        tpu.enqueue_indirect_dma source(%dma_start3A_55 : memref<10000x128xf32, #tpu.memory_space<hbm>>) target(%arg9 : memref<128x128xf32, #tpu.memory_space<vmem>>) offsets(%dma_start3A_52 : memref<128xi32, #tpu.memory_space<vmem>>) semaphore(%arg11 : memref<!tpu.dma_semaphore, #tpu.memory_space<semaphore_mem>>)
        %dma_wait3A = arith.constant 0 : i32
        %dma_wait3A_56 = tpu.memref_slice %arg7[%scan3A_50, %dma_wait3A] : memref<8x128xi32, #tpu.memory_space<vmem>> -> memref<1x128xi32, #tpu.memory_space<vmem>>
        %dma_wait3A_57 = tpu.memref_squeeze %dma_wait3A_56 : memref<1x128xi32, #tpu.memory_space<vmem>> -> memref<128xi32, #tpu.memory_space<vmem>>
        %dma_wait3A_58 = arith.constant 0 : i32
        %dma_wait3A_59 = arith.constant 0 : i32
        %dma_wait3A_60 = tpu.memref_slice %arg2[%dma_wait3A_58, %dma_wait3A_59] : memref<10000x128xf32, #tpu.memory_space<hbm>> -> memref<10000x128xf32, #tpu.memory_space<hbm>>
        tpu.wait_indirect_dma semaphore(%arg11 : memref<!tpu.dma_semaphore, #tpu.memory_space<semaphore_mem>>) src(%dma_wait3A_60 : memref<10000x128xf32, #tpu.memory_space<hbm>>) dst(%arg9 : memref<128x128xf32, #tpu.memory_space<vmem>>)
        %add3A_61 = arith.addi %add3A_43, %scan3A_50 : i32
        %mul3A_62 = arith.constant 128 : i32
        %mul3A_63 = arith.muli %add3A_61, %mul3A_62 : i32
        "tpu.region"() ({
          %run_scoped3A = tpu.sem_alloc : memref<!tpu.dma_semaphore, #tpu.memory_space<semaphore_mem>>
          %dma_start3A_70 = arith.constant 0 : i32
          %dma_start3A_71 = tpu.memref_slice %arg3[%mul3A_63, %dma_start3A_70] : memref<327680x128xf32, #tpu.memory_space<hbm>> -> memref<128x128xf32, #tpu.memory_space<hbm>>
          %dma_start3A_72 = arith.constant 0 : i32
          %dma_start3A_73 = tpu.memref_slice %arg3[%mul3A_63, %dma_start3A_72] : memref<327680x128xf32, #tpu.memory_space<hbm>> -> memref<128x128xf32, #tpu.memory_space<hbm>>
          tpu.enqueue_dma source(%dma_start3A_73 : memref<128x128xf32, #tpu.memory_space<hbm>>) target(%arg10 : memref<128x128xf32, #tpu.memory_space<vmem>>) target_semaphore(%run_scoped3A : memref<!tpu.dma_semaphore, #tpu.memory_space<semaphore_mem>>)
          %dma_wait3A_74 = arith.constant 0 : i32
          %dma_wait3A_75 = tpu.memref_slice %arg3[%mul3A_63, %dma_wait3A_74] : memref<327680x128xf32, #tpu.memory_space<hbm>> -> memref<128x128xf32, #tpu.memory_space<hbm>>
          %dma_wait3A_76 = arith.constant 0 : i32
          %dma_wait3A_77 = tpu.memref_slice %arg3[%mul3A_63, %dma_wait3A_76] : memref<327680x128xf32, #tpu.memory_space<hbm>> -> memref<128x128xf32, #tpu.memory_space<hbm>>
          tpu.wait_dma2 semaphore(%run_scoped3A : memref<!tpu.dma_semaphore, #tpu.memory_space<semaphore_mem>>) src(%dma_wait3A_77 : memref<128x128xf32, #tpu.memory_space<hbm>>) dst(%arg10 : memref<128x128xf32, #tpu.memory_space<vmem>>)
          tpu.yield
        }) : () -> ()
        %scan3A_64 = arith.constant 0 : i32
        %scan3A_65 = arith.constant 0 : i32
        %scan3A_66 = arith.constant 128 : i32
        %scan3A_67 = arith.addi %scan3A_65, %scan3A_66 : i32
        %scan3A_68 = arith.constant 1 : i32
        scf.for %scan3A_70 = %scan3A_65 to %scan3A_67 step %scan3A_68  : i32 {
          %get3A = arith.index_cast %scan3A_70 : i32 to index
          %get3A_71 = arith.constant 0 : index
          %get3A_72 = tpu.vector_load %arg9[%get3A, %get3A_71] {strides = array<i32>} : memref<128x128xf32, #tpu.memory_space<vmem>>, vector<1x16xf32>,
          %get3A_73 = vector.shape_cast %get3A_72 : vector<1x16xf32> to vector<16xf32>
          %get3A_74 = arith.index_cast %scan3A_70 : i32 to index
          %get3A_75 = arith.constant 0 : index
          %get3A_76 = tpu.vector_load %arg10[%get3A_74, %get3A_75] {strides = array<i32>} : memref<128x128xf32, #tpu.memory_space<vmem>>, vector<1x16xf32>,
          %get3A_77 = vector.shape_cast %get3A_76 : vector<1x16xf32> to vector<16xf32>
          %add3A_78 = arith.addf %get3A_73, %get3A_77 : vector<16xf32>
          %max3A = arith.constant 0.000000e+00 : f32
          %max3A_79 = vector.broadcast %max3A : f32 to vector<16xf32>
          %max3A_80 = arith.maximumf %add3A_78, %max3A_79 : vector<16xf32>
          %swap3A = arith.index_cast %scan3A_70 : i32 to index
          %swap3A_81 = arith.constant 0 : index
          %swap3A_82 = tpu.vector_load %arg10[%swap3A, %swap3A_81] {strides = array<i32>} : memref<128x128xf32, #tpu.memory_space<vmem>>, vector<1x16xf32>,
          %swap3A_83 = vector.shape_cast %swap3A_82 : vector<1x16xf32> to vector<16xf32>
          %swap3A_84 = vector.shape_cast %max3A_80 : vector<16xf32> to vector<1x16xf32>
          tpu.vector_store %arg10[%swap3A, %swap3A_81], %swap3A_84 {strides = array<i32>} : memref<128x128xf32, #tpu.memory_space<vmem>>, vector<1x16xf32>,
          %get3A_85 = arith.index_cast %scan3A_70 : i32 to index
          %get3A_86 = arith.constant 16 : index
          %get3A_87 = tpu.vector_load %arg9[%get3A_85, %get3A_86] {strides = array<i32>} : memref<128x128xf32, #tpu.memory_space<vmem>>, vector<1x16xf32>,
          %get3A_88 = vector.shape_cast %get3A_87 : vector<1x16xf32> to vector<16xf32>
          %get3A_89 = arith.index_cast %scan3A_70 : i32 to index
          %get3A_90 = arith.constant 16 : index
          %get3A_91 = tpu.vector_load %arg10[%get3A_89, %get3A_90] {strides = array<i32>} : memref<128x128xf32, #tpu.memory_space<vmem>>, vector<1x16xf32>,
          %get3A_92 = vector.shape_cast %get3A_91 : vector<1x16xf32> to vector<16xf32>
          %add3A_93 = arith.addf %get3A_88, %get3A_92 : vector<16xf32>
          %max3A_94 = arith.constant 0.000000e+00 : f32
          %max3A_95 = vector.broadcast %max3A_94 : f32 to vector<16xf32>
          %max3A_96 = arith.maximumf %add3A_93, %max3A_95 : vector<16xf32>
          %swap3A_97 = arith.index_cast %scan3A_70 : i32 to index
          %swap3A_98 = arith.constant 16 : index
          %swap3A_99 = tpu.vector_load %arg10[%swap3A_97, %swap3A_98] {strides = array<i32>} : memref<128x128xf32, #tpu.memory_space<vmem>>, vector<1x16xf32>,
          %swap3A_100 = vector.shape_cast %swap3A_99 : vector<1x16xf32> to vector<16xf32>
          %swap3A_101 = vector.shape_cast %max3A_96 : vector<16xf32> to vector<1x16xf32>
          tpu.vector_store %arg10[%swap3A_97, %swap3A_98], %swap3A_101 {strides = array<i32>} : memref<128x128xf32, #tpu.memory_space<vmem>>, vector<1x16xf32>,
          %get3A_102 = arith.index_cast %scan3A_70 : i32 to index
          %get3A_103 = arith.constant 32 : index
          %get3A_104 = tpu.vector_load %arg9[%get3A_102, %get3A_103] {strides = array<i32>} : memref<128x128xf32, #tpu.memory_space<vmem>>, vector<1x16xf32>,
          %get3A_105 = vector.shape_cast %get3A_104 : vector<1x16xf32> to vector<16xf32>
          %get3A_106 = arith.index_cast %scan3A_70 : i32 to index
          %get3A_107 = arith.constant 32 : index
          %get3A_108 = tpu.vector_load %arg10[%get3A_106, %get3A_107] {strides = array<i32>} : memref<128x128xf32, #tpu.memory_space<vmem>>, vector<1x16xf32>,
          %get3A_109 = vector.shape_cast %get3A_108 : vector<1x16xf32> to vector<16xf32>
          %add3A_110 = arith.addf %get3A_105, %get3A_109 : vector<16xf32>
          %max3A_111 = arith.constant 0.000000e+00 : f32
          %max3A_112 = vector.broadcast %max3A_111 : f32 to vector<16xf32>
          %max3A_113 = arith.maximumf %add3A_110, %max3A_112 : vector<16xf32>
          %swap3A_114 = arith.index_cast %scan3A_70 : i32 to index
          %swap3A_115 = arith.constant 32 : index
          %swap3A_116 = tpu.vector_load %arg10[%swap3A_114, %swap3A_115] {strides = array<i32>} : memref<128x128xf32, #tpu.memory_space<vmem>>, vector<1x16xf32>,
          %swap3A_117 = vector.shape_cast %swap3A_116 : vector<1x16xf32> to vector<16xf32>
          %swap3A_118 = vector.shape_cast %max3A_113 : vector<16xf32> to vector<1x16xf32>
          tpu.vector_store %arg10[%swap3A_114, %swap3A_115], %swap3A_118 {strides = array<i32>} : memref<128x128xf32, #tpu.memory_space<vmem>>, vector<1x16xf32>,
          %get3A_119 = arith.index_cast %scan3A_70 : i32 to index
          %get3A_120 = arith.constant 48 : index
          %get3A_121 = tpu.vector_load %arg9[%get3A_119, %get3A_120] {strides = array<i32>} : memref<128x128xf32, #tpu.memory_space<vmem>>, vector<1x16xf32>,
          %get3A_122 = vector.shape_cast %get3A_121 : vector<1x16xf32> to vector<16xf32>
          %get3A_123 = arith.index_cast %scan3A_70 : i32 to index
          %get3A_124 = arith.constant 48 : index
          %get3A_125 = tpu.vector_load %arg10[%get3A_123, %get3A_124] {strides = array<i32>} : memref<128x128xf32, #tpu.memory_space<vmem>>, vector<1x16xf32>,
          %get3A_126 = vector.shape_cast %get3A_125 : vector<1x16xf32> to vector<16xf32>
          %add3A_127 = arith.addf %get3A_122, %get3A_126 : vector<16xf32>
          %max3A_128 = arith.constant 0.000000e+00 : f32
          %max3A_129 = vector.broadcast %max3A_128 : f32 to vector<16xf32>
          %max3A_130 = arith.maximumf %add3A_127, %max3A_129 : vector<16xf32>
          %swap3A_131 = arith.index_cast %scan3A_70 : i32 to index
          %swap3A_132 = arith.constant 48 : index
          %swap3A_133 = tpu.vector_load %arg10[%swap3A_131, %swap3A_132] {strides = array<i32>} : memref<128x128xf32, #tpu.memory_space<vmem>>, vector<1x16xf32>,
          %swap3A_134 = vector.shape_cast %swap3A_133 : vector<1x16xf32> to vector<16xf32>
          %swap3A_135 = vector.shape_cast %max3A_130 : vector<16xf32> to vector<1x16xf32>
          tpu.vector_store %arg10[%swap3A_131, %swap3A_132], %swap3A_135 {strides = array<i32>} : memref<128x128xf32, #tpu.memory_space<vmem>>, vector<1x16xf32>,
          %get3A_136 = arith.index_cast %scan3A_70 : i32 to index
          %get3A_137 = arith.constant 64 : index
          %get3A_138 = tpu.vector_load %arg9[%get3A_136, %get3A_137] {strides = array<i32>} : memref<128x128xf32, #tpu.memory_space<vmem>>, vector<1x16xf32>,
          %get3A_139 = vector.shape_cast %get3A_138 : vector<1x16xf32> to vector<16xf32>
          %get3A_140 = arith.index_cast %scan3A_70 : i32 to index
          %get3A_141 = arith.constant 64 : index
          %get3A_142 = tpu.vector_load %arg10[%get3A_140, %get3A_141] {strides = array<i32>} : memref<128x128xf32, #tpu.memory_space<vmem>>, vector<1x16xf32>,
          %get3A_143 = vector.shape_cast %get3A_142 : vector<1x16xf32> to vector<16xf32>
          %add3A_144 = arith.addf %get3A_139, %get3A_143 : vector<16xf32>
          %max3A_145 = arith.constant 0.000000e+00 : f32
          %max3A_146 = vector.broadcast %max3A_145 : f32 to vector<16xf32>
          %max3A_147 = arith.maximumf %add3A_144, %max3A_146 : vector<16xf32>
          %swap3A_148 = arith.index_cast %scan3A_70 : i32 to index
          %swap3A_149 = arith.constant 64 : index
          %swap3A_150 = tpu.vector_load %arg10[%swap3A_148, %swap3A_149] {strides = array<i32>} : memref<128x128xf32, #tpu.memory_space<vmem>>, vector<1x16xf32>,
          %swap3A_151 = vector.shape_cast %swap3A_150 : vector<1x16xf32> to vector<16xf32>
          %swap3A_152 = vector.shape_cast %max3A_147 : vector<16xf32> to vector<1x16xf32>
          tpu.vector_store %arg10[%swap3A_148, %swap3A_149], %swap3A_152 {strides = array<i32>} : memref<128x128xf32, #tpu.memory_space<vmem>>, vector<1x16xf32>,
          %get3A_153 = arith.index_cast %scan3A_70 : i32 to index
          %get3A_154 = arith.constant 80 : index
          %get3A_155 = tpu.vector_load %arg9[%get3A_153, %get3A_154] {strides = array<i32>} : memref<128x128xf32, #tpu.memory_space<vmem>>, vector<1x16xf32>,
          %get3A_156 = vector.shape_cast %get3A_155 : vector<1x16xf32> to vector<16xf32>
          %get3A_157 = arith.index_cast %scan3A_70 : i32 to index
          %get3A_158 = arith.constant 80 : index
          %get3A_159 = tpu.vector_load %arg10[%get3A_157, %get3A_158] {strides = array<i32>} : memref<128x128xf32, #tpu.memory_space<vmem>>, vector<1x16xf32>,
          %get3A_160 = vector.shape_cast %get3A_159 : vector<1x16xf32> to vector<16xf32>
          %add3A_161 = arith.addf %get3A_156, %get3A_160 : vector<16xf32>
          %max3A_162 = arith.constant 0.000000e+00 : f32
          %max3A_163 = vector.broadcast %max3A_162 : f32 to vector<16xf32>
          %max3A_164 = arith.maximumf %add3A_161, %max3A_163 : vector<16xf32>
          %swap3A_165 = arith.index_cast %scan3A_70 : i32 to index
          %swap3A_166 = arith.constant 80 : index
          %swap3A_167 = tpu.vector_load %arg10[%swap3A_165, %swap3A_166] {strides = array<i32>} : memref<128x128xf32, #tpu.memory_space<vmem>>, vector<1x16xf32>,
          %swap3A_168 = vector.shape_cast %swap3A_167 : vector<1x16xf32> to vector<16xf32>
          %swap3A_169 = vector.shape_cast %max3A_164 : vector<16xf32> to vector<1x16xf32>
          tpu.vector_store %arg10[%swap3A_165, %swap3A_166], %swap3A_169 {strides = array<i32>} : memref<128x128xf32, #tpu.memory_space<vmem>>, vector<1x16xf32>,
          %get3A_170 = arith.index_cast %scan3A_70 : i32 to index
          %get3A_171 = arith.constant 96 : index
          %get3A_172 = tpu.vector_load %arg9[%get3A_170, %get3A_171] {strides = array<i32>} : memref<128x128xf32, #tpu.memory_space<vmem>>, vector<1x16xf32>,
          %get3A_173 = vector.shape_cast %get3A_172 : vector<1x16xf32> to vector<16xf32>
          %get3A_174 = arith.index_cast %scan3A_70 : i32 to index
          %get3A_175 = arith.constant 96 : index
          %get3A_176 = tpu.vector_load %arg10[%get3A_174, %get3A_175] {strides = array<i32>} : memref<128x128xf32, #tpu.memory_space<vmem>>, vector<1x16xf32>,
          %get3A_177 = vector.shape_cast %get3A_176 : vector<1x16xf32> to vector<16xf32>
          %add3A_178 = arith.addf %get3A_173, %get3A_177 : vector<16xf32>
          %max3A_179 = arith.constant 0.000000e+00 : f32
          %max3A_180 = vector.broadcast %max3A_179 : f32 to vector<16xf32>
          %max3A_181 = arith.maximumf %add3A_178, %max3A_180 : vector<16xf32>
          %swap3A_182 = arith.index_cast %scan3A_70 : i32 to index
          %swap3A_183 = arith.constant 96 : index
          %swap3A_184 = tpu.vector_load %arg10[%swap3A_182, %swap3A_183] {strides = array<i32>} : memref<128x128xf32, #tpu.memory_space<vmem>>, vector<1x16xf32>,
          %swap3A_185 = vector.shape_cast %swap3A_184 : vector<1x16xf32> to vector<16xf32>
          %swap3A_186 = vector.shape_cast %max3A_181 : vector<16xf32> to vector<1x16xf32>
          tpu.vector_store %arg10[%swap3A_182, %swap3A_183], %swap3A_186 {strides = array<i32>} : memref<128x128xf32, #tpu.memory_space<vmem>>, vector<1x16xf32>,
          %get3A_187 = arith.index_cast %scan3A_70 : i32 to index
          %get3A_188 = arith.constant 112 : index
          %get3A_189 = tpu.vector_load %arg9[%get3A_187, %get3A_188] {strides = array<i32>} : memref<128x128xf32, #tpu.memory_space<vmem>>, vector<1x16xf32>,
          %get3A_190 = vector.shape_cast %get3A_189 : vector<1x16xf32> to vector<16xf32>
          %get3A_191 = arith.index_cast %scan3A_70 : i32 to index
          %get3A_192 = arith.constant 112 : index
          %get3A_193 = tpu.vector_load %arg10[%get3A_191, %get3A_192] {strides = array<i32>} : memref<128x128xf32, #tpu.memory_space<vmem>>, vector<1x16xf32>,
          %get3A_194 = vector.shape_cast %get3A_193 : vector<1x16xf32> to vector<16xf32>
          %add3A_195 = arith.addf %get3A_190, %get3A_194 : vector<16xf32>
          %max3A_196 = arith.constant 0.000000e+00 : f32
          %max3A_197 = vector.broadcast %max3A_196 : f32 to vector<16xf32>
          %max3A_198 = arith.maximumf %add3A_195, %max3A_197 : vector<16xf32>
          %swap3A_199 = arith.index_cast %scan3A_70 : i32 to index
          %swap3A_200 = arith.constant 112 : index
          %swap3A_201 = tpu.vector_load %arg10[%swap3A_199, %swap3A_200] {strides = array<i32>} : memref<128x128xf32, #tpu.memory_space<vmem>>, vector<1x16xf32>,
          %swap3A_202 = vector.shape_cast %swap3A_201 : vector<1x16xf32> to vector<16xf32>
          %swap3A_203 = vector.shape_cast %max3A_198 : vector<16xf32> to vector<1x16xf32>
          tpu.vector_store %arg10[%swap3A_199, %swap3A_200], %swap3A_203 {strides = array<i32>} : memref<128x128xf32, #tpu.memory_space<vmem>>, vector<1x16xf32>,
        }
        %scan3A_69 = arith.constant 128 : i32
        "tpu.region"() ({
          %run_scoped3A = tpu.sem_alloc : memref<!tpu.dma_semaphore, #tpu.memory_space<semaphore_mem>>
          %dma_start3A_70 = arith.constant 0 : i32
          %dma_start3A_71 = tpu.memref_slice %arg8[%scan3A_50, %dma_start3A_70] : memref<8x128xi32, #tpu.memory_space<vmem>> -> memref<1x128xi32, #tpu.memory_space<vmem>>
          %dma_start3A_72 = tpu.memref_squeeze %dma_start3A_71 : memref<1x128xi32, #tpu.memory_space<vmem>> -> memref<128xi32, #tpu.memory_space<vmem>>
          %dma_start3A_73 = arith.constant 0 : i32
          %dma_start3A_74 = arith.constant 0 : i32
          %dma_start3A_75 = tpu.memref_slice %arg12[%dma_start3A_73, %dma_start3A_74] : memref<10240x128xf32, #tpu.memory_space<vmem_shared>> -> memref<10240x128xf32, #tpu.memory_space<vmem_shared>>
          tpu.enqueue_indirect_dma source(%arg10 : memref<128x128xf32, #tpu.memory_space<vmem>>) target(%dma_start3A_75 : memref<10240x128xf32, #tpu.memory_space<vmem_shared>>) offsets(%dma_start3A_72 : memref<128xi32, #tpu.memory_space<vmem>>) semaphore(%run_scoped3A : memref<!tpu.dma_semaphore, #tpu.memory_space<semaphore_mem>>) {add = true}
          %dma_wait3A_76 = arith.constant 0 : i32
          %dma_wait3A_77 = tpu.memref_slice %arg8[%scan3A_50, %dma_wait3A_76] : memref<8x128xi32, #tpu.memory_space<vmem>> -> memref<1x128xi32, #tpu.memory_space<vmem>>
          %dma_wait3A_78 = tpu.memref_squeeze %dma_wait3A_77 : memref<1x128xi32, #tpu.memory_space<vmem>> -> memref<128xi32, #tpu.memory_space<vmem>>
          %dma_wait3A_79 = arith.constant 0 : i32
          %dma_wait3A_80 = arith.constant 0 : i32
          %dma_wait3A_81 = tpu.memref_slice %arg12[%dma_wait3A_79, %dma_wait3A_80] : memref<10240x128xf32, #tpu.memory_space<vmem_shared>> -> memref<10240x128xf32, #tpu.memory_space<vmem_shared>>
          tpu.wait_indirect_dma semaphore(%run_scoped3A : memref<!tpu.dma_semaphore, #tpu.memory_space<semaphore_mem>>) src(%arg10 : memref<128x128xf32, #tpu.memory_space<vmem>>) dst(%dma_wait3A_81 : memref<10240x128xf32, #tpu.memory_space<vmem_shared>>)
          tpu.yield
        }) : () -> ()
      }
      %scan3A_49 = arith.constant 8 : i32
    }
    %scan3A_32 = arith.constant 10 : i32
    %barrier3A_33 = arith.constant 0 : index
    tpu.barrier barrier_id(%barrier3A_33)
    %mul3A_34 = arith.constant 640 : i32
    %mul3A_35 = arith.muli %arg1, %mul3A_34 : i32
    %mul3A_36 = arith.constant 640 : i32
    %mul3A_37 = arith.muli %arg1, %mul3A_36 : i32
    "tpu.region"() ({
      %run_scoped3A = tpu.sem_alloc : memref<!tpu.dma_semaphore, #tpu.memory_space<semaphore_mem>>
      %dma_start3A = arith.constant 0 : i32
      %dma_start3A_38 = tpu.memref_slice %arg6[%arg0, %mul3A_37, %dma_start3A] : memref<2x10240x128xf32, #tpu.memory_space<hbm>> -> memref<1x640x128xf32, #tpu.memory_space<hbm>>
      %dma_start3A_39 = tpu.memref_squeeze %dma_start3A_38 : memref<1x640x128xf32, #tpu.memory_space<hbm>> -> memref<640x128xf32, #tpu.memory_space<hbm>>
      %dma_start3A_40 = arith.constant 0 : i32
      %dma_start3A_41 = tpu.memref_slice %arg12[%mul3A_35, %dma_start3A_40] : memref<10240x128xf32, #tpu.memory_space<vmem_shared>> -> memref<640x128xf32, #tpu.memory_space<vmem_shared>>
      tpu.enqueue_dma source(%dma_start3A_41 : memref<640x128xf32, #tpu.memory_space<vmem_shared>>) target(%dma_start3A_39 : memref<640x128xf32, #tpu.memory_space<hbm>>) target_semaphore(%run_scoped3A : memref<!tpu.dma_semaphore, #tpu.memory_space<semaphore_mem>>)
      %dma_wait3A = arith.constant 0 : i32
      %dma_wait3A_42 = tpu.memref_slice %arg6[%arg0, %mul3A_37, %dma_wait3A] : memref<2x10240x128xf32, #tpu.memory_space<hbm>> -> memref<1x640x128xf32, #tpu.memory_space<hbm>>
      %dma_wait3A_43 = tpu.memref_squeeze %dma_wait3A_42 : memref<1x640x128xf32, #tpu.memory_space<hbm>> -> memref<640x128xf32, #tpu.memory_space<hbm>>
      %dma_wait3A_44 = arith.constant 0 : i32
      %dma_wait3A_45 = tpu.memref_slice %arg12[%mul3A_35, %dma_wait3A_44] : memref<10240x128xf32, #tpu.memory_space<vmem_shared>> -> memref<640x128xf32, #tpu.memory_space<vmem_shared>>
      tpu.wait_dma2 semaphore(%run_scoped3A : memref<!tpu.dma_semaphore, #tpu.memory_space<semaphore_mem>>) src(%dma_wait3A_45 : memref<640x128xf32, #tpu.memory_space<vmem_shared>>) dst(%dma_wait3A_43 : memref<640x128xf32, #tpu.memory_space<hbm>>)
      tpu.yield
    }) : () -> ()
    return
  }
}

#map = affine_map<(d0, d1) -> (0, 0)>
#map1 = affine_map<(d0, d1) -> (0, 0, 0)>
module attributes {stable_mosaic.version = 14 : i64} {
  func.func @_edge_body(%arg0: i32, %arg1: i32, %arg2: memref<10000x128xf32, #tpu.memory_space<hbm>>, %arg3: memref<327680x128xf32, #tpu.memory_space<hbm>>, %arg4: memref<2560x128xi32, #tpu.memory_space<hbm>>, %arg5: memref<2560x128xi32, #tpu.memory_space<hbm>>, %arg6: memref<2x10240x128xf32, #tpu.memory_space<hbm>>, %arg7: memref<8x128xi32, #tpu.memory_space<vmem>>, %arg8: memref<8x128xi32, #tpu.memory_space<vmem>>, %arg9: memref<128x128xf32, #tpu.memory_space<vmem>>, %arg10: memref<128x128xf32, #tpu.memory_space<vmem>>, %arg11: memref<!tpu.dma_semaphore, #tpu.memory_space<semaphore_mem>>, %arg12: memref<10240x128xf32, #tpu.memory_space<vmem_shared>>) attributes {dimension_semantics = [#tpu.dimension_semantics<core_parallel>, #tpu.dimension_semantics<subcore_parallel>], iteration_bounds = array<i64: 2, 16>, scalar_prefetch = 0 : i64, scratch_operands = 6 : i64, tpu.core_type = #tpu.core_type<sc_vector_subcore>, window_params = [{transform_indices = #map}, {transform_indices = #map}, {transform_indices = #map}, {transform_indices = #map}, {transform_indices = #map1}]} {
    %mul3A = arith.constant 16 : i32
    %mul3A_0 = arith.muli %arg0, %mul3A : i32
    %add3A = arith.addi %mul3A_0, %arg1 : i32
    %broadcast_in_dim3A = arith.constant 0.000000e+00 : f32
    %broadcast_in_dim3A_1 = vector.broadcast %broadcast_in_dim3A : f32 to vector<16xf32>
    %scan3A = arith.constant 0 : i32
    %scan3A_2 = arith.constant 0 : i32
    %scan3A_3 = arith.constant 128 : i32
    %scan3A_4 = arith.addi %scan3A_2, %scan3A_3 : i32
    %scan3A_5 = arith.constant 1 : i32
    scf.for %scan3A_38 = %scan3A_2 to %scan3A_4 step %scan3A_5  : i32 {
      %swap3A = arith.index_cast %scan3A_38 : i32 to index
      %swap3A_39 = arith.constant 0 : index
      %swap3A_40 = tpu.vector_load %arg10[%swap3A, %swap3A_39] {strides = array<i32>} : memref<128x128xf32, #tpu.memory_space<vmem>>, vector<1x16xf32>,
      %swap3A_41 = vector.shape_cast %swap3A_40 : vector<1x16xf32> to vector<16xf32>
      %swap3A_42 = vector.shape_cast %broadcast_in_dim3A_1 : vector<16xf32> to vector<1x16xf32>
      tpu.vector_store %arg10[%swap3A, %swap3A_39], %swap3A_42 {strides = array<i32>} : memref<128x128xf32, #tpu.memory_space<vmem>>, vector<1x16xf32>,
      %swap3A_43 = arith.index_cast %scan3A_38 : i32 to index
      %swap3A_44 = arith.constant 16 : index
      %swap3A_45 = tpu.vector_load %arg10[%swap3A_43, %swap3A_44] {strides = array<i32>} : memref<128x128xf32, #tpu.memory_space<vmem>>, vector<1x16xf32>,
      %swap3A_46 = vector.shape_cast %swap3A_45 : vector<1x16xf32> to vector<16xf32>
      %swap3A_47 = vector.shape_cast %broadcast_in_dim3A_1 : vector<16xf32> to vector<1x16xf32>
      tpu.vector_store %arg10[%swap3A_43, %swap3A_44], %swap3A_47 {strides = array<i32>} : memref<128x128xf32, #tpu.memory_space<vmem>>, vector<1x16xf32>,
      %swap3A_48 = arith.index_cast %scan3A_38 : i32 to index
      %swap3A_49 = arith.constant 32 : index
      %swap3A_50 = tpu.vector_load %arg10[%swap3A_48, %swap3A_49] {strides = array<i32>} : memref<128x128xf32, #tpu.memory_space<vmem>>, vector<1x16xf32>,
      %swap3A_51 = vector.shape_cast %swap3A_50 : vector<1x16xf32> to vector<16xf32>
      %swap3A_52 = vector.shape_cast %broadcast_in_dim3A_1 : vector<16xf32> to vector<1x16xf32>
      tpu.vector_store %arg10[%swap3A_48, %swap3A_49], %swap3A_52 {strides = array<i32>} : memref<128x128xf32, #tpu.memory_space<vmem>>, vector<1x16xf32>,
      %swap3A_53 = arith.index_cast %scan3A_38 : i32 to index
      %swap3A_54 = arith.constant 48 : index
      %swap3A_55 = tpu.vector_load %arg10[%swap3A_53, %swap3A_54] {strides = array<i32>} : memref<128x128xf32, #tpu.memory_space<vmem>>, vector<1x16xf32>,
      %swap3A_56 = vector.shape_cast %swap3A_55 : vector<1x16xf32> to vector<16xf32>
      %swap3A_57 = vector.shape_cast %broadcast_in_dim3A_1 : vector<16xf32> to vector<1x16xf32>
      tpu.vector_store %arg10[%swap3A_53, %swap3A_54], %swap3A_57 {strides = array<i32>} : memref<128x128xf32, #tpu.memory_space<vmem>>, vector<1x16xf32>,
      %swap3A_58 = arith.index_cast %scan3A_38 : i32 to index
      %swap3A_59 = arith.constant 64 : index
      %swap3A_60 = tpu.vector_load %arg10[%swap3A_58, %swap3A_59] {strides = array<i32>} : memref<128x128xf32, #tpu.memory_space<vmem>>, vector<1x16xf32>,
      %swap3A_61 = vector.shape_cast %swap3A_60 : vector<1x16xf32> to vector<16xf32>
      %swap3A_62 = vector.shape_cast %broadcast_in_dim3A_1 : vector<16xf32> to vector<1x16xf32>
      tpu.vector_store %arg10[%swap3A_58, %swap3A_59], %swap3A_62 {strides = array<i32>} : memref<128x128xf32, #tpu.memory_space<vmem>>, vector<1x16xf32>,
      %swap3A_63 = arith.index_cast %scan3A_38 : i32 to index
      %swap3A_64 = arith.constant 80 : index
      %swap3A_65 = tpu.vector_load %arg10[%swap3A_63, %swap3A_64] {strides = array<i32>} : memref<128x128xf32, #tpu.memory_space<vmem>>, vector<1x16xf32>,
      %swap3A_66 = vector.shape_cast %swap3A_65 : vector<1x16xf32> to vector<16xf32>
      %swap3A_67 = vector.shape_cast %broadcast_in_dim3A_1 : vector<16xf32> to vector<1x16xf32>
      tpu.vector_store %arg10[%swap3A_63, %swap3A_64], %swap3A_67 {strides = array<i32>} : memref<128x128xf32, #tpu.memory_space<vmem>>, vector<1x16xf32>,
      %swap3A_68 = arith.index_cast %scan3A_38 : i32 to index
      %swap3A_69 = arith.constant 96 : index
      %swap3A_70 = tpu.vector_load %arg10[%swap3A_68, %swap3A_69] {strides = array<i32>} : memref<128x128xf32, #tpu.memory_space<vmem>>, vector<1x16xf32>,
      %swap3A_71 = vector.shape_cast %swap3A_70 : vector<1x16xf32> to vector<16xf32>
      %swap3A_72 = vector.shape_cast %broadcast_in_dim3A_1 : vector<16xf32> to vector<1x16xf32>
      tpu.vector_store %arg10[%swap3A_68, %swap3A_69], %swap3A_72 {strides = array<i32>} : memref<128x128xf32, #tpu.memory_space<vmem>>, vector<1x16xf32>,
      %swap3A_73 = arith.index_cast %scan3A_38 : i32 to index
      %swap3A_74 = arith.constant 112 : index
      %swap3A_75 = tpu.vector_load %arg10[%swap3A_73, %swap3A_74] {strides = array<i32>} : memref<128x128xf32, #tpu.memory_space<vmem>>, vector<1x16xf32>,
      %swap3A_76 = vector.shape_cast %swap3A_75 : vector<1x16xf32> to vector<16xf32>
      %swap3A_77 = vector.shape_cast %broadcast_in_dim3A_1 : vector<16xf32> to vector<1x16xf32>
      tpu.vector_store %arg10[%swap3A_73, %swap3A_74], %swap3A_77 {strides = array<i32>} : memref<128x128xf32, #tpu.memory_space<vmem>>, vector<1x16xf32>,
    }
    %scan3A_6 = arith.constant 128 : i32
    %mul3A_7 = arith.constant 640 : i32
    %mul3A_8 = arith.muli %arg1, %mul3A_7 : i32
    %add3A_9 = arith.constant 0 : i32
    %add3A_10 = arith.addi %mul3A_8, %add3A_9 : i32
    "tpu.region"() ({
      %run_scoped3A = tpu.sem_alloc : memref<!tpu.dma_semaphore, #tpu.memory_space<semaphore_mem>>
      %dma_start3A = arith.constant 0 : i32
      %dma_start3A_38 = tpu.memref_slice %arg12[%add3A_10, %dma_start3A] : memref<10240x128xf32, #tpu.memory_space<vmem_shared>> -> memref<128x128xf32, #tpu.memory_space<vmem_shared>>
      %dma_start3A_39 = arith.constant 0 : i32
      %dma_start3A_40 = tpu.memref_slice %arg12[%add3A_10, %dma_start3A_39] : memref<10240x128xf32, #tpu.memory_space<vmem_shared>> -> memref<128x128xf32, #tpu.memory_space<vmem_shared>>
      tpu.enqueue_dma source(%arg10 : memref<128x128xf32, #tpu.memory_space<vmem>>) target(%dma_start3A_40 : memref<128x128xf32, #tpu.memory_space<vmem_shared>>) target_semaphore(%run_scoped3A : memref<!tpu.dma_semaphore, #tpu.memory_space<semaphore_mem>>)
      %dma_wait3A = arith.constant 0 : i32
      %dma_wait3A_41 = tpu.memref_slice %arg12[%add3A_10, %dma_wait3A] : memref<10240x128xf32, #tpu.memory_space<vmem_shared>> -> memref<128x128xf32, #tpu.memory_space<vmem_shared>>
      %dma_wait3A_42 = arith.constant 0 : i32
      %dma_wait3A_43 = tpu.memref_slice %arg12[%add3A_10, %dma_wait3A_42] : memref<10240x128xf32, #tpu.memory_space<vmem_shared>> -> memref<128x128xf32, #tpu.memory_space<vmem_shared>>
      tpu.wait_dma2 semaphore(%run_scoped3A : memref<!tpu.dma_semaphore, #tpu.memory_space<semaphore_mem>>) src(%arg10 : memref<128x128xf32, #tpu.memory_space<vmem>>) dst(%dma_wait3A_43 : memref<128x128xf32, #tpu.memory_space<vmem_shared>>)
      tpu.yield
    }) : () -> ()
    %mul3A_11 = arith.constant 640 : i32
    %mul3A_12 = arith.muli %arg1, %mul3A_11 : i32
    %add3A_13 = arith.constant 128 : i32
    %add3A_14 = arith.addi %mul3A_12, %add3A_13 : i32
    "tpu.region"() ({
      %run_scoped3A = tpu.sem_alloc : memref<!tpu.dma_semaphore, #tpu.memory_space<semaphore_mem>>
      %dma_start3A = arith.constant 0 : i32
      %dma_start3A_38 = tpu.memref_slice %arg12[%add3A_14, %dma_start3A] : memref<10240x128xf32, #tpu.memory_space<vmem_shared>> -> memref<128x128xf32, #tpu.memory_space<vmem_shared>>
      %dma_start3A_39 = arith.constant 0 : i32
      %dma_start3A_40 = tpu.memref_slice %arg12[%add3A_14, %dma_start3A_39] : memref<10240x128xf32, #tpu.memory_space<vmem_shared>> -> memref<128x128xf32, #tpu.memory_space<vmem_shared>>
      tpu.enqueue_dma source(%arg10 : memref<128x128xf32, #tpu.memory_space<vmem>>) target(%dma_start3A_40 : memref<128x128xf32, #tpu.memory_space<vmem_shared>>) target_semaphore(%run_scoped3A : memref<!tpu.dma_semaphore, #tpu.memory_space<semaphore_mem>>)
      %dma_wait3A = arith.constant 0 : i32
      %dma_wait3A_41 = tpu.memref_slice %arg12[%add3A_14, %dma_wait3A] : memref<10240x128xf32, #tpu.memory_space<vmem_shared>> -> memref<128x128xf32, #tpu.memory_space<vmem_shared>>
      %dma_wait3A_42 = arith.constant 0 : i32
      %dma_wait3A_43 = tpu.memref_slice %arg12[%add3A_14, %dma_wait3A_42] : memref<10240x128xf32, #tpu.memory_space<vmem_shared>> -> memref<128x128xf32, #tpu.memory_space<vmem_shared>>
      tpu.wait_dma2 semaphore(%run_scoped3A : memref<!tpu.dma_semaphore, #tpu.memory_space<semaphore_mem>>) src(%arg10 : memref<128x128xf32, #tpu.memory_space<vmem>>) dst(%dma_wait3A_43 : memref<128x128xf32, #tpu.memory_space<vmem_shared>>)
      tpu.yield
    }) : () -> ()
    %mul3A_15 = arith.constant 640 : i32
    %mul3A_16 = arith.muli %arg1, %mul3A_15 : i32
    %add3A_17 = arith.constant 256 : i32
    %add3A_18 = arith.addi %mul3A_16, %add3A_17 : i32
    "tpu.region"() ({
      %run_scoped3A = tpu.sem_alloc : memref<!tpu.dma_semaphore, #tpu.memory_space<semaphore_mem>>
      %dma_start3A = arith.constant 0 : i32
      %dma_start3A_38 = tpu.memref_slice %arg12[%add3A_18, %dma_start3A] : memref<10240x128xf32, #tpu.memory_space<vmem_shared>> -> memref<128x128xf32, #tpu.memory_space<vmem_shared>>
      %dma_start3A_39 = arith.constant 0 : i32
      %dma_start3A_40 = tpu.memref_slice %arg12[%add3A_18, %dma_start3A_39] : memref<10240x128xf32, #tpu.memory_space<vmem_shared>> -> memref<128x128xf32, #tpu.memory_space<vmem_shared>>
      tpu.enqueue_dma source(%arg10 : memref<128x128xf32, #tpu.memory_space<vmem>>) target(%dma_start3A_40 : memref<128x128xf32, #tpu.memory_space<vmem_shared>>) target_semaphore(%run_scoped3A : memref<!tpu.dma_semaphore, #tpu.memory_space<semaphore_mem>>)
      %dma_wait3A = arith.constant 0 : i32
      %dma_wait3A_41 = tpu.memref_slice %arg12[%add3A_18, %dma_wait3A] : memref<10240x128xf32, #tpu.memory_space<vmem_shared>> -> memref<128x128xf32, #tpu.memory_space<vmem_shared>>
      %dma_wait3A_42 = arith.constant 0 : i32
      %dma_wait3A_43 = tpu.memref_slice %arg12[%add3A_18, %dma_wait3A_42] : memref<10240x128xf32, #tpu.memory_space<vmem_shared>> -> memref<128x128xf32, #tpu.memory_space<vmem_shared>>
      tpu.wait_dma2 semaphore(%run_scoped3A : memref<!tpu.dma_semaphore, #tpu.memory_space<semaphore_mem>>) src(%arg10 : memref<128x128xf32, #tpu.memory_space<vmem>>) dst(%dma_wait3A_43 : memref<128x128xf32, #tpu.memory_space<vmem_shared>>)
      tpu.yield
    }) : () -> ()
    %mul3A_19 = arith.constant 640 : i32
    %mul3A_20 = arith.muli %arg1, %mul3A_19 : i32
    %add3A_21 = arith.constant 384 : i32
    %add3A_22 = arith.addi %mul3A_20, %add3A_21 : i32
    "tpu.region"() ({
      %run_scoped3A = tpu.sem_alloc : memref<!tpu.dma_semaphore, #tpu.memory_space<semaphore_mem>>
      %dma_start3A = arith.constant 0 : i32
      %dma_start3A_38 = tpu.memref_slice %arg12[%add3A_22, %dma_start3A] : memref<10240x128xf32, #tpu.memory_space<vmem_shared>> -> memref<128x128xf32, #tpu.memory_space<vmem_shared>>
      %dma_start3A_39 = arith.constant 0 : i32
      %dma_start3A_40 = tpu.memref_slice %arg12[%add3A_22, %dma_start3A_39] : memref<10240x128xf32, #tpu.memory_space<vmem_shared>> -> memref<128x128xf32, #tpu.memory_space<vmem_shared>>
      tpu.enqueue_dma source(%arg10 : memref<128x128xf32, #tpu.memory_space<vmem>>) target(%dma_start3A_40 : memref<128x128xf32, #tpu.memory_space<vmem_shared>>) target_semaphore(%run_scoped3A : memref<!tpu.dma_semaphore, #tpu.memory_space<semaphore_mem>>)
      %dma_wait3A = arith.constant 0 : i32
      %dma_wait3A_41 = tpu.memref_slice %arg12[%add3A_22, %dma_wait3A] : memref<10240x128xf32, #tpu.memory_space<vmem_shared>> -> memref<128x128xf32, #tpu.memory_space<vmem_shared>>
      %dma_wait3A_42 = arith.constant 0 : i32
      %dma_wait3A_43 = tpu.memref_slice %arg12[%add3A_22, %dma_wait3A_42] : memref<10240x128xf32, #tpu.memory_space<vmem_shared>> -> memref<128x128xf32, #tpu.memory_space<vmem_shared>>
      tpu.wait_dma2 semaphore(%run_scoped3A : memref<!tpu.dma_semaphore, #tpu.memory_space<semaphore_mem>>) src(%arg10 : memref<128x128xf32, #tpu.memory_space<vmem>>) dst(%dma_wait3A_43 : memref<128x128xf32, #tpu.memory_space<vmem_shared>>)
      tpu.yield
    }) : () -> ()
    %mul3A_23 = arith.constant 640 : i32
    %mul3A_24 = arith.muli %arg1, %mul3A_23 : i32
    %add3A_25 = arith.constant 512 : i32
    %add3A_26 = arith.addi %mul3A_24, %add3A_25 : i32
    "tpu.region"() ({
      %run_scoped3A = tpu.sem_alloc : memref<!tpu.dma_semaphore, #tpu.memory_space<semaphore_mem>>
      %dma_start3A = arith.constant 0 : i32
      %dma_start3A_38 = tpu.memref_slice %arg12[%add3A_26, %dma_start3A] : memref<10240x128xf32, #tpu.memory_space<vmem_shared>> -> memref<128x128xf32, #tpu.memory_space<vmem_shared>>
      %dma_start3A_39 = arith.constant 0 : i32
      %dma_start3A_40 = tpu.memref_slice %arg12[%add3A_26, %dma_start3A_39] : memref<10240x128xf32, #tpu.memory_space<vmem_shared>> -> memref<128x128xf32, #tpu.memory_space<vmem_shared>>
      tpu.enqueue_dma source(%arg10 : memref<128x128xf32, #tpu.memory_space<vmem>>) target(%dma_start3A_40 : memref<128x128xf32, #tpu.memory_space<vmem_shared>>) target_semaphore(%run_scoped3A : memref<!tpu.dma_semaphore, #tpu.memory_space<semaphore_mem>>)
      %dma_wait3A = arith.constant 0 : i32
      %dma_wait3A_41 = tpu.memref_slice %arg12[%add3A_26, %dma_wait3A] : memref<10240x128xf32, #tpu.memory_space<vmem_shared>> -> memref<128x128xf32, #tpu.memory_space<vmem_shared>>
      %dma_wait3A_42 = arith.constant 0 : i32
      %dma_wait3A_43 = tpu.memref_slice %arg12[%add3A_26, %dma_wait3A_42] : memref<10240x128xf32, #tpu.memory_space<vmem_shared>> -> memref<128x128xf32, #tpu.memory_space<vmem_shared>>
      tpu.wait_dma2 semaphore(%run_scoped3A : memref<!tpu.dma_semaphore, #tpu.memory_space<semaphore_mem>>) src(%arg10 : memref<128x128xf32, #tpu.memory_space<vmem>>) dst(%dma_wait3A_43 : memref<128x128xf32, #tpu.memory_space<vmem_shared>>)
      tpu.yield
    }) : () -> ()
    %barrier3A = arith.constant 0 : index
    tpu.barrier barrier_id(%barrier3A)
    %scan3A_27 = arith.constant 0 : i32
    %scan3A_28 = arith.constant 0 : i32
    %scan3A_29 = arith.constant 10 : i32
    %scan3A_30 = arith.addi %scan3A_28, %scan3A_29 : i32
    %scan3A_31 = arith.constant 1 : i32
    scf.for %scan3A_38 = %scan3A_28 to %scan3A_30 step %scan3A_31  : i32 {
      %mul3A_39 = arith.constant 80 : i32
      %mul3A_40 = arith.muli %add3A, %mul3A_39 : i32
      %mul3A_41 = arith.constant 8 : i32
      %mul3A_42 = arith.muli %scan3A_38, %mul3A_41 : i32
      %add3A_43 = arith.addi %mul3A_40, %mul3A_42 : i32
      "tpu.region"() ({
        %run_scoped3A = tpu.sem_alloc : memref<!tpu.dma_semaphore, #tpu.memory_space<semaphore_mem>>
        %dma_start3A = arith.constant 0 : i32
        %dma_start3A_50 = tpu.memref_slice %arg4[%add3A_43, %dma_start3A] : memref<2560x128xi32, #tpu.memory_space<hbm>> -> memref<8x128xi32, #tpu.memory_space<hbm>>
        %dma_start3A_51 = arith.constant 0 : i32
        %dma_start3A_52 = tpu.memref_slice %arg4[%add3A_43, %dma_start3A_51] : memref<2560x128xi32, #tpu.memory_space<hbm>> -> memref<8x128xi32, #tpu.memory_space<hbm>>
        tpu.enqueue_dma source(%dma_start3A_52 : memref<8x128xi32, #tpu.memory_space<hbm>>) target(%arg7 : memref<8x128xi32, #tpu.memory_space<vmem>>) target_semaphore(%run_scoped3A : memref<!tpu.dma_semaphore, #tpu.memory_space<semaphore_mem>>)
        %dma_wait3A = arith.constant 0 : i32
        %dma_wait3A_53 = tpu.memref_slice %arg4[%add3A_43, %dma_wait3A] : memref<2560x128xi32, #tpu.memory_space<hbm>> -> memref<8x128xi32, #tpu.memory_space<hbm>>
        %dma_wait3A_54 = arith.constant 0 : i32
        %dma_wait3A_55 = tpu.memref_slice %arg4[%add3A_43, %dma_wait3A_54] : memref<2560x128xi32, #tpu.memory_space<hbm>> -> memref<8x128xi32, #tpu.memory_space<hbm>>
        tpu.wait_dma2 semaphore(%run_scoped3A : memref<!tpu.dma_semaphore, #tpu.memory_space<semaphore_mem>>) src(%dma_wait3A_55 : memref<8x128xi32, #tpu.memory_space<hbm>>) dst(%arg7 : memref<8x128xi32, #tpu.memory_space<vmem>>)
        tpu.yield
      }) : () -> ()
      "tpu.region"() ({
        %run_scoped3A = tpu.sem_alloc : memref<!tpu.dma_semaphore, #tpu.memory_space<semaphore_mem>>
        %dma_start3A = arith.constant 0 : i32
        %dma_start3A_50 = tpu.memref_slice %arg5[%add3A_43, %dma_start3A] : memref<2560x128xi32, #tpu.memory_space<hbm>> -> memref<8x128xi32, #tpu.memory_space<hbm>>
        %dma_start3A_51 = arith.constant 0 : i32
        %dma_start3A_52 = tpu.memref_slice %arg5[%add3A_43, %dma_start3A_51] : memref<2560x128xi32, #tpu.memory_space<hbm>> -> memref<8x128xi32, #tpu.memory_space<hbm>>
        tpu.enqueue_dma source(%dma_start3A_52 : memref<8x128xi32, #tpu.memory_space<hbm>>) target(%arg8 : memref<8x128xi32, #tpu.memory_space<vmem>>) target_semaphore(%run_scoped3A : memref<!tpu.dma_semaphore, #tpu.memory_space<semaphore_mem>>)
        %dma_wait3A = arith.constant 0 : i32
        %dma_wait3A_53 = tpu.memref_slice %arg5[%add3A_43, %dma_wait3A] : memref<2560x128xi32, #tpu.memory_space<hbm>> -> memref<8x128xi32, #tpu.memory_space<hbm>>
        %dma_wait3A_54 = arith.constant 0 : i32
        %dma_wait3A_55 = tpu.memref_slice %arg5[%add3A_43, %dma_wait3A_54] : memref<2560x128xi32, #tpu.memory_space<hbm>> -> memref<8x128xi32, #tpu.memory_space<hbm>>
        tpu.wait_dma2 semaphore(%run_scoped3A : memref<!tpu.dma_semaphore, #tpu.memory_space<semaphore_mem>>) src(%dma_wait3A_55 : memref<8x128xi32, #tpu.memory_space<hbm>>) dst(%arg8 : memref<8x128xi32, #tpu.memory_space<vmem>>)
        tpu.yield
      }) : () -> ()
      %scan3A_44 = arith.constant 0 : i32
      %scan3A_45 = arith.constant 0 : i32
      %scan3A_46 = arith.constant 8 : i32
      %scan3A_47 = arith.addi %scan3A_45, %scan3A_46 : i32
      %scan3A_48 = arith.constant 1 : i32
      scf.for %scan3A_50 = %scan3A_45 to %scan3A_47 step %scan3A_48  : i32 {
        %dma_start3A = arith.constant 0 : i32
        %dma_start3A_51 = tpu.memref_slice %arg7[%scan3A_50, %dma_start3A] : memref<8x128xi32, #tpu.memory_space<vmem>> -> memref<1x128xi32, #tpu.memory_space<vmem>>
        %dma_start3A_52 = tpu.memref_squeeze %dma_start3A_51 : memref<1x128xi32, #tpu.memory_space<vmem>> -> memref<128xi32, #tpu.memory_space<vmem>>
        %dma_start3A_53 = arith.constant 0 : i32
        %dma_start3A_54 = arith.constant 0 : i32
        %dma_start3A_55 = tpu.memref_slice %arg2[%dma_start3A_53, %dma_start3A_54] : memref<10000x128xf32, #tpu.memory_space<hbm>> -> memref<10000x128xf32, #tpu.memory_space<hbm>>
        tpu.enqueue_indirect_dma source(%dma_start3A_55 : memref<10000x128xf32, #tpu.memory_space<hbm>>) target(%arg9 : memref<128x128xf32, #tpu.memory_space<vmem>>) offsets(%dma_start3A_52 : memref<128xi32, #tpu.memory_space<vmem>>) semaphore(%arg11 : memref<!tpu.dma_semaphore, #tpu.memory_space<semaphore_mem>>)
        %dma_wait3A = arith.constant 0 : i32
        %dma_wait3A_56 = tpu.memref_slice %arg7[%scan3A_50, %dma_wait3A] : memref<8x128xi32, #tpu.memory_space<vmem>> -> memref<1x128xi32, #tpu.memory_space<vmem>>
        %dma_wait3A_57 = tpu.memref_squeeze %dma_wait3A_56 : memref<1x128xi32, #tpu.memory_space<vmem>> -> memref<128xi32, #tpu.memory_space<vmem>>
        %dma_wait3A_58 = arith.constant 0 : i32
        %dma_wait3A_59 = arith.constant 0 : i32
        %dma_wait3A_60 = tpu.memref_slice %arg2[%dma_wait3A_58, %dma_wait3A_59] : memref<10000x128xf32, #tpu.memory_space<hbm>> -> memref<10000x128xf32, #tpu.memory_space<hbm>>
        tpu.wait_indirect_dma semaphore(%arg11 : memref<!tpu.dma_semaphore, #tpu.memory_space<semaphore_mem>>) src(%dma_wait3A_60 : memref<10000x128xf32, #tpu.memory_space<hbm>>) dst(%arg9 : memref<128x128xf32, #tpu.memory_space<vmem>>)
        %add3A_61 = arith.addi %add3A_43, %scan3A_50 : i32
        %mul3A_62 = arith.constant 128 : i32
        %mul3A_63 = arith.muli %add3A_61, %mul3A_62 : i32
        "tpu.region"() ({
          %run_scoped3A = tpu.sem_alloc : memref<!tpu.dma_semaphore, #tpu.memory_space<semaphore_mem>>
          %dma_start3A_70 = arith.constant 0 : i32
          %dma_start3A_71 = tpu.memref_slice %arg3[%mul3A_63, %dma_start3A_70] : memref<327680x128xf32, #tpu.memory_space<hbm>> -> memref<128x128xf32, #tpu.memory_space<hbm>>
          %dma_start3A_72 = arith.constant 0 : i32
          %dma_start3A_73 = tpu.memref_slice %arg3[%mul3A_63, %dma_start3A_72] : memref<327680x128xf32, #tpu.memory_space<hbm>> -> memref<128x128xf32, #tpu.memory_space<hbm>>
          tpu.enqueue_dma source(%dma_start3A_73 : memref<128x128xf32, #tpu.memory_space<hbm>>) target(%arg10 : memref<128x128xf32, #tpu.memory_space<vmem>>) target_semaphore(%run_scoped3A : memref<!tpu.dma_semaphore, #tpu.memory_space<semaphore_mem>>)
          %dma_wait3A_74 = arith.constant 0 : i32
          %dma_wait3A_75 = tpu.memref_slice %arg3[%mul3A_63, %dma_wait3A_74] : memref<327680x128xf32, #tpu.memory_space<hbm>> -> memref<128x128xf32, #tpu.memory_space<hbm>>
          %dma_wait3A_76 = arith.constant 0 : i32
          %dma_wait3A_77 = tpu.memref_slice %arg3[%mul3A_63, %dma_wait3A_76] : memref<327680x128xf32, #tpu.memory_space<hbm>> -> memref<128x128xf32, #tpu.memory_space<hbm>>
          tpu.wait_dma2 semaphore(%run_scoped3A : memref<!tpu.dma_semaphore, #tpu.memory_space<semaphore_mem>>) src(%dma_wait3A_77 : memref<128x128xf32, #tpu.memory_space<hbm>>) dst(%arg10 : memref<128x128xf32, #tpu.memory_space<vmem>>)
          tpu.yield
        }) : () -> ()
        %scan3A_64 = arith.constant 0 : i32
        %scan3A_65 = arith.constant 0 : i32
        %scan3A_66 = arith.constant 128 : i32
        %scan3A_67 = arith.addi %scan3A_65, %scan3A_66 : i32
        %scan3A_68 = arith.constant 1 : i32
        scf.for %scan3A_70 = %scan3A_65 to %scan3A_67 step %scan3A_68  : i32 {
          %get3A = arith.index_cast %scan3A_70 : i32 to index
          %get3A_71 = arith.constant 0 : index
          %get3A_72 = tpu.vector_load %arg9[%get3A, %get3A_71] {strides = array<i32>} : memref<128x128xf32, #tpu.memory_space<vmem>>, vector<1x16xf32>,
          %get3A_73 = vector.shape_cast %get3A_72 : vector<1x16xf32> to vector<16xf32>
          %get3A_74 = arith.index_cast %scan3A_70 : i32 to index
          %get3A_75 = arith.constant 0 : index
          %get3A_76 = tpu.vector_load %arg10[%get3A_74, %get3A_75] {strides = array<i32>} : memref<128x128xf32, #tpu.memory_space<vmem>>, vector<1x16xf32>,
          %get3A_77 = vector.shape_cast %get3A_76 : vector<1x16xf32> to vector<16xf32>
          %add3A_78 = arith.addf %get3A_73, %get3A_77 : vector<16xf32>
          %max3A = arith.constant 0.000000e+00 : f32
          %max3A_79 = vector.broadcast %max3A : f32 to vector<16xf32>
          %max3A_80 = arith.maximumf %add3A_78, %max3A_79 : vector<16xf32>
          %swap3A = arith.index_cast %scan3A_70 : i32 to index
          %swap3A_81 = arith.constant 0 : index
          %swap3A_82 = tpu.vector_load %arg10[%swap3A, %swap3A_81] {strides = array<i32>} : memref<128x128xf32, #tpu.memory_space<vmem>>, vector<1x16xf32>,
          %swap3A_83 = vector.shape_cast %swap3A_82 : vector<1x16xf32> to vector<16xf32>
          %swap3A_84 = vector.shape_cast %max3A_80 : vector<16xf32> to vector<1x16xf32>
          tpu.vector_store %arg10[%swap3A, %swap3A_81], %swap3A_84 {strides = array<i32>} : memref<128x128xf32, #tpu.memory_space<vmem>>, vector<1x16xf32>,
          %get3A_85 = arith.index_cast %scan3A_70 : i32 to index
          %get3A_86 = arith.constant 16 : index
          %get3A_87 = tpu.vector_load %arg9[%get3A_85, %get3A_86] {strides = array<i32>} : memref<128x128xf32, #tpu.memory_space<vmem>>, vector<1x16xf32>,
          %get3A_88 = vector.shape_cast %get3A_87 : vector<1x16xf32> to vector<16xf32>
          %get3A_89 = arith.index_cast %scan3A_70 : i32 to index
          %get3A_90 = arith.constant 16 : index
          %get3A_91 = tpu.vector_load %arg10[%get3A_89, %get3A_90] {strides = array<i32>} : memref<128x128xf32, #tpu.memory_space<vmem>>, vector<1x16xf32>,
          %get3A_92 = vector.shape_cast %get3A_91 : vector<1x16xf32> to vector<16xf32>
          %add3A_93 = arith.addf %get3A_88, %get3A_92 : vector<16xf32>
          %max3A_94 = arith.constant 0.000000e+00 : f32
          %max3A_95 = vector.broadcast %max3A_94 : f32 to vector<16xf32>
          %max3A_96 = arith.maximumf %add3A_93, %max3A_95 : vector<16xf32>
          %swap3A_97 = arith.index_cast %scan3A_70 : i32 to index
          %swap3A_98 = arith.constant 16 : index
          %swap3A_99 = tpu.vector_load %arg10[%swap3A_97, %swap3A_98] {strides = array<i32>} : memref<128x128xf32, #tpu.memory_space<vmem>>, vector<1x16xf32>,
          %swap3A_100 = vector.shape_cast %swap3A_99 : vector<1x16xf32> to vector<16xf32>
          %swap3A_101 = vector.shape_cast %max3A_96 : vector<16xf32> to vector<1x16xf32>
          tpu.vector_store %arg10[%swap3A_97, %swap3A_98], %swap3A_101 {strides = array<i32>} : memref<128x128xf32, #tpu.memory_space<vmem>>, vector<1x16xf32>,
          %get3A_102 = arith.index_cast %scan3A_70 : i32 to index
          %get3A_103 = arith.constant 32 : index
          %get3A_104 = tpu.vector_load %arg9[%get3A_102, %get3A_103] {strides = array<i32>} : memref<128x128xf32, #tpu.memory_space<vmem>>, vector<1x16xf32>,
          %get3A_105 = vector.shape_cast %get3A_104 : vector<1x16xf32> to vector<16xf32>
          %get3A_106 = arith.index_cast %scan3A_70 : i32 to index
          %get3A_107 = arith.constant 32 : index
          %get3A_108 = tpu.vector_load %arg10[%get3A_106, %get3A_107] {strides = array<i32>} : memref<128x128xf32, #tpu.memory_space<vmem>>, vector<1x16xf32>,
          %get3A_109 = vector.shape_cast %get3A_108 : vector<1x16xf32> to vector<16xf32>
          %add3A_110 = arith.addf %get3A_105, %get3A_109 : vector<16xf32>
          %max3A_111 = arith.constant 0.000000e+00 : f32
          %max3A_112 = vector.broadcast %max3A_111 : f32 to vector<16xf32>
          %max3A_113 = arith.maximumf %add3A_110, %max3A_112 : vector<16xf32>
          %swap3A_114 = arith.index_cast %scan3A_70 : i32 to index
          %swap3A_115 = arith.constant 32 : index
          %swap3A_116 = tpu.vector_load %arg10[%swap3A_114, %swap3A_115] {strides = array<i32>} : memref<128x128xf32, #tpu.memory_space<vmem>>, vector<1x16xf32>,
          %swap3A_117 = vector.shape_cast %swap3A_116 : vector<1x16xf32> to vector<16xf32>
          %swap3A_118 = vector.shape_cast %max3A_113 : vector<16xf32> to vector<1x16xf32>
          tpu.vector_store %arg10[%swap3A_114, %swap3A_115], %swap3A_118 {strides = array<i32>} : memref<128x128xf32, #tpu.memory_space<vmem>>, vector<1x16xf32>,
          %get3A_119 = arith.index_cast %scan3A_70 : i32 to index
          %get3A_120 = arith.constant 48 : index
          %get3A_121 = tpu.vector_load %arg9[%get3A_119, %get3A_120] {strides = array<i32>} : memref<128x128xf32, #tpu.memory_space<vmem>>, vector<1x16xf32>,
          %get3A_122 = vector.shape_cast %get3A_121 : vector<1x16xf32> to vector<16xf32>
          %get3A_123 = arith.index_cast %scan3A_70 : i32 to index
          %get3A_124 = arith.constant 48 : index
          %get3A_125 = tpu.vector_load %arg10[%get3A_123, %get3A_124] {strides = array<i32>} : memref<128x128xf32, #tpu.memory_space<vmem>>, vector<1x16xf32>,
          %get3A_126 = vector.shape_cast %get3A_125 : vector<1x16xf32> to vector<16xf32>
          %add3A_127 = arith.addf %get3A_122, %get3A_126 : vector<16xf32>
          %max3A_128 = arith.constant 0.000000e+00 : f32
          %max3A_129 = vector.broadcast %max3A_128 : f32 to vector<16xf32>
          %max3A_130 = arith.maximumf %add3A_127, %max3A_129 : vector<16xf32>
          %swap3A_131 = arith.index_cast %scan3A_70 : i32 to index
          %swap3A_132 = arith.constant 48 : index
          %swap3A_133 = tpu.vector_load %arg10[%swap3A_131, %swap3A_132] {strides = array<i32>} : memref<128x128xf32, #tpu.memory_space<vmem>>, vector<1x16xf32>,
          %swap3A_134 = vector.shape_cast %swap3A_133 : vector<1x16xf32> to vector<16xf32>
          %swap3A_135 = vector.shape_cast %max3A_130 : vector<16xf32> to vector<1x16xf32>
          tpu.vector_store %arg10[%swap3A_131, %swap3A_132], %swap3A_135 {strides = array<i32>} : memref<128x128xf32, #tpu.memory_space<vmem>>, vector<1x16xf32>,
          %get3A_136 = arith.index_cast %scan3A_70 : i32 to index
          %get3A_137 = arith.constant 64 : index
          %get3A_138 = tpu.vector_load %arg9[%get3A_136, %get3A_137] {strides = array<i32>} : memref<128x128xf32, #tpu.memory_space<vmem>>, vector<1x16xf32>,
          %get3A_139 = vector.shape_cast %get3A_138 : vector<1x16xf32> to vector<16xf32>
          %get3A_140 = arith.index_cast %scan3A_70 : i32 to index
          %get3A_141 = arith.constant 64 : index
          %get3A_142 = tpu.vector_load %arg10[%get3A_140, %get3A_141] {strides = array<i32>} : memref<128x128xf32, #tpu.memory_space<vmem>>, vector<1x16xf32>,
          %get3A_143 = vector.shape_cast %get3A_142 : vector<1x16xf32> to vector<16xf32>
          %add3A_144 = arith.addf %get3A_139, %get3A_143 : vector<16xf32>
          %max3A_145 = arith.constant 0.000000e+00 : f32
          %max3A_146 = vector.broadcast %max3A_145 : f32 to vector<16xf32>
          %max3A_147 = arith.maximumf %add3A_144, %max3A_146 : vector<16xf32>
          %swap3A_148 = arith.index_cast %scan3A_70 : i32 to index
          %swap3A_149 = arith.constant 64 : index
          %swap3A_150 = tpu.vector_load %arg10[%swap3A_148, %swap3A_149] {strides = array<i32>} : memref<128x128xf32, #tpu.memory_space<vmem>>, vector<1x16xf32>,
          %swap3A_151 = vector.shape_cast %swap3A_150 : vector<1x16xf32> to vector<16xf32>
          %swap3A_152 = vector.shape_cast %max3A_147 : vector<16xf32> to vector<1x16xf32>
          tpu.vector_store %arg10[%swap3A_148, %swap3A_149], %swap3A_152 {strides = array<i32>} : memref<128x128xf32, #tpu.memory_space<vmem>>, vector<1x16xf32>,
          %get3A_153 = arith.index_cast %scan3A_70 : i32 to index
          %get3A_154 = arith.constant 80 : index
          %get3A_155 = tpu.vector_load %arg9[%get3A_153, %get3A_154] {strides = array<i32>} : memref<128x128xf32, #tpu.memory_space<vmem>>, vector<1x16xf32>,
          %get3A_156 = vector.shape_cast %get3A_155 : vector<1x16xf32> to vector<16xf32>
          %get3A_157 = arith.index_cast %scan3A_70 : i32 to index
          %get3A_158 = arith.constant 80 : index
          %get3A_159 = tpu.vector_load %arg10[%get3A_157, %get3A_158] {strides = array<i32>} : memref<128x128xf32, #tpu.memory_space<vmem>>, vector<1x16xf32>,
          %get3A_160 = vector.shape_cast %get3A_159 : vector<1x16xf32> to vector<16xf32>
          %add3A_161 = arith.addf %get3A_156, %get3A_160 : vector<16xf32>
          %max3A_162 = arith.constant 0.000000e+00 : f32
          %max3A_163 = vector.broadcast %max3A_162 : f32 to vector<16xf32>
          %max3A_164 = arith.maximumf %add3A_161, %max3A_163 : vector<16xf32>
          %swap3A_165 = arith.index_cast %scan3A_70 : i32 to index
          %swap3A_166 = arith.constant 80 : index
          %swap3A_167 = tpu.vector_load %arg10[%swap3A_165, %swap3A_166] {strides = array<i32>} : memref<128x128xf32, #tpu.memory_space<vmem>>, vector<1x16xf32>,
          %swap3A_168 = vector.shape_cast %swap3A_167 : vector<1x16xf32> to vector<16xf32>
          %swap3A_169 = vector.shape_cast %max3A_164 : vector<16xf32> to vector<1x16xf32>
          tpu.vector_store %arg10[%swap3A_165, %swap3A_166], %swap3A_169 {strides = array<i32>} : memref<128x128xf32, #tpu.memory_space<vmem>>, vector<1x16xf32>,
          %get3A_170 = arith.index_cast %scan3A_70 : i32 to index
          %get3A_171 = arith.constant 96 : index
          %get3A_172 = tpu.vector_load %arg9[%get3A_170, %get3A_171] {strides = array<i32>} : memref<128x128xf32, #tpu.memory_space<vmem>>, vector<1x16xf32>,
          %get3A_173 = vector.shape_cast %get3A_172 : vector<1x16xf32> to vector<16xf32>
          %get3A_174 = arith.index_cast %scan3A_70 : i32 to index
          %get3A_175 = arith.constant 96 : index
          %get3A_176 = tpu.vector_load %arg10[%get3A_174, %get3A_175] {strides = array<i32>} : memref<128x128xf32, #tpu.memory_space<vmem>>, vector<1x16xf32>,
          %get3A_177 = vector.shape_cast %get3A_176 : vector<1x16xf32> to vector<16xf32>
          %add3A_178 = arith.addf %get3A_173, %get3A_177 : vector<16xf32>
          %max3A_179 = arith.constant 0.000000e+00 : f32
          %max3A_180 = vector.broadcast %max3A_179 : f32 to vector<16xf32>
          %max3A_181 = arith.maximumf %add3A_178, %max3A_180 : vector<16xf32>
          %swap3A_182 = arith.index_cast %scan3A_70 : i32 to index
          %swap3A_183 = arith.constant 96 : index
          %swap3A_184 = tpu.vector_load %arg10[%swap3A_182, %swap3A_183] {strides = array<i32>} : memref<128x128xf32, #tpu.memory_space<vmem>>, vector<1x16xf32>,
          %swap3A_185 = vector.shape_cast %swap3A_184 : vector<1x16xf32> to vector<16xf32>
          %swap3A_186 = vector.shape_cast %max3A_181 : vector<16xf32> to vector<1x16xf32>
          tpu.vector_store %arg10[%swap3A_182, %swap3A_183], %swap3A_186 {strides = array<i32>} : memref<128x128xf32, #tpu.memory_space<vmem>>, vector<1x16xf32>,
          %get3A_187 = arith.index_cast %scan3A_70 : i32 to index
          %get3A_188 = arith.constant 112 : index
          %get3A_189 = tpu.vector_load %arg9[%get3A_187, %get3A_188] {strides = array<i32>} : memref<128x128xf32, #tpu.memory_space<vmem>>, vector<1x16xf32>,
          %get3A_190 = vector.shape_cast %get3A_189 : vector<1x16xf32> to vector<16xf32>
          %get3A_191 = arith.index_cast %scan3A_70 : i32 to index
          %get3A_192 = arith.constant 112 : index
          %get3A_193 = tpu.vector_load %arg10[%get3A_191, %get3A_192] {strides = array<i32>} : memref<128x128xf32, #tpu.memory_space<vmem>>, vector<1x16xf32>,
          %get3A_194 = vector.shape_cast %get3A_193 : vector<1x16xf32> to vector<16xf32>
          %add3A_195 = arith.addf %get3A_190, %get3A_194 : vector<16xf32>
          %max3A_196 = arith.constant 0.000000e+00 : f32
          %max3A_197 = vector.broadcast %max3A_196 : f32 to vector<16xf32>
          %max3A_198 = arith.maximumf %add3A_195, %max3A_197 : vector<16xf32>
          %swap3A_199 = arith.index_cast %scan3A_70 : i32 to index
          %swap3A_200 = arith.constant 112 : index
          %swap3A_201 = tpu.vector_load %arg10[%swap3A_199, %swap3A_200] {strides = array<i32>} : memref<128x128xf32, #tpu.memory_space<vmem>>, vector<1x16xf32>,
          %swap3A_202 = vector.shape_cast %swap3A_201 : vector<1x16xf32> to vector<16xf32>
          %swap3A_203 = vector.shape_cast %max3A_198 : vector<16xf32> to vector<1x16xf32>
          tpu.vector_store %arg10[%swap3A_199, %swap3A_200], %swap3A_203 {strides = array<i32>} : memref<128x128xf32, #tpu.memory_space<vmem>>, vector<1x16xf32>,
        }
        %scan3A_69 = arith.constant 128 : i32
        "tpu.region"() ({
          %run_scoped3A = tpu.sem_alloc : memref<!tpu.dma_semaphore, #tpu.memory_space<semaphore_mem>>
          %dma_start3A_70 = arith.constant 0 : i32
          %dma_start3A_71 = tpu.memref_slice %arg8[%scan3A_50, %dma_start3A_70] : memref<8x128xi32, #tpu.memory_space<vmem>> -> memref<1x128xi32, #tpu.memory_space<vmem>>
          %dma_start3A_72 = tpu.memref_squeeze %dma_start3A_71 : memref<1x128xi32, #tpu.memory_space<vmem>> -> memref<128xi32, #tpu.memory_space<vmem>>
          %dma_start3A_73 = arith.constant 0 : i32
          %dma_start3A_74 = arith.constant 0 : i32
          %dma_start3A_75 = tpu.memref_slice %arg12[%dma_start3A_73, %dma_start3A_74] : memref<10240x128xf32, #tpu.memory_space<vmem_shared>> -> memref<10240x128xf32, #tpu.memory_space<vmem_shared>>
          tpu.enqueue_indirect_dma source(%arg10 : memref<128x128xf32, #tpu.memory_space<vmem>>) target(%dma_start3A_75 : memref<10240x128xf32, #tpu.memory_space<vmem_shared>>) offsets(%dma_start3A_72 : memref<128xi32, #tpu.memory_space<vmem>>) semaphore(%run_scoped3A : memref<!tpu.dma_semaphore, #tpu.memory_space<semaphore_mem>>) {add = true}
          %dma_wait3A_76 = arith.constant 0 : i32
          %dma_wait3A_77 = tpu.memref_slice %arg8[%scan3A_50, %dma_wait3A_76] : memref<8x128xi32, #tpu.memory_space<vmem>> -> memref<1x128xi32, #tpu.memory_space<vmem>>
          %dma_wait3A_78 = tpu.memref_squeeze %dma_wait3A_77 : memref<1x128xi32, #tpu.memory_space<vmem>> -> memref<128xi32, #tpu.memory_space<vmem>>
          %dma_wait3A_79 = arith.constant 0 : i32
          %dma_wait3A_80 = arith.constant 0 : i32
          %dma_wait3A_81 = tpu.memref_slice %arg12[%dma_wait3A_79, %dma_wait3A_80] : memref<10240x128xf32, #tpu.memory_space<vmem_shared>> -> memref<10240x128xf32, #tpu.memory_space<vmem_shared>>
          tpu.wait_indirect_dma semaphore(%run_scoped3A : memref<!tpu.dma_semaphore, #tpu.memory_space<semaphore_mem>>) src(%arg10 : memref<128x128xf32, #tpu.memory_space<vmem>>) dst(%dma_wait3A_81 : memref<10240x128xf32, #tpu.memory_space<vmem_shared>>)
          tpu.yield
        }) : () -> ()
      }
      %scan3A_49 = arith.constant 8 : i32
    }
    %scan3A_32 = arith.constant 10 : i32
    %barrier3A_33 = arith.constant 0 : index
    tpu.barrier barrier_id(%barrier3A_33)
    %mul3A_34 = arith.constant 640 : i32
    %mul3A_35 = arith.muli %arg1, %mul3A_34 : i32
    %mul3A_36 = arith.constant 640 : i32
    %mul3A_37 = arith.muli %arg1, %mul3A_36 : i32
    "tpu.region"() ({
      %run_scoped3A = tpu.sem_alloc : memref<!tpu.dma_semaphore, #tpu.memory_space<semaphore_mem>>
      %dma_start3A = arith.constant 0 : i32
      %dma_start3A_38 = tpu.memref_slice %arg6[%arg0, %mul3A_37, %dma_start3A] : memref<2x10240x128xf32, #tpu.memory_space<hbm>> -> memref<1x640x128xf32, #tpu.memory_space<hbm>>
      %dma_start3A_39 = tpu.memref_squeeze %dma_start3A_38 : memref<1x640x128xf32, #tpu.memory_space<hbm>> -> memref<640x128xf32, #tpu.memory_space<hbm>>
      %dma_start3A_40 = arith.constant 0 : i32
      %dma_start3A_41 = tpu.memref_slice %arg12[%mul3A_35, %dma_start3A_40] : memref<10240x128xf32, #tpu.memory_space<vmem_shared>> -> memref<640x128xf32, #tpu.memory_space<vmem_shared>>
      tpu.enqueue_dma source(%dma_start3A_41 : memref<640x128xf32, #tpu.memory_space<vmem_shared>>) target(%dma_start3A_39 : memref<640x128xf32, #tpu.memory_space<hbm>>) target_semaphore(%run_scoped3A : memref<!tpu.dma_semaphore, #tpu.memory_space<semaphore_mem>>)
      %dma_wait3A = arith.constant 0 : i32
      %dma_wait3A_42 = tpu.memref_slice %arg6[%arg0, %mul3A_37, %dma_wait3A] : memref<2x10240x128xf32, #tpu.memory_space<hbm>> -> memref<1x640x128xf32, #tpu.memory_space<hbm>>
      %dma_wait3A_43 = tpu.memref_squeeze %dma_wait3A_42 : memref<1x640x128xf32, #tpu.memory_space<hbm>> -> memref<640x128xf32, #tpu.memory_space<hbm>>
      %dma_wait3A_44 = arith.constant 0 : i32
      %dma_wait3A_45 = tpu.memref_slice %arg12[%mul3A_35, %dma_wait3A_44] : memref<10240x128xf32, #tpu.memory_space<vmem_shared>> -> memref<640x128xf32, #tpu.memory_space<vmem_shared>>
      tpu.wait_dma2 semaphore(%run_scoped3A : memref<!tpu.dma_semaphore, #tpu.memory_space<semaphore_mem>>) src(%dma_wait3A_45 : memref<640x128xf32, #tpu.memory_space<vmem_shared>>) dst(%dma_wait3A_43 : memref<640x128xf32, #tpu.memory_space<hbm>>)
      tpu.yield
    }) : () -> ()
    return
  }
}

module attributes {stable_mosaic.version = 14 : i64} {
  func.func @_pool_head_body(%arg0: i32, %arg1: memref<2000x128xf32, #tpu.memory_space<vmem>>, %arg2: memref<1x1x2000xi32, #tpu.memory_space<vmem>>, %arg3: memref<1x128xf32, #tpu.memory_space<vmem>>, %arg4: memref<1x128xf32, #tpu.memory_space<vmem>>, %arg5: memref<128x128xf32, #tpu.memory_space<vmem>>, %arg6: memref<1x128xf32, #tpu.memory_space<vmem>>, %arg7: memref<1x128xf32, #tpu.memory_space<vmem>>, %arg8: memref<1x128xf32, #tpu.memory_space<vmem>>, %arg9: memref<128x1xf32, #tpu.memory_space<vmem>>, %arg10: memref<1x1xf32, #tpu.memory_space<vmem>>, %arg11: memref<64x1xf32, #tpu.memory_space<vmem>>, %arg12: memref<64x128xf32, #tpu.memory_space<vmem>>, %arg13: memref<64x1xf32, #tpu.memory_space<vmem>>) attributes {dimension_semantics = [#tpu.dimension_semantics<arbitrary>], iteration_bounds = array<i64: 5>, scalar_prefetch = 0 : i64, scratch_operands = 2 : i64, tpu.core_type = #tpu.core_type<tc>, window_params = [{transform_indices = @transform_0, window_bounds = array<i64: 2000, 128>}, {transform_indices = @transform_1, window_bounds = array<i64: 1, 1, 2000>}, {pipeline_mode = #tpu.pipeline_mode<synchronous>, transform_indices = @transform_2, window_bounds = array<i64: 1, 128>}, {pipeline_mode = #tpu.pipeline_mode<synchronous>, transform_indices = @transform_3, window_bounds = array<i64: 1, 128>}, {pipeline_mode = #tpu.pipeline_mode<synchronous>, transform_indices = @transform_4, window_bounds = array<i64: 128, 128>}, {pipeline_mode = #tpu.pipeline_mode<synchronous>, transform_indices = @transform_5, window_bounds = array<i64: 1, 128>}, {pipeline_mode = #tpu.pipeline_mode<synchronous>, transform_indices = @transform_6, window_bounds = array<i64: 1, 128>}, {pipeline_mode = #tpu.pipeline_mode<synchronous>, transform_indices = @transform_7, window_bounds = array<i64: 1, 128>}, {pipeline_mode = #tpu.pipeline_mode<synchronous>, transform_indices = @transform_8, window_bounds = array<i64: 128, 1>}, {pipeline_mode = #tpu.pipeline_mode<synchronous>, transform_indices = @transform_9, window_bounds = array<i64: 1, 1>}, {pipeline_mode = #tpu.pipeline_mode<synchronous>, transform_indices = @transform_10, window_bounds = array<i64: 64, 1>}]} {
    %eq3A = arith.constant 0 : i32
    %eq3A_0 = arith.cmpi eq, %arg0, %eq3A : i32
    %convert_element_type3A = arith.extui %eq3A_0 : i1 to i32
    %cond3A = arith.constant 0 : i32
    %cond3A_1 = arith.cmpi ne, %convert_element_type3A, %cond3A : i32
    scf.if %cond3A_1 {
      %broadcast_in_dim3A_31 = arith.constant 0.000000e+00 : f32
      %broadcast_in_dim3A_32 = vector.broadcast %broadcast_in_dim3A_31 : f32 to vector<64x128xf32>
      %swap3A_33 = arith.constant 0 : index
      %swap3A_34 = arith.constant 0 : index
      %swap3A_35 = vector.load %arg12[%swap3A_33, %swap3A_34] : memref<64x128xf32, #tpu.memory_space<vmem>>, vector<64x128xf32>
      tpu.vector_store %arg12[%swap3A_33, %swap3A_34], %broadcast_in_dim3A_32 {strides = array<i32>} : memref<64x128xf32, #tpu.memory_space<vmem>>, vector<64x128xf32>,
      %broadcast_in_dim3A_36 = arith.constant 0.000000e+00 : f32
      %broadcast_in_dim3A_37 = vector.broadcast %broadcast_in_dim3A_36 : f32 to vector<64x1xf32>
      %swap3A_38 = arith.constant 0 : index
      %swap3A_39 = arith.constant 0 : index
      %swap3A_40 = vector.load %arg13[%swap3A_38, %swap3A_39] : memref<64x1xf32, #tpu.memory_space<vmem>>, vector<64x1xf32>
      tpu.vector_store %arg13[%swap3A_38, %swap3A_39], %broadcast_in_dim3A_37 {strides = array<i32>} : memref<64x1xf32, #tpu.memory_space<vmem>>, vector<64x1xf32>,
    } else {
    }
    %get3A = arith.constant 0 : index
    %get3A_2 = arith.constant 0 : index
    %get3A_3 = arith.constant 0 : index
    %get3A_4 = vector.load %arg2[%get3A, %get3A_2, %get3A_3] : memref<1x1x2000xi32, #tpu.memory_space<vmem>>, vector<1x1x2000xi32>
    %reshape3A = vector.shape_cast %get3A_4 : vector<1x1x2000xi32> to vector<1x2000xi32>
    %iota3A = tpu.iota {dimensions = array<i32: 0>} : vector<64x2000xi32>
    %eq3A_5 = vector.broadcast %reshape3A : vector<1x2000xi32> to vector<64x2000xi32>
    %eq3A_6 = arith.cmpi eq, %iota3A, %eq3A_5 : vector<64x2000xi32>
    %convert_element_type3A_7 = arith.extui %eq3A_6 : vector<64x2000xi1> to vector<64x2000xi32>
    %convert_element_type3A_8 = arith.sitofp %convert_element_type3A_7 : vector<64x2000xi32> to vector<64x2000xf32>
    %get3A_9 = arith.constant 0 : index
    %get3A_10 = arith.constant 0 : index
    %get3A_11 = vector.load %arg12[%get3A_9, %get3A_10] : memref<64x128xf32, #tpu.memory_space<vmem>>, vector<64x128xf32>
    %get3A_12 = arith.constant 0 : index
    %get3A_13 = arith.constant 0 : index
    %get3A_14 = vector.load %arg1[%get3A_12, %get3A_13] : memref<2000x128xf32, #tpu.memory_space<vmem>>, vector<2000x128xf32>
    %dot_general3A = arith.constant dense<0.000000e+00> : vector<64x128xf32>
    %dot_general3A_15 = tpu.matmul %convert_element_type3A_8, %get3A_14, %dot_general3A {dimension_numbers = #tpu.dot_dimension_numbers<[1], [0], [0], [1], [0, 0, 1, 1], [], []>, precision = #tpu.contract_precision<fp32>, transpose_lhs_hint = false} : vector<64x2000xf32>, vector<2000x128xf32>, vector<64x128xf32> -> vector<64x128xf32>
    %add3A = arith.addf %get3A_11, %dot_general3A_15 : vector<64x128xf32>
    %swap3A = arith.constant 0 : index
    %swap3A_16 = arith.constant 0 : index
    %swap3A_17 = vector.load %arg12[%swap3A, %swap3A_16] : memref<64x128xf32, #tpu.memory_space<vmem>>, vector<64x128xf32>
    tpu.vector_store %arg12[%swap3A, %swap3A_16], %add3A {strides = array<i32>} : memref<64x128xf32, #tpu.memory_space<vmem>>, vector<64x128xf32>,
    %get3A_18 = arith.constant 0 : index
    %get3A_19 = arith.constant 0 : index
    %get3A_20 = vector.load %arg13[%get3A_18, %get3A_19] : memref<64x1xf32, #tpu.memory_space<vmem>>, vector<64x1xf32>
    %reduce_sum3A = arith.constant dense<0.000000e+00> : vector<64xf32>
    %reduce_sum3A_21 = vector.multi_reduction <add>, %convert_element_type3A_8, %reduce_sum3A [1] : vector<64x2000xf32> to vector<64xf32>
    %broadcast_in_dim3A = vector.shape_cast %reduce_sum3A_21 : vector<64xf32> to vector<64x1xf32>
    %add3A_22 = arith.addf %get3A_20, %broadcast_in_dim3A : vector<64x1xf32>
    %swap3A_23 = arith.constant 0 : index
    %swap3A_24 = arith.constant 0 : index
    %swap3A_25 = vector.load %arg13[%swap3A_23, %swap3A_24] : memref<64x1xf32, #tpu.memory_space<vmem>>, vector<64x1xf32>
    tpu.vector_store %arg13[%swap3A_23, %swap3A_24], %add3A_22 {strides = array<i32>} : memref<64x1xf32, #tpu.memory_space<vmem>>, vector<64x1xf32>,
    %eq3A_26 = arith.constant 4 : i32
    %eq3A_27 = arith.cmpi eq, %arg0, %eq3A_26 : i32
    %convert_element_type3A_28 = arith.extui %eq3A_27 : i1 to i32
    %cond3A_29 = arith.constant 0 : i32
    %cond3A_30 = arith.cmpi ne, %convert_element_type3A_28, %cond3A_29 : i32
    scf.if %cond3A_30 {
      %get3A_31 = arith.constant 0 : index
      %get3A_32 = arith.constant 0 : index
      %get3A_33 = vector.load %arg12[%get3A_31, %get3A_32] : memref<64x128xf32, #tpu.memory_space<vmem>>, vector<64x128xf32>
      %get3A_34 = arith.constant 0 : index
      %get3A_35 = arith.constant 0 : index
      %get3A_36 = vector.load %arg13[%get3A_34, %get3A_35] : memref<64x1xf32, #tpu.memory_space<vmem>>, vector<64x1xf32>
      %max3A = arith.constant 1.000000e+00 : f32
      %max3A_37 = vector.broadcast %max3A : f32 to vector<64x1xf32>
      %max3A_38 = arith.maximumf %get3A_36, %max3A_37 : vector<64x1xf32>
      %div3A = vector.broadcast %max3A_38 : vector<64x1xf32> to vector<64x128xf32>
      %div3A_39 = arith.divf %get3A_33, %div3A : vector<64x128xf32>
      %reduce_sum3A_40 = arith.constant dense<0.000000e+00> : vector<128xf32>
      %reduce_sum3A_41 = vector.multi_reduction <add>, %div3A_39, %reduce_sum3A_40 [0] : vector<64x128xf32> to vector<128xf32>
      %broadcast_in_dim3A_42 = vector.shape_cast %reduce_sum3A_41 : vector<128xf32> to vector<1x128xf32>
      %div3A_43 = arith.constant 6.400000e+01 : f32
      %div3A_44 = vector.broadcast %div3A_43 : f32 to vector<1x128xf32>
      %div3A_45 = arith.divf %broadcast_in_dim3A_42, %div3A_44 : vector<1x128xf32>
      %sub3A = vector.broadcast %div3A_45 : vector<1x128xf32> to vector<64x128xf32>
      %sub3A_46 = arith.subf %div3A_39, %sub3A : vector<64x128xf32>
      %integer_pow3A = arith.mulf %sub3A_46, %sub3A_46 : vector<64x128xf32>
      %reduce_sum3A_47 = arith.constant dense<0.000000e+00> : vector<128xf32>
      %reduce_sum3A_48 = vector.multi_reduction <add>, %integer_pow3A, %reduce_sum3A_47 [0] : vector<64x128xf32> to vector<128xf32>
      %broadcast_in_dim3A_49 = vector.shape_cast %reduce_sum3A_48 : vector<128xf32> to vector<1x128xf32>
      %div3A_50 = arith.constant 6.400000e+01 : f32
      %div3A_51 = vector.broadcast %div3A_50 : f32 to vector<1x128xf32>
      %div3A_52 = arith.divf %broadcast_in_dim3A_49, %div3A_51 : vector<1x128xf32>
      %sub3A_53 = vector.broadcast %div3A_45 : vector<1x128xf32> to vector<64x128xf32>
      %sub3A_54 = arith.subf %div3A_39, %sub3A_53 : vector<64x128xf32>
      %add3A_55 = arith.constant 9.99999974E-6 : f32
      %add3A_56 = vector.broadcast %add3A_55 : f32 to vector<1x128xf32>
      %add3A_57 = arith.addf %div3A_52, %add3A_56 : vector<1x128xf32>
      %sqrt3A = math.sqrt %add3A_57 : vector<1x128xf32>
      %div3A_58 = vector.broadcast %sqrt3A : vector<1x128xf32> to vector<64x128xf32>
      %div3A_59 = arith.divf %sub3A_54, %div3A_58 : vector<64x128xf32>
      %get3A_60 = arith.constant 0 : index
      %get3A_61 = arith.constant 0 : index
      %get3A_62 = vector.load %arg3[%get3A_60, %get3A_61] : memref<1x128xf32, #tpu.memory_space<vmem>>, vector<1x128xf32>
      %mul3A = vector.broadcast %get3A_62 : vector<1x128xf32> to vector<64x128xf32>
      %mul3A_63 = arith.mulf %div3A_59, %mul3A : vector<64x128xf32>
      %get3A_64 = arith.constant 0 : index
      %get3A_65 = arith.constant 0 : index
      %get3A_66 = vector.load %arg4[%get3A_64, %get3A_65] : memref<1x128xf32, #tpu.memory_space<vmem>>, vector<1x128xf32>
      %add3A_67 = vector.broadcast %get3A_66 : vector<1x128xf32> to vector<64x128xf32>
      %add3A_68 = arith.addf %mul3A_63, %add3A_67 : vector<64x128xf32>
      %convert_element_type3A_69 = arith.truncf %add3A_68 : vector<64x128xf32> to vector<64x128xbf16>
      %get3A_70 = arith.constant 0 : index
      %get3A_71 = arith.constant 0 : index
      %get3A_72 = vector.load %arg5[%get3A_70, %get3A_71] : memref<128x128xf32, #tpu.memory_space<vmem>>, vector<128x128xf32>
      %convert_element_type3A_73 = arith.truncf %get3A_72 : vector<128x128xf32> to vector<128x128xbf16>
      %dot_general3A_74 = arith.constant dense<0.000000e+00> : vector<64x128xf32>
      %dot_general3A_75 = tpu.matmul %convert_element_type3A_69, %convert_element_type3A_73, %dot_general3A_74 {dimension_numbers = #tpu.dot_dimension_numbers<[1], [0], [0], [1], [0, 0, 1, 1], [], []>, transpose_lhs_hint = false} : vector<64x128xbf16>, vector<128x128xbf16>, vector<64x128xf32> -> vector<64x128xf32>
      %get3A_76 = arith.constant 0 : index
      %get3A_77 = arith.constant 0 : index
      %get3A_78 = vector.load %arg6[%get3A_76, %get3A_77] : memref<1x128xf32, #tpu.memory_space<vmem>>, vector<1x128xf32>
      %add3A_79 = vector.broadcast %get3A_78 : vector<1x128xf32> to vector<64x128xf32>
      %add3A_80 = arith.addf %dot_general3A_75, %add3A_79 : vector<64x128xf32>
      %max3A_81 = arith.constant 0.000000e+00 : f32
      %max3A_82 = vector.broadcast %max3A_81 : f32 to vector<64x128xf32>
      %max3A_83 = arith.maximumf %add3A_80, %max3A_82 : vector<64x128xf32>
      %reduce_sum3A_84 = arith.constant dense<0.000000e+00> : vector<128xf32>
      %reduce_sum3A_85 = vector.multi_reduction <add>, %max3A_83, %reduce_sum3A_84 [0] : vector<64x128xf32> to vector<128xf32>
      %broadcast_in_dim3A_86 = vector.shape_cast %reduce_sum3A_85 : vector<128xf32> to vector<1x128xf32>
      %div3A_87 = arith.constant 6.400000e+01 : f32
      %div3A_88 = vector.broadcast %div3A_87 : f32 to vector<1x128xf32>
      %div3A_89 = arith.divf %broadcast_in_dim3A_86, %div3A_88 : vector<1x128xf32>
      %sub3A_90 = vector.broadcast %div3A_89 : vector<1x128xf32> to vector<64x128xf32>
      %sub3A_91 = arith.subf %max3A_83, %sub3A_90 : vector<64x128xf32>
      %integer_pow3A_92 = arith.mulf %sub3A_91, %sub3A_91 : vector<64x128xf32>
      %reduce_sum3A_93 = arith.constant dense<0.000000e+00> : vector<128xf32>
      %reduce_sum3A_94 = vector.multi_reduction <add>, %integer_pow3A_92, %reduce_sum3A_93 [0] : vector<64x128xf32> to vector<128xf32>
      %broadcast_in_dim3A_95 = vector.shape_cast %reduce_sum3A_94 : vector<128xf32> to vector<1x128xf32>
      %div3A_96 = arith.constant 6.400000e+01 : f32
      %div3A_97 = vector.broadcast %div3A_96 : f32 to vector<1x128xf32>
      %div3A_98 = arith.divf %broadcast_in_dim3A_95, %div3A_97 : vector<1x128xf32>
      %sub3A_99 = vector.broadcast %div3A_89 : vector<1x128xf32> to vector<64x128xf32>
      %sub3A_100 = arith.subf %max3A_83, %sub3A_99 : vector<64x128xf32>
      %add3A_101 = arith.constant 9.99999974E-6 : f32
      %add3A_102 = vector.broadcast %add3A_101 : f32 to vector<1x128xf32>
      %add3A_103 = arith.addf %div3A_98, %add3A_102 : vector<1x128xf32>
      %sqrt3A_104 = math.sqrt %add3A_103 : vector<1x128xf32>
      %div3A_105 = vector.broadcast %sqrt3A_104 : vector<1x128xf32> to vector<64x128xf32>
      %div3A_106 = arith.divf %sub3A_100, %div3A_105 : vector<64x128xf32>
      %get3A_107 = arith.constant 0 : index
      %get3A_108 = arith.constant 0 : index
      %get3A_109 = vector.load %arg7[%get3A_107, %get3A_108] : memref<1x128xf32, #tpu.memory_space<vmem>>, vector<1x128xf32>
      %mul3A_110 = vector.broadcast %get3A_109 : vector<1x128xf32> to vector<64x128xf32>
      %mul3A_111 = arith.mulf %div3A_106, %mul3A_110 : vector<64x128xf32>
      %get3A_112 = arith.constant 0 : index
      %get3A_113 = arith.constant 0 : index
      %get3A_114 = vector.load %arg8[%get3A_112, %get3A_113] : memref<1x128xf32, #tpu.memory_space<vmem>>, vector<1x128xf32>
      %add3A_115 = vector.broadcast %get3A_114 : vector<1x128xf32> to vector<64x128xf32>
      %add3A_116 = arith.addf %mul3A_111, %add3A_115 : vector<64x128xf32>
      %convert_element_type3A_117 = arith.truncf %add3A_116 : vector<64x128xf32> to vector<64x128xbf16>
      %get3A_118 = arith.constant 0 : index
      %get3A_119 = arith.constant 0 : index
      %get3A_120 = vector.load %arg9[%get3A_118, %get3A_119] : memref<128x1xf32, #tpu.memory_space<vmem>>, vector<128x1xf32>
      %convert_element_type3A_121 = arith.truncf %get3A_120 : vector<128x1xf32> to vector<128x1xbf16>
      %dot_general3A_122 = arith.constant dense<0.000000e+00> : vector<64x1xf32>
      %dot_general3A_123 = tpu.matmul %convert_element_type3A_117, %convert_element_type3A_121, %dot_general3A_122 {dimension_numbers = #tpu.dot_dimension_numbers<[1], [0], [0], [1], [0, 0, 1, 1], [], []>, transpose_lhs_hint = false} : vector<64x128xbf16>, vector<128x1xbf16>, vector<64x1xf32> -> vector<64x1xf32>
      %get3A_124 = arith.constant 0 : index
      %get3A_125 = arith.constant 0 : index
      %get3A_126 = vector.load %arg10[%get3A_124, %get3A_125] : memref<1x1xf32, #tpu.memory_space<vmem>>, vector<1x1xf32>
      %add3A_127 = vector.broadcast %get3A_126 : vector<1x1xf32> to vector<64x1xf32>
      %add3A_128 = arith.addf %dot_general3A_123, %add3A_127 : vector<64x1xf32>
      %swap3A_129 = arith.constant 0 : index
      %swap3A_130 = arith.constant 0 : index
      %swap3A_131 = vector.load %arg11[%swap3A_129, %swap3A_130] : memref<64x1xf32, #tpu.memory_space<vmem>>, vector<64x1xf32>
      tpu.vector_store %arg11[%swap3A_129, %swap3A_130], %add3A_128 {strides = array<i32>} : memref<64x1xf32, #tpu.memory_space<vmem>>, vector<64x1xf32>,
    } else {
    }
    return
  }
  func.func @transform_0(%arg0: i32) -> (i32, i32) {
    %c0_i32 = arith.constant 0 : i32
    %c0_i32_0 = arith.constant 0 : i32
    return %arg0, %c0_i32 : i32, i32
  }
  func.func @transform_1(%arg0: i32) -> (i32, i32, i32) {
    %c0_i32 = arith.constant 0 : i32
    %c0_i32_0 = arith.constant 0 : i32
    %c0_i32_1 = arith.constant 0 : i32
    return %arg0, %c0_i32, %c0_i32_0 : i32, i32, i32
  }
  func.func @transform_2(%arg0: i32) -> (i32, i32) {
    %c0_i32 = arith.constant 0 : i32
    %c0_i32_0 = arith.constant 0 : i32
    %c0_i32_1 = arith.constant 0 : i32
    return %c0_i32, %c0_i32_0 : i32, i32
  }
  func.func @transform_3(%arg0: i32) -> (i32, i32) {
    %c0_i32 = arith.constant 0 : i32
    %c0_i32_0 = arith.constant 0 : i32
    %c0_i32_1 = arith.constant 0 : i32
    return %c0_i32, %c0_i32_0 : i32, i32
  }
  func.func @transform_4(%arg0: i32) -> (i32, i32) {
    %c0_i32 = arith.constant 0 : i32
    %c0_i32_0 = arith.constant 0 : i32
    %c0_i32_1 = arith.constant 0 : i32
    return %c0_i32, %c0_i32_0 : i32, i32
  }
  func.func @transform_5(%arg0: i32) -> (i32, i32) {
    %c0_i32 = arith.constant 0 : i32
    %c0_i32_0 = arith.constant 0 : i32
    %c0_i32_1 = arith.constant 0 : i32
    return %c0_i32, %c0_i32_0 : i32, i32
  }
  func.func @transform_6(%arg0: i32) -> (i32, i32) {
    %c0_i32 = arith.constant 0 : i32
    %c0_i32_0 = arith.constant 0 : i32
    %c0_i32_1 = arith.constant 0 : i32
    return %c0_i32, %c0_i32_0 : i32, i32
  }
  func.func @transform_7(%arg0: i32) -> (i32, i32) {
    %c0_i32 = arith.constant 0 : i32
    %c0_i32_0 = arith.constant 0 : i32
    %c0_i32_1 = arith.constant 0 : i32
    return %c0_i32, %c0_i32_0 : i32, i32
  }
  func.func @transform_8(%arg0: i32) -> (i32, i32) {
    %c0_i32 = arith.constant 0 : i32
    %c0_i32_0 = arith.constant 0 : i32
    %c0_i32_1 = arith.constant 0 : i32
    return %c0_i32, %c0_i32_0 : i32, i32
  }
  func.func @transform_9(%arg0: i32) -> (i32, i32) {
    %c0_i32 = arith.constant 0 : i32
    %c0_i32_0 = arith.constant 0 : i32
    %c0_i32_1 = arith.constant 0 : i32
    return %c0_i32, %c0_i32_0 : i32, i32
  }
  func.func @transform_10(%arg0: i32) -> (i32, i32) {
    %c0_i32 = arith.constant 0 : i32
    %c0_i32_0 = arith.constant 0 : i32
    %c0_i32_1 = arith.constant 0 : i32
    return %c0_i32, %c0_i32_0 : i32, i32
  }
}

</mosaic_0001>

<sc_bundles>
// kernel: kernel.12.cloned.1.call-start
scs
__scs_entry_jumppad:
0x0: {  	(pc) =	sbr.rel $0x88, $3  }
0x1: {  	(tag) =	ssettag $0x0;
	lr =	simm.s32 $0x1  }
0x2: {  	[smem:$0x3F83] =	sst lr;
	_ =	strace $0xD0000000  }
0x3: {  	_ = 	snop  }
0x4: {  	_ = 	snop  }
0x5: {  	_ = 	snop  }
0x6: {  	_ = 	snop  }
0x7: {  	_ = 	snop  }
__scs_overlays_trampoline_lowered:
0x8: {  	[smem:$0x3F92] =	sst s0  }
0x9: {  	[smem:$0x3F93] =	sst s1  }
0xa: {  	[smem:$0x3F94] =	sst s2  }
0xb: {  	[smem:$0x3F95] =	sst s3  }
0xc: {  	[smem:$0x3F96] =	sst s4  }
0xd: {  	[smem:$0x3F97] =	sst s5  }
0xe: {  	[smem:$0x3F98] =	sst s6  }
0xf: {  	[smem:$0x3F99] =	sst s7  }
0x10: {  	[smem:$0x3F9A] =	sst s8  }
0x11: {  	[smem:$0x3F9B] =	sst s9;
	s0 =	simm.s32 @!p0 $0x0  }
0x12: {  	s1 =	sld [smem:$0x3F81];
	s0 =	simm.s32 @p0 $0x1  }
0x13: {  	[smem:$0x3F9C] =	sst s0;
	s0 =	simm.s32 @!p1 $0x0  }
0x14: {  	s2 =	sld [smem:$0x3F80];
	s0 =	simm.s32 @p1 $0x1  }
0x15: {  	[smem:$0x3F9D] =	sst s0;
	s0 =	simm.s32 @!p2 $0x0  }
0x16: {  	s3 =	sld [smem:$0x3FDB];
	s0 =	simm.s32 @p2 $0x1  }
0x17: {  	s4 =	simm.s32 $0x1BF5;
	[smem:$0x3F9F] =	sst s0  }
0x18: {  	s0 =	sld [smem:$0x3F82];
	_ =	swait.ge [sflag:s4], $0x0  }
0x19: {  	s7 =	sld [smem:$0x3F83]  }
0x1a: {  	s8 =	sadd.s32 $0xFFFFE003, lr  }
0x1b: {  	s9 =	sadd.s32 $0xFFFFFEF7, lr;
	s5 =	simm.s32 $0xFFFFFFFF;
	p2 =	slt.u32 s8, $0xFFFFF086  }
0x1c: {  	p1 =	slt.u32 s9, $0xF7A;
	s5 =	simm.s32 @!p2 $0x0  }
0x1d: {  	s5 =	simm.s32 @p1 $0x1;
	p0 =	seq.s32 s7, s2  }
0x1e: {  	s7 =	smul.u32 @!p0 $0xF7A, s2;
	p2 =	seq.s32 @!p0 s5, $0x0  }
0x1f: {  	s9 =	smul.u32 $0xF7A, s1;
	s8 =	simm.s32 @!p0 $0x1BF5;
	p2 =	por !p2, p0  }
0x20: {  	[sflag:s8] =	ssyncset.s32 @!p0 $0xFFFFF086;
	s6 =	sadd.s32 @!p0 s3, s7;
	s7 =	simm.s32 @!p0 $0x108  }
0x21: {  	s3 =	sadd.s32 s3, s9;
	s6 =	sadd.s32 @!p0 $0x88, s6;
	s7 =	simm.s32 @p2 $0x1082  }
0x22: {  	[simem:s7], [sflag:s8] =	dma.local @!p0 [hbm:s6], $0xF7A  }
0x23: {  	s9 =	sor.u32 $0xD0000000, s2;
	s6 =	simm.s32 $0x108;
	_ =	swait.ge @!p0 [sflag:s8], $0x0  }
0x24: {  	s3 =	sadd.s32 $0x88, s3;
	s6 =	simm.s32 @!p1 $0x1082;
	[sflag:s4] =	ssyncset.s32 $0xFFFFF086  }
0x25: {  	[simem:s6], [sflag:s4] =	dma.local [hbm:s3], $0xF7A  }
0x26: {  	[smem:$0x3F83] =	sst s1;
	(tag) =	ssettag s2;
	_ =	strace s9  }
0x27: {  	s1 =	sld [smem:$0x3F93]  }
0x28: {  	s2 =	sld [smem:$0x3F94]  }
0x29: {  	s4 =	sld [smem:$0x3F96]  }
0x2a: {  	p0 =	seq.s32 s5, $0x0;
	s5 =	sld [smem:$0x3F97]  }
0x2b: {  	s6 =	sld [smem:$0x3F98]  }
0x2c: {  	s7 =	sld [smem:$0x3F99]  }
0x2d: {  	s3 =	simm.s32 $0x108;
	s8 =	sld [smem:$0x3F9A]  }
0x2e: {  	s3 =	simm.s32 @!p0 $0x1082;
	s9 =	sld [smem:$0x3F9B]  }
0x2f: {  	lr =	sadd.s32 s0, s3;
	s0 =	sld [smem:$0x3F92]  }
0x30: {  	s3 =	sld [smem:$0x3F95]  }
0x31: {  	[smem:$0x3F9E] =	sst s10  }
0x32: {  	s10 =	sld [smem:$0x3F9C];
	_ =	sdelay $0x3  }
0x33: {  	p0 =	seq.s32 s10, $0x1;
	s10 =	sld [smem:$0x3F9E];
	_ =	sdelay $0x3  }
0x34: {  	[smem:$0x3F9E] =	sst s10  }
0x35: {  	s10 =	sld [smem:$0x3F9D];
	_ =	sdelay $0x3  }
0x36: {  	p1 =	seq.s32 s10, $0x1;
	s10 =	sld [smem:$0x3F9E];
	_ =	sdelay $0x3  }
0x37: {  	[smem:$0x3F9E] =	sst s10  }
0x38: {  	s10 =	sld [smem:$0x3F9F]  }
0x39: {  	_ = 	snop;
	(pc) =	sbr.ind lr, $3  }
0x3a: {  	_ = 	snop  }
0x3b: {  	_ = 	snop  }
0x3c: {  	p2 =	seq.s32 s10, $0x1;
	s10 =	sld [smem:$0x3F9E]  }
0x3d: {  	_ =	shalt  }
0x3e: {  	_ =	shalt  }
0x3f: {  	_ =	shalt  }
0x40: {  	_ =	shalt  }
0x41: {  	_ =	shalt  }
0x42: {  	_ =	shalt  }
0x43: {  	_ =	shalt  }
0x44: {  	_ =	shalt  }
0x45: {  	_ =	shalt  }
0x46: {  	_ =	shalt  }
0x47: {  	_ =	shalt  }
0x48: {  	_ =	shalt  }
0x49: {  	_ =	shalt  }
0x4a: {  	_ =	shalt  }
0x4b: {  	_ =	shalt  }
0x4c: {  	_ =	shalt  }
0x4d: {  	_ =	shalt  }
0x4e: {  	_ =	shalt  }
0x4f: {  	_ =	shalt  }
0x50: {  	_ =	shalt  }
0x51: {  	_ =	shalt  }
0x52: {  	_ =	shalt  }
0x53: {  	_ =	shalt  }
0x54: {  	_ =	shalt  }
0x55: {  	_ =	shalt  }
0x56: {  	_ =	shalt  }
0x57: {  	_ =	shalt  }
0x58: {  	_ =	shalt  }
0x59: {  	_ =	shalt  }
0x5a: {  	_ =	shalt  }
0x5b: {  	_ =	shalt  }
0x5c: {  	_ =	shalt  }
0x5d: {  	_ =	shalt  }
0x5e: {  	_ =	shalt  }
0x5f: {  	_ =	shalt  }
0x60: {  	_ =	shalt  }
0x61: {  	_ =	shalt  }
0x62: {  	_ =	shalt  }
0x63: {  	_ =	shalt  }
0x64: {  	_ =	shalt  }
0x65: {  	_ =	shalt  }
0x66: {  	_ =	shalt  }
0x67: {  	_ =	shalt  }
0x68: {  	_ =	shalt  }
0x69: {  	_ =	shalt  }
0x6a: {  	_ =	shalt  }
0x6b: {  	_ =	shalt  }
0x6c: {  	_ =	shalt  }
0x6d: {  	_ =	shalt  }
0x6e: {  	_ =	shalt  }
0x6f: {  	_ =	shalt  }
0x70: {  	_ =	shalt  }
0x71: {  	_ =	shalt  }
0x72: {  	_ =	shalt  }
0x73: {  	_ =	shalt  }
0x74: {  	_ =	shalt  }
0x75: {  	_ =	shalt  }
0x76: {  	_ =	shalt  }
0x77: {  	_ =	shalt  }
0x78: {  	_ =	shalt  }
0x79: {  	_ =	shalt  }
0x7a: {  	_ =	shalt  }
0x7b: {  	_ =	shalt  }
0x7c: {  	_ =	shalt  }
0x7d: {  	_ =	shalt  }
0x7e: {  	_ =	shalt  }
0x7f: {  	_ =	shalt  }
0x80: {  	_ =	shalt  }
0x81: {  	_ =	shalt  }
0x82: {  	_ =	shalt  }
0x83: {  	_ =	shalt  }
0x84: {  	_ =	shalt  }
0x85: {  	_ =	shalt  }
0x86: {  	_ =	shalt  }
0x87: {  	_ =	shalt  }
.Lfunc_end0:
.L_simem_size_0:
called_computation.2_lowered:
.L_overlay_start_0:
0x88: {  	s2 =	sld [smem:$0x3FD9]  }
0x89: {  	s3 =	sld [smem:$0x3FFE];
	_ =	sdelay $0x1  }
0x8a: {  	s1 =	srdreg.scid  }
0x8b: {  	s0 =	sand.u32 $0x1, s1  }
0x8c: {  	s16 =	sshll.u32 s0, $0xA;
	s2 =	sadd.s32 s3, s2  }
0x8d: {  	s2 =	sadd.s32 s2, s16  }
0x8e: {  	[smem:$0x3FAA] =	sst s2  }
0x8f: {  	_ = 	snop  }
0x90: {  	(tm) =	ssettm $0x1  }
0x91: {  	s17 =	sld [smem:$0x3FFB];
	_ =	sdelay $0x3  }
0x92: {  	_ =	strace s17  }
0x93: {  	s2 =	sld [smem:$0x3FFC];
	_ =	sdelay $0x3  }
0x94: {  	_ =	strace s2  }
0x95: {  	s2 =	sld [smem:$0x3FFD];
	_ =	sdelay $0x3  }
0x96: {  	_ =	strace s2  }
0x97: {  	_ =	strace $0x8FFFFFFF  }
0x98: {  	s18 =	sld [smem:$0x3FDB];
	_ =	sdelay $0x1  }
0x99: {  	s19 =	simm.s32 $_scs_section_size  }
0x9a: {  	s4 =	simm.s32 $_size__tile_overlayer_lowered;
	s5 =	simm.s32 $_tile_overlayer_lowered  }
0x9b: {  	s22 =	simm.s32 $0x1BFF;
	s21 =	sshll.u32 s5, $0x1;
	s2 =	sadd.s32 s19, s18  }
0x9c: {  	s6 =	simm.s32 $0x0;
	s20 =	sshll.u32 s4, $0x1;
	s4 =	sadd.s32 s21, s2  }
0x9d: {  	[timem:s6], [sflag:s22] =	dma.local [hbm:s4], s20  }
0x9e: {  	_ =	swait.ge [sflag:s22], s20  }
0x9f: {  	s3 =	ssub.s32 $0x0, s20;
	[sflag:s22] =	ssyncset.done $0x0  }
0xa0: {  	[sflag:s22] =	ssyncadd.s32 s3;
	_ =	sdelay $0x1  }
0xa1: {  	s23 =	simm.s32 $0x1B8B  }
0xa2: {  	_ =	swait.ge [sflag:s23], $0x1  }
0xa3: {  	[sflag:s23] =	ssyncset.done $0x0  }
0xa4: {  	s25 =	simm.s32 $0x1B8E;
	s24 =	sld [smem:$0x3FFE];
	[sflag:s23] =	ssyncadd.s32 $0xFFFFFFFF  }
0xa5: {  	s26 =	simm.s32 $execute0_lowered;
	[smem:$0x3FD2] =	sst s25  }
0xa6: {  	s4 =	sshll.u32 s26, $0x1;
	_ =	strace $0x8000004C;
	[dreg:$0x1] =	wrdreg $0xFFFFFFFF  }
0xa7: {  	s28 =	simm.s32 $_size_execute0_lowered;
	s2 =	sadd.s32 s2, s4;
	[dreg:$0x0] =	wrdreg $0x0  }
0xa8: {  	s4 =	sshll.u32 s28, $0x1;
	[dreg:$0x2] =	wrdreg s2  }
0xa9: {  	[dreg:$0x3] =	wrdreg s4  }
0xaa: {  	[dreg:$0x4] =	wrdreg $0xC0  }
0xab: {  	_ =	task [dreg:s6], $0x5FFFF  }
0xac: {  	[dreg:$0x1] =	wrdreg $0xFFFFFFFF  }
0xad: {  	[dreg:$0x0] =	wrdreg $0x60  }
0xae: {  	[dreg:$0x2] =	wrdreg s24  }
0xaf: {  	[dreg:$0x3] =	wrdreg $0x88000  }
0xb0: {  	[dreg:$0x4] =	wrdreg $0x9  }
0xb1: {  	_ =	task.clear_ibuf [dreg:s6], $0x5FFFF;
	_ =	strace $0x9000004C  }
0xb2: {  	s29 =	simm.s32 $0x9;
	_ =	strace $0x8000004E  }
0xb3: {  	_ =	swait.ge [sflag:s29], $0x1  }
0xb4: {  	[sflag:s29] =	ssyncadd.s32 $0xFFFFFFFF  }
0xb5: {  	_ =	strace $0x9000004E  }
0xb6: {  	_ =	sfence  }
0xb7: {  	s30 =	sld [smem:$0x0];
	_ =	sdelay $0x2  }
0xb8: {  	s31 =	sshll.u32 s1, $0xD;
	s1 =	sshrl.u32 s1, $0x2  }
0xb9: {  	s3 =	sand.u32 $0x4000, s31;
	s1 =	sadd.s32 s1, s30  }
0xba: {  	s0 =	sor.u32 s3, s0;
	s1 =	sshll.u32 s1, $0x11  }
0xbb: {  	s0 =	sor.u32 s1, s0  }
0xbc: {  	s0 =	sadd.s32 $0x8F2B, s0  }
0xbd: {  	[sflag:s0] =	ssyncadd.remote.s32 $0x1  }
0xbe: {  	_ =	sfence.sel $0xFFFF  }
0xbf: {  	[dreg:$0x0] =	wrdreg $0xFFFFFFFF;
	(pc) =	sbr.abs _section_cstart, $3  }
0xc0: {  	[dreg:$0x1] =	wrdreg $0xFFFFFFFF  }
0xc1: {  	_ =	task.clear_ibuf [dreg:s6], $0x2FFFF;
	_ =	strace $0x9FFFFFFF  }
0xc2: {  	(tm) =	ssettm $0x7FFFFFFF  }
0xc3: {  	_ =	shalt  }
tec
execute0_lowered:
.L_overlay_start_1:
0x0: {  	(tag) =	ssettag $0x1  }
0x1: {  	s8 =	rddreg [dreg:$0x0]  }
0x2: {  	s1 =	rddreg [dreg:$0x1];
	s2 =	srdreg.scid  }
0x3: {  	s0 =	rddreg [dreg:$0x2];
	s3 =	simm.s32 $0x0;
	s16 =	simm.s32 $0x4800  }
0x4: {  	s17 =	simm.s32 $0x2;
	s18 =	simm.s32 $0x400;
	s19 =	simm.s32 $0x80  }
0x5: {  	s20 =	simm.s32 $0x800;
	s9 =	sand.u32 $0x1, s2;
	s2 =	stileid.u32  }
0x6: {  	s21 =	simm.s32 $0x1;
	[smem:$0x7FF] =	sst s3;
	s6 =	smul.u32 $0x140000, s9  }
0x7: {  	s4 =	sadd.s32 $0x3400, s8;
	s5 =	sadd.s32 $0x63DC00, s8;
	s7 =	smul.u32 $0x14000, s2  }
0x8: {  	_ =	strace $0x8000004D;
	s29 =	ssub.s32 $0x2, s9;
	s9 =	sshll.u32 s9, $0x4  }
0x9: {  	s11 =	smul.u32 $0x50000, s2;
	s31 =	sshrl.u32 s29, $0x1;
	s13 =	sor.u32 s2, s9  }
0xa: {  	s10 =	sadd.s32 s7, s6;
	s6 =	sadd.s32 $0x51A00, s8;
	s7 =	sadd.s32 $0x101C00, s8  }
0xb: {  	s30 =	sshrl.u32 s11, $0x2;
	s15 =	ssub.s32 s29, s31;
	s10 =	sshrl.u32 s10, $0x3  }
0xc: {  	s13 =	smul.u32 $0x50, s13;
	s14 =	sadd.s32 s10, s8;
	s8 =	sadd.s32 s30, s1  }
0xd: {  	s15 =	smax.u32 s15, $0x1;
	s9 =	sadd.s32 $0x4000, s8;
	s10 =	sadd.s32 $0x8000, s8  }
0xe: {  	v0 =	vimm.f32 $0.0e+00;
	s11 =	sadd.s32 $0xC000, s8;
	s12 =	sadd.s32 $0x10000, s8;
	s14 =	sadd.s32 $0x5BA00, s14  }
.LBB2_1:
0xf: {  	s22 =	simm.s32 $0x0;
	s23 =	simm.s32 $0x200  }
.LBB2_2:
0x10: {  	p0 =	sne.s32 s23, $0xFE00;
	[tilespmem:s22+$0x4870] =	vst v0  }
0x11: {  	[tilespmem:s22+$0x4800] =	vst v0  }
0x12: {  	[tilespmem:s22+$0x4810] =	vst v0  }
.Ltmp0:
0x13: {  	[tilespmem:s22+$0x4820] =	vst v0;
	(pc) =	sbr.rel @p0 .LBB2_2-.Ltmp0, $4  }
0x14: {  	[tilespmem:s22+$0x4830] =	vst v0  }
0x15: {  	[tilespmem:s22+$0x4840] =	vst v0  }
0x16: {  	[tilespmem:s22+$0x4850] =	vst v0  }
0x17: {  	[tilespmem:s22+$0x4860] =	vst v0;
	s22 =	sshra.s32 s23, $0x2;
	s23 =	sadd.s32 $0x200, s23  }
0x18: {  	[tilespmem:s22+$0x4870] =	vst v0  }
0x19: {  	[tilespmem:s22+$0x4800] =	vst v0  }
0x1a: {  	[tilespmem:s22+$0x4810] =	vst v0  }
0x1b: {  	[tilespmem:s22+$0x4820] =	vst v0  }
0x1c: {  	[tilespmem:s22+$0x4830] =	vst v0  }
0x1d: {  	[tilespmem:s22+$0x4840] =	vst v0  }
0x1e: {  	[tilespmem:s22+$0x4850] =	vst v0  }
0x1f: {  	[tilespmem:s22+$0x4860] =	vst v0  }
0x20: {  	[spmem:s8] =	stream.linear.scatter [tilespmem:s16], [sflag:$0x2], $0x4000, $0x38;
	[tilespmem:$0x1C800] =	vst v63  }
0x21: {  	_ =	swait.ge [sflag:s17], $0x4000  }
0x22: {  	[sflag:s17] =	ssyncset.done $0x0  }
0x23: {  	[sflag:s17] =	ssyncadd.s32 $0xFFFFC000  }
0x24: {  	[spmem:s9] =	stream.linear.scatter [tilespmem:s16], [sflag:$0x2], $0x4000, $0x38;
	[tilespmem:$0x1C800] =	vst v63  }
0x25: {  	_ =	swait.ge [sflag:s17], $0x4000  }
0x26: {  	[sflag:s17] =	ssyncset.done $0x0  }
0x27: {  	[sflag:s17] =	ssyncadd.s32 $0xFFFFC000  }
0x28: {  	[spmem:s10] =	stream.linear.scatter [tilespmem:s16], [sflag:$0x2], $0x4000, $0x38;
	[tilespmem:$0x1C800] =	vst v63  }
0x29: {  	_ =	swait.ge [sflag:s17], $0x4000  }
0x2a: {  	[sflag:s17] =	ssyncset.done $0x0  }
0x2b: {  	[sflag:s17] =	ssyncadd.s32 $0xFFFFC000  }
0x2c: {  	[spmem:s11] =	stream.linear.scatter [tilespmem:s16], [sflag:$0x2], $0x4000, $0x38;
	[tilespmem:$0x1C800] =	vst v63  }
0x2d: {  	_ =	swait.ge [sflag:s17], $0x4000  }
0x2e: {  	[sflag:s17] =	ssyncset.done $0x0  }
0x2f: {  	[sflag:s17] =	ssyncadd.s32 $0xFFFFC000  }
0x30: {  	[spmem:s12] =	stream.linear.scatter [tilespmem:s16], [sflag:$0x2], $0x4000, $0x38;
	[tilespmem:$0x1C800] =	vst v63  }
0x31: {  	_ =	swait.ge [sflag:s17], $0x4000  }
0x32: {  	[sflag:s17] =	ssyncset.done $0x0  }
0x33: {  	[sflag:s17] =	ssyncadd.s32 $0xFFFFC000  }
0x34: {  	s22 =	simm.s32 $0x0;
	s23 =	simm.s32 $0x0;
	[bflag:$0x0] =	sbarrier.arrive $0xFFFF  }
.LBB2_4:
0x35: {  	s24 =	sshll.u32 s23, $0x3  }
0x36: {  	s24 =	sadd.s32 s13, s24  }
0x37: {  	s25 =	sshll.u32 s24, $0x4  }
0x38: {  	s26 =	sadd.s32 s6, s25  }
0x39: {  	[tilespmem:s22], [sflag:$0x2] =	stream.linear.gather [hbm4b:s26+s22], $0x400, $0x38;
	[tilespmem:$0x1C800] =	vst v63  }
0x3a: {  	_ =	swait.ge [sflag:s17], $0x400  }
0x3b: {  	[sflag:s17] =	ssyncset.done $0x0  }
0x3c: {  	s25 =	sadd.s32 s7, s25;
	[sflag:s17] =	ssyncadd.s32 $0xFFFFFC00  }
0x3d: {  	[tilespmem:s18], [sflag:$0x2] =	stream.linear.gather [hbm4b:s25+s22], $0x400, $0x38;
	[tilespmem:$0x1C800] =	vst v63  }
0x3e: {  	_ =	swait.ge [sflag:s17], $0x400  }
0x3f: {  	[sflag:s17] =	ssyncset.done $0x0  }
0x40: {  	s25 =	simm.s32 $0x0;
	[sflag:s17] =	ssyncadd.s32 $0xFFFFFC00  }
.LBB2_5:
0x41: {  	s26 =	sshll.u32 s25, $0x7  }
0x42: {  	[tilespmem:s20], [sflag:$0x1] =	stream.indirect.gather [hbm4b:s4+s19], $0x80, s26, s19, $0xb8;
	[tilespmem:$0x1C800] =	vst v63  }
0x43: {  	s28 =	sadd.s32 s24, s25;
	_ =	swait.ge [sflag:s21], $0x4000  }
0x44: {  	s28 =	sshll.u32 s28, $0xB;
	[sflag:s21] =	ssyncset.done $0x0  }
0x45: {  	s29 =	simm.s32 $0x0;
	s28 =	sadd.s32 s5, s28;
	[sflag:s21] =	ssyncadd.s32 $0xFFFFC000  }
0x46: {  	[tilespmem:s16], [sflag:$0x2] =	stream.linear.gather [hbm4b:s28+s29], $0x4000, $0x38;
	[tilespmem:$0x1C800] =	vst v63  }
0x47: {  	_ =	swait.ge [sflag:s17], $0x4000  }
0x48: {  	[sflag:s17] =	ssyncset.done $0x0  }
0x49: {  	s28 =	simm.s32 $0x0;
	[sflag:s17] =	ssyncadd.s32 $0xFFFFC000  }
0x4a: {  	v7 =	vld [tilespmem:s28+$0x800]  }
0x4b: {  	v12 =	vld [tilespmem:s28+$0x810]  }
0x4c: {  	v6 =	vld [tilespmem:s28+$0x820]  }
0x4d: {  	v5 =	vld [tilespmem:s28+$0x830]  }
0x4e: {  	v4 =	vld [tilespmem:s28+$0x840]  }
0x4f: {  	v3 =	vld [tilespmem:s28+$0x850]  }
0x50: {  	v2 =	vld [tilespmem:s28+$0x860]  }
0x51: {  	v1 =	vld [tilespmem:s28+$0x870]  }
0x52: {  	v13 =	vld [tilespmem:s28+$0x4800]  }
0x53: {  	v14 =	vld [tilespmem:s28+$0x4810]  }
0x54: {  	v11 =	vld [tilespmem:s28+$0x4820]  }
0x55: {  	v10 =	vld [tilespmem:s28+$0x4830]  }
0x56: {  	v9 =	vld [tilespmem:s28+$0x4840]  }
0x57: {  	v8 =	vld [tilespmem:s28+$0x4850];
	v13 =	vadd.f32 v13, v7  }
0x58: {  	s29 =	simm.s32 $0x200;
	v12 =	vadd.f32 v14, v12;
	v7 =	vld [tilespmem:s28+$0x4860]  }
.LBB2_6:
0x59: {  	s30 =	sshra.s32 s29, $0x2;
	p0 =	sne.s32 s29, $0xFE00;
	v13 =	vmax.f32 v13, $0.0e+00;
	v6 =	vadd.f32 v11, v6;
	v11 =	vld [tilespmem:s28+$0x4870]  }
0x5a: {  	v14 =	vld [tilespmem:s30+$0x800];
	[tilespmem:s28+$0x4800] =	vst v13;
	v12 =	vmax.f32 v12, $0.0e+00;
	v5 =	vadd.f32 v10, v5  }
0x5b: {  	v15 =	vld [tilespmem:s30+$0x810];
	[tilespmem:s28+$0x4810] =	vst v12;
	v10 =	vmax.f32 v6, $0.0e+00;
	v4 =	vadd.f32 v9, v4  }
0x5c: {  	v6 =	vld [tilespmem:s30+$0x820];
	[tilespmem:s28+$0x4820] =	vst v10;
	v9 =	vmax.f32 v5, $0.0e+00;
	v3 =	vadd.f32 v8, v3  }
0x5d: {  	v5 =	vld [tilespmem:s30+$0x830];
	[tilespmem:s28+$0x4830] =	vst v9;
	v8 =	vmax.f32 v4, $0.0e+00;
	v2 =	vadd.f32 v7, v2  }
0x5e: {  	v4 =	vld [tilespmem:s30+$0x840];
	[tilespmem:s28+$0x4840] =	vst v8;
	v7 =	vmax.f32 v3, $0.0e+00;
	v1 =	vadd.f32 v11, v1  }
0x5f: {  	v3 =	vld [tilespmem:s30+$0x850];
	[tilespmem:s28+$0x4850] =	vst v7;
	v7 =	vmax.f32 v2, $0.0e+00  }
0x60: {  	v2 =	vld [tilespmem:s30+$0x860];
	[tilespmem:s28+$0x4860] =	vst v7;
	v7 =	vmax.f32 v1, $0.0e+00  }
0x61: {  	v1 =	vld [tilespmem:s30+$0x870];
	[tilespmem:s28+$0x4870] =	vst v7;
	s28 =	smov.u32 s30  }
0x62: {  	v7 =	vld [tilespmem:s28+$0x4800]  }
0x63: {  	v12 =	vld [tilespmem:s28+$0x4810]  }
.Ltmp1:
0x64: {  	v11 =	vld [tilespmem:s28+$0x4820];
	(pc) =	sbr.rel @p0 .LBB2_6-.Ltmp1, $4  }
0x65: {  	v10 =	vld [tilespmem:s28+$0x4830]  }
0x66: {  	v9 =	vld [tilespmem:s28+$0x4840]  }
0x67: {  	v13 =	vadd.f32 v7, v14;
	v8 =	vld [tilespmem:s28+$0x4850]  }
0x68: {  	s29 =	sadd.s32 $0x200, s29;
	v12 =	vadd.f32 v12, v15;
	v7 =	vld [tilespmem:s28+$0x4860]  }
0x69: {  	v13 =	vmax.f32 v13, $0.0e+00;
	v6 =	vadd.f32 v11, v6;
	v63 =	vld [tilespmem:s28+$0x4870]  }
0x6a: {  	[tilespmem:s28+$0x4800] =	vst v13;
	v12 =	vmax.f32 v12, $0.0e+00;
	v5 =	vadd.f32 v10, v5  }
0x6b: {  	[tilespmem:s28+$0x4810] =	vst v12;
	v6 =	vmax.f32 v6, $0.0e+00;
	v4 =	vadd.f32 v9, v4  }
0x6c: {  	[tilespmem:s28+$0x4820] =	vst v6;
	v5 =	vmax.f32 v5, $0.0e+00;
	v3 =	vadd.f32 v8, v3  }
0x6d: {  	[tilespmem:s28+$0x4830] =	vst v5;
	v4 =	vmax.f32 v4, $0.0e+00;
	v2 =	vadd.f32 v7, v2  }
0x6e: {  	[tilespmem:s28+$0x4840] =	vst v4;
	v3 =	vmax.f32 v3, $0.0e+00;
	v1 =	vadd.f32 v63, v1  }
0x6f: {  	s25 =	sadd.s32 $0x1, s25;
	[tilespmem:s28+$0x4850] =	vst v3;
	v2 =	vmax.f32 v2, $0.0e+00  }
0x70: {  	p0 =	sne.s32 s25, $0x8;
	[tilespmem:s28+$0x4860] =	vst v2;
	v1 =	vmax.f32 v1, $0.0e+00  }
.Ltmp2:
0x71: {  	s26 =	sadd.s32 $0x400, s26;
	[tilespmem:s28+$0x4870] =	vst v1;
	(pc) =	sbr.rel @p0 .LBB2_5-.Ltmp2, $4  }
0x72: {  	[spmem:s1] =	stream.indirect.scatter.add.f32 [tilespmem:s16], [sflag:$0x2], $0x80, s26, s19, $0xb8;
	[tilespmem:$0x1C800] =	vst v63  }
0x73: {  	_ =	swait.ge [sflag:s17], $0x4000  }
0x74: {  	[sflag:s17] =	ssyncset.done $0x0  }
0x75: {  	[sflag:s17] =	ssyncadd.s32 $0xFFFFC000  }
0x76: {  	s23 =	sadd.s32 $0x1, s23  }
0x77: {  	p0 =	sne.s32 s23, $0xA  }
.Ltmp3:
0x78: {  	_ = 	snop;
	(pc) =	sbr.rel @p0 .LBB2_4-.Ltmp3, $1  }
0x79: {  	_ =	sdelay $0x3  }
0x7a: {  	s3 =	sadd.s32 $0x1, s3  }
0x7b: {  	s22 =	sshll.u32 s2, $0x6;
	[bflag:$0x0] =	sbarrier.arrive $0xFFFF;
	p0 =	sne.s32 s3, s15  }
.Ltmp4:
0x7c: {  	s23 =	sshrl.u32 s8, $0x3;
	s22 =	sor.u32 $0x1C02, s22;
	(pc) =	sbr.rel @p0 .LBB2_1-.Ltmp4, $4  }
0x7d: {  	[hbm:s14], [sflag:s22] =	dma.local [spmem:s23], $0x2800  }
0x7e: {  	_ =	swait.ge [sflag:s17], $0x2800  }
0x7f: {  	[sflag:s17] =	ssyncset.done $0x0  }
0x80: {  	[sflag:s17] =	ssyncadd.s32 $0xFFFFD800  }
0x81: {  	_ =	sfence.sel $0x180000  }
0x82: {  	[bflag:$0x0] =	sbarrier.arrive $0xFFFF  }
0x83: {  	p0 =	sne.s32 s2, $0x0;
	_ =	strace $0x9000004D  }
0x84: {  	s0 =	sadd.s32 @!p0 $0x100000, s0;
	[bflag:$0x2] =	sbarrier.arrive $0xFFFF  }
0x85: {  	[sflag:s0] =	ssyncadd.tile.s32 @!p0 $0x1;
	_ =	shalt  }
.Lfunc_end2:
_tile_overlayer_lowered:
.L_overlay_start_2:
0x86: {  	(tag) =	ssettag $0x2  }
0x87: {  	s0 =	rddreg [dreg:$0x0];
	s2 =	stileid.u32  }
0x88: {  	s1 =	rddreg [dreg:$0x1];
	p0 =	sne.s32 s2, $0x0  }
0x89: {  	s3 =	rddreg [dreg:$0x2];
	[bflag:$0x3] =	sbarrier.arrive $0xFFFF;
	s2 =	simm.s32 @!p0 $0x1C02  }
0x8a: {  	[timem:s3], [sflag:s2] =	dma.local @!p0 [hbm:s0], s1  }
0x8b: {  	s0 =	simm.s32 @!p0 $0x2  }
0x8c: {  	_ =	swait.ge @!p0 [sflag:s0], s1  }
0x8d: {  	s1 =	ssub.s32 @!p0 $0x0, s1;
	[sflag:s0] =	ssyncset.done @!p0 $0x0  }
0x8e: {  	[sflag:s0] =	ssyncadd.s32 @!p0 s1  }
0x8f: {  	[bflag:$0x3] =	sbarrier.arrive $0xFFFF  }
0x90: {  	_ =	shalt  }

// kernel: kernel.6.cloned.1.call-start
scs
__scs_entry_jumppad:
0x0: {  	(pc) =	sbr.rel $0x88, $3  }
0x1: {  	(tag) =	ssettag $0x0;
	lr =	simm.s32 $0x1  }
0x2: {  	[smem:$0x3F83] =	sst lr;
	_ =	strace $0xD0000000  }
0x3: {  	_ = 	snop  }
0x4: {  	_ = 	snop  }
0x5: {  	_ = 	snop  }
0x6: {  	_ = 	snop  }
0x7: {  	_ = 	snop  }
__scs_overlays_trampoline_lowered:
0x8: {  	[smem:$0x3F92] =	sst s0  }
0x9: {  	[smem:$0x3F93] =	sst s1  }
0xa: {  	[smem:$0x3F94] =	sst s2  }
0xb: {  	[smem:$0x3F95] =	sst s3  }
0xc: {  	[smem:$0x3F96] =	sst s4  }
0xd: {  	[smem:$0x3F97] =	sst s5  }
0xe: {  	[smem:$0x3F98] =	sst s6  }
0xf: {  	[smem:$0x3F99] =	sst s7  }
0x10: {  	[smem:$0x3F9A] =	sst s8  }
0x11: {  	[smem:$0x3F9B] =	sst s9;
	s0 =	simm.s32 @!p0 $0x0  }
0x12: {  	s1 =	sld [smem:$0x3F81];
	s0 =	simm.s32 @p0 $0x1  }
0x13: {  	[smem:$0x3F9C] =	sst s0;
	s0 =	simm.s32 @!p1 $0x0  }
0x14: {  	s2 =	sld [smem:$0x3F80];
	s0 =	simm.s32 @p1 $0x1  }
0x15: {  	[smem:$0x3F9D] =	sst s0;
	s0 =	simm.s32 @!p2 $0x0  }
0x16: {  	s3 =	sld [smem:$0x3FDB];
	s0 =	simm.s32 @p2 $0x1  }
0x17: {  	s4 =	simm.s32 $0x1BF5;
	[smem:$0x3F9F] =	sst s0  }
0x18: {  	s0 =	sld [smem:$0x3F82];
	_ =	swait.ge [sflag:s4], $0x0  }
0x19: {  	s7 =	sld [smem:$0x3F83]  }
0x1a: {  	s8 =	sadd.s32 $0xFFFFE003, lr  }
0x1b: {  	s9 =	sadd.s32 $0xFFFFFEF7, lr;
	s5 =	simm.s32 $0xFFFFFFFF;
	p2 =	slt.u32 s8, $0xFFFFF086  }
0x1c: {  	p1 =	slt.u32 s9, $0xF7A;
	s5 =	simm.s32 @!p2 $0x0  }
0x1d: {  	s5 =	simm.s32 @p1 $0x1;
	p0 =	seq.s32 s7, s2  }
0x1e: {  	s7 =	smul.u32 @!p0 $0xF7A, s2;
	p2 =	seq.s32 @!p0 s5, $0x0  }
0x1f: {  	s9 =	smul.u32 $0xF7A, s1;
	s8 =	simm.s32 @!p0 $0x1BF5;
	p2 =	por !p2, p0  }
0x20: {  	[sflag:s8] =	ssyncset.s32 @!p0 $0xFFFFF086;
	s6 =	sadd.s32 @!p0 s3, s7;
	s7 =	simm.s32 @!p0 $0x108  }
0x21: {  	s3 =	sadd.s32 s3, s9;
	s6 =	sadd.s32 @!p0 $0x88, s6;
	s7 =	simm.s32 @p2 $0x1082  }
0x22: {  	[simem:s7], [sflag:s8] =	dma.local @!p0 [hbm:s6], $0xF7A  }
0x23: {  	s9 =	sor.u32 $0xD0000000, s2;
	s6 =	simm.s32 $0x108;
	_ =	swait.ge @!p0 [sflag:s8], $0x0  }
0x24: {  	s3 =	sadd.s32 $0x88, s3;
	s6 =	simm.s32 @!p1 $0x1082;
	[sflag:s4] =	ssyncset.s32 $0xFFFFF086  }
0x25: {  	[simem:s6], [sflag:s4] =	dma.local [hbm:s3], $0xF7A  }
0x26: {  	[smem:$0x3F83] =	sst s1;
	(tag) =	ssettag s2;
	_ =	strace s9  }
0x27: {  	s1 =	sld [smem:$0x3F93]  }
0x28: {  	s2 =	sld [smem:$0x3F94]  }
0x29: {  	s4 =	sld [smem:$0x3F96]  }
0x2a: {  	p0 =	seq.s32 s5, $0x0;
	s5 =	sld [smem:$0x3F97]  }
0x2b: {  	s6 =	sld [smem:$0x3F98]  }
0x2c: {  	s7 =	sld [smem:$0x3F99]  }
0x2d: {  	s3 =	simm.s32 $0x108;
	s8 =	sld [smem:$0x3F9A]  }
0x2e: {  	s3 =	simm.s32 @!p0 $0x1082;
	s9 =	sld [smem:$0x3F9B]  }
0x2f: {  	lr =	sadd.s32 s0, s3;
	s0 =	sld [smem:$0x3F92]  }
0x30: {  	s3 =	sld [smem:$0x3F95]  }
0x31: {  	[smem:$0x3F9E] =	sst s10  }
0x32: {  	s10 =	sld [smem:$0x3F9C];
	_ =	sdelay $0x3  }
0x33: {  	p0 =	seq.s32 s10, $0x1;
	s10 =	sld [smem:$0x3F9E];
	_ =	sdelay $0x3  }
0x34: {  	[smem:$0x3F9E] =	sst s10  }
0x35: {  	s10 =	sld [smem:$0x3F9D];
	_ =	sdelay $0x3  }
0x36: {  	p1 =	seq.s32 s10, $0x1;
	s10 =	sld [smem:$0x3F9E];
	_ =	sdelay $0x3  }
0x37: {  	[smem:$0x3F9E] =	sst s10  }
0x38: {  	s10 =	sld [smem:$0x3F9F]  }
0x39: {  	_ = 	snop;
	(pc) =	sbr.ind lr, $3  }
0x3a: {  	_ = 	snop  }
0x3b: {  	_ = 	snop  }
0x3c: {  	p2 =	seq.s32 s10, $0x1;
	s10 =	sld [smem:$0x3F9E]  }
0x3d: {  	_ =	shalt  }
0x3e: {  	_ =	shalt  }
0x3f: {  	_ =	shalt  }
0x40: {  	_ =	shalt  }
0x41: {  	_ =	shalt  }
0x42: {  	_ =	shalt  }
0x43: {  	_ =	shalt  }
0x44: {  	_ =	shalt  }
0x45: {  	_ =	shalt  }
0x46: {  	_ =	shalt  }
0x47: {  	_ =	shalt  }
0x48: {  	_ =	shalt  }
0x49: {  	_ =	shalt  }
0x4a: {  	_ =	shalt  }
0x4b: {  	_ =	shalt  }
0x4c: {  	_ =	shalt  }
0x4d: {  	_ =	shalt  }
0x4e: {  	_ =	shalt  }
0x4f: {  	_ =	shalt  }
0x50: {  	_ =	shalt  }
0x51: {  	_ =	shalt  }
0x52: {  	_ =	shalt  }
0x53: {  	_ =	shalt  }
0x54: {  	_ =	shalt  }
0x55: {  	_ =	shalt  }
0x56: {  	_ =	shalt  }
0x57: {  	_ =	shalt  }
0x58: {  	_ =	shalt  }
0x59: {  	_ =	shalt  }
0x5a: {  	_ =	shalt  }
0x5b: {  	_ =	shalt  }
0x5c: {  	_ =	shalt  }
0x5d: {  	_ =	shalt  }
0x5e: {  	_ =	shalt  }
0x5f: {  	_ =	shalt  }
0x60: {  	_ =	shalt  }
0x61: {  	_ =	shalt  }
0x62: {  	_ =	shalt  }
0x63: {  	_ =	shalt  }
0x64: {  	_ =	shalt  }
0x65: {  	_ =	shalt  }
0x66: {  	_ =	shalt  }
0x67: {  	_ =	shalt  }
0x68: {  	_ =	shalt  }
0x69: {  	_ =	shalt  }
0x6a: {  	_ =	shalt  }
0x6b: {  	_ =	shalt  }
0x6c: {  	_ =	shalt  }
0x6d: {  	_ =	shalt  }
0x6e: {  	_ =	shalt  }
0x6f: {  	_ =	shalt  }
0x70: {  	_ =	shalt  }
0x71: {  	_ =	shalt  }
0x72: {  	_ =	shalt  }
0x73: {  	_ =	shalt  }
0x74: {  	_ =	shalt  }
0x75: {  	_ =	shalt  }
0x76: {  	_ =	shalt  }
0x77: {  	_ =	shalt  }
0x78: {  	_ =	shalt  }
0x79: {  	_ =	shalt  }
0x7a: {  	_ =	shalt  }
0x7b: {  	_ =	shalt  }
0x7c: {  	_ =	shalt  }
0x7d: {  	_ =	shalt  }
0x7e: {  	_ =	shalt  }
0x7f: {  	_ =	shalt  }
0x80: {  	_ =	shalt  }
0x81: {  	_ =	shalt  }
0x82: {  	_ =	shalt  }
0x83: {  	_ =	shalt  }
0x84: {  	_ =	shalt  }
0x85: {  	_ =	shalt  }
0x86: {  	_ =	shalt  }
0x87: {  	_ =	shalt  }
.Lfunc_end0:
.L_simem_size_0:
called_computation_lowered:
.L_overlay_start_0:
0x88: {  	s2 =	sld [smem:$0x3FD9]  }
0x89: {  	s3 =	sld [smem:$0x3FFE];
	_ =	sdelay $0x1  }
0x8a: {  	s1 =	srdreg.scid  }
0x8b: {  	s0 =	sand.u32 $0x1, s1  }
0x8c: {  	s16 =	sshll.u32 s0, $0xA;
	s2 =	sadd.s32 s3, s2  }
0x8d: {  	s2 =	sadd.s32 s2, s16  }
0x8e: {  	[smem:$0x3FAA] =	sst s2  }
0x8f: {  	_ = 	snop  }
0x90: {  	(tm) =	ssettm $0x1  }
0x91: {  	s17 =	sld [smem:$0x3FFB];
	_ =	sdelay $0x3  }
0x92: {  	_ =	strace s17  }
0x93: {  	s2 =	sld [smem:$0x3FFC];
	_ =	sdelay $0x3  }
0x94: {  	_ =	strace s2  }
0x95: {  	s2 =	sld [smem:$0x3FFD];
	_ =	sdelay $0x3  }
0x96: {  	_ =	strace s2  }
0x97: {  	_ =	strace $0x8FFFFFFF  }
0x98: {  	s18 =	sld [smem:$0x3FDB];
	_ =	sdelay $0x1  }
0x99: {  	s19 =	simm.s32 $_scs_section_size  }
0x9a: {  	s4 =	simm.s32 $_size__tile_overlayer_lowered;
	s5 =	simm.s32 $_tile_overlayer_lowered  }
0x9b: {  	s22 =	simm.s32 $0x1BFF;
	s21 =	sshll.u32 s5, $0x1;
	s2 =	sadd.s32 s19, s18  }
0x9c: {  	s6 =	simm.s32 $0x0;
	s20 =	sshll.u32 s4, $0x1;
	s4 =	sadd.s32 s21, s2  }
0x9d: {  	[timem:s6], [sflag:s22] =	dma.local [hbm:s4], s20  }
0x9e: {  	_ =	swait.ge [sflag:s22], s20  }
0x9f: {  	s3 =	ssub.s32 $0x0, s20;
	[sflag:s22] =	ssyncset.done $0x0  }
0xa0: {  	[sflag:s22] =	ssyncadd.s32 s3;
	_ =	sdelay $0x1  }
0xa1: {  	s23 =	simm.s32 $0x1B8B  }
0xa2: {  	_ =	swait.ge [sflag:s23], $0x1  }
0xa3: {  	[sflag:s23] =	ssyncset.done $0x0  }
0xa4: {  	s25 =	simm.s32 $0x1B8E;
	s24 =	sld [smem:$0x3FFE];
	[sflag:s23] =	ssyncadd.s32 $0xFFFFFFFF  }
0xa5: {  	s26 =	simm.s32 $execute0_lowered;
	[smem:$0x3FD2] =	sst s25  }
0xa6: {  	s4 =	sshll.u32 s26, $0x1;
	_ =	strace $0x80000046;
	[dreg:$0x1] =	wrdreg $0xFFFFFFFF  }
0xa7: {  	s28 =	simm.s32 $_size_execute0_lowered;
	s2 =	sadd.s32 s2, s4;
	[dreg:$0x0] =	wrdreg $0x0  }
0xa8: {  	s4 =	sshll.u32 s28, $0x1;
	[dreg:$0x2] =	wrdreg s2  }
0xa9: {  	[dreg:$0x3] =	wrdreg s4  }
0xaa: {  	[dreg:$0x4] =	wrdreg $0xC0  }
0xab: {  	_ =	task [dreg:s6], $0x5FFFF  }
0xac: {  	[dreg:$0x1] =	wrdreg $0xFFFFFFFF  }
0xad: {  	[dreg:$0x0] =	wrdreg $0x60  }
0xae: {  	[dreg:$0x2] =	wrdreg s24  }
0xaf: {  	[dreg:$0x3] =	wrdreg $0x88000  }
0xb0: {  	[dreg:$0x4] =	wrdreg $0x9  }
0xb1: {  	_ =	task.clear_ibuf [dreg:s6], $0x5FFFF;
	_ =	strace $0x90000046  }
0xb2: {  	s29 =	simm.s32 $0x9;
	_ =	strace $0x80000048  }
0xb3: {  	_ =	swait.ge [sflag:s29], $0x1  }
0xb4: {  	[sflag:s29] =	ssyncadd.s32 $0xFFFFFFFF  }
0xb5: {  	_ =	strace $0x90000048  }
0xb6: {  	_ =	sfence  }
0xb7: {  	s30 =	sld [smem:$0x0];
	_ =	sdelay $0x2  }
0xb8: {  	s31 =	sshll.u32 s1, $0xD;
	s1 =	sshrl.u32 s1, $0x2  }
0xb9: {  	s3 =	sand.u32 $0x4000, s31;
	s1 =	sadd.s32 s1, s30  }
0xba: {  	s0 =	sor.u32 s3, s0;
	s1 =	sshll.u32 s1, $0x11  }
0xbb: {  	s0 =	sor.u32 s1, s0  }
0xbc: {  	s0 =	sadd.s32 $0x8F2B, s0  }
0xbd: {  	[sflag:s0] =	ssyncadd.remote.s32 $0x1  }
0xbe: {  	_ =	sfence.sel $0xFFFF  }
0xbf: {  	[dreg:$0x0] =	wrdreg $0xFFFFFFFF;
	(pc) =	sbr.abs _section_cstart, $3  }
0xc0: {  	[dreg:$0x1] =	wrdreg $0xFFFFFFFF  }
0xc1: {  	_ =	task.clear_ibuf [dreg:s6], $0x2FFFF;
	_ =	strace $0x9FFFFFFF  }
0xc2: {  	(tm) =	ssettm $0x7FFFFFFF  }
0xc3: {  	_ =	shalt  }
tec
execute0_lowered:
.L_overlay_start_1:
0x0: {  	(tag) =	ssettag $0x1  }
0x1: {  	s8 =	rddreg [dreg:$0x0]  }
0x2: {  	s1 =	rddreg [dreg:$0x1];
	s2 =	srdreg.scid  }
0x3: {  	s0 =	rddreg [dreg:$0x2];
	s3 =	simm.s32 $0x0;
	s16 =	simm.s32 $0x4800  }
0x4: {  	s17 =	simm.s32 $0x2;
	s18 =	simm.s32 $0x400;
	s19 =	simm.s32 $0x80  }
0x5: {  	s20 =	simm.s32 $0x800;
	s9 =	sand.u32 $0x1, s2;
	s2 =	stileid.u32  }
0x6: {  	s21 =	simm.s32 $0x1;
	[smem:$0x7FF] =	sst s3;
	s6 =	smul.u32 $0x140000, s9  }
0x7: {  	s4 =	sadd.s32 $0xDAA00, s8;
	s5 =	sadd.s32 $0x5E3C00, s8;
	s7 =	smul.u32 $0x14000, s2  }
0x8: {  	_ =	strace $0x80000047;
	s29 =	ssub.s32 $0x2, s9;
	s9 =	sshll.u32 s9, $0x4  }
0x9: {  	s11 =	smul.u32 $0x50000, s2;
	s31 =	sshrl.u32 s29, $0x1;
	s13 =	sor.u32 s2, s9  }
0xa: {  	s10 =	sadd.s32 s7, s6;
	s6 =	sadd.s32 $0x51A00, s8;
	s7 =	sadd.s32 $0x101C00, s8  }
0xb: {  	s30 =	sshrl.u32 s11, $0x2;
	s15 =	ssub.s32 s29, s31;
	s10 =	sshrl.u32 s10, $0x3  }
0xc: {  	s13 =	smul.u32 $0x50, s13;
	s14 =	sadd.s32 s10, s8;
	s8 =	sadd.s32 s30, s1  }
0xd: {  	s15 =	smax.u32 s15, $0x1;
	s9 =	sadd.s32 $0x4000, s8;
	s10 =	sadd.s32 $0x8000, s8  }
0xe: {  	v0 =	vimm.f32 $0.0e+00;
	s11 =	sadd.s32 $0xC000, s8;
	s12 =	sadd.s32 $0x10000, s8;
	s14 =	sadd.s32 $0x10BC00, s14  }
.LBB2_1:
0xf: {  	s22 =	simm.s32 $0x0;
	s23 =	simm.s32 $0x200  }
.LBB2_2:
0x10: {  	p0 =	sne.s32 s23, $0xFE00;
	[tilespmem:s22+$0x4870] =	vst v0  }
0x11: {  	[tilespmem:s22+$0x4800] =	vst v0  }
0x12: {  	[tilespmem:s22+$0x4810] =	vst v0  }
.Ltmp0:
0x13: {  	[tilespmem:s22+$0x4820] =	vst v0;
	(pc) =	sbr.rel @p0 .LBB2_2-.Ltmp0, $4  }
0x14: {  	[tilespmem:s22+$0x4830] =	vst v0  }
0x15: {  	[tilespmem:s22+$0x4840] =	vst v0  }
0x16: {  	[tilespmem:s22+$0x4850] =	vst v0  }
0x17: {  	[tilespmem:s22+$0x4860] =	vst v0;
	s22 =	sshra.s32 s23, $0x2;
	s23 =	sadd.s32 $0x200, s23  }
0x18: {  	[tilespmem:s22+$0x4870] =	vst v0  }
0x19: {  	[tilespmem:s22+$0x4800] =	vst v0  }
0x1a: {  	[tilespmem:s22+$0x4810] =	vst v0  }
0x1b: {  	[tilespmem:s22+$0x4820] =	vst v0  }
0x1c: {  	[tilespmem:s22+$0x4830] =	vst v0  }
0x1d: {  	[tilespmem:s22+$0x4840] =	vst v0  }
0x1e: {  	[tilespmem:s22+$0x4850] =	vst v0  }
0x1f: {  	[tilespmem:s22+$0x4860] =	vst v0  }
0x20: {  	[spmem:s8] =	stream.linear.scatter [tilespmem:s16], [sflag:$0x2], $0x4000, $0x38;
	[tilespmem:$0x1C800] =	vst v63  }
0x21: {  	_ =	swait.ge [sflag:s17], $0x4000  }
0x22: {  	[sflag:s17] =	ssyncset.done $0x0  }
0x23: {  	[sflag:s17] =	ssyncadd.s32 $0xFFFFC000  }
0x24: {  	[spmem:s9] =	stream.linear.scatter [tilespmem:s16], [sflag:$0x2], $0x4000, $0x38;
	[tilespmem:$0x1C800] =	vst v63  }
0x25: {  	_ =	swait.ge [sflag:s17], $0x4000  }
0x26: {  	[sflag:s17] =	ssyncset.done $0x0  }
0x27: {  	[sflag:s17] =	ssyncadd.s32 $0xFFFFC000  }
0x28: {  	[spmem:s10] =	stream.linear.scatter [tilespmem:s16], [sflag:$0x2], $0x4000, $0x38;
	[tilespmem:$0x1C800] =	vst v63  }
0x29: {  	_ =	swait.ge [sflag:s17], $0x4000  }
0x2a: {  	[sflag:s17] =	ssyncset.done $0x0  }
0x2b: {  	[sflag:s17] =	ssyncadd.s32 $0xFFFFC000  }
0x2c: {  	[spmem:s11] =	stream.linear.scatter [tilespmem:s16], [sflag:$0x2], $0x4000, $0x38;
	[tilespmem:$0x1C800] =	vst v63  }
0x2d: {  	_ =	swait.ge [sflag:s17], $0x4000  }
0x2e: {  	[sflag:s17] =	ssyncset.done $0x0  }
0x2f: {  	[sflag:s17] =	ssyncadd.s32 $0xFFFFC000  }
0x30: {  	[spmem:s12] =	stream.linear.scatter [tilespmem:s16], [sflag:$0x2], $0x4000, $0x38;
	[tilespmem:$0x1C800] =	vst v63  }
0x31: {  	_ =	swait.ge [sflag:s17], $0x4000  }
0x32: {  	[sflag:s17] =	ssyncset.done $0x0  }
0x33: {  	[sflag:s17] =	ssyncadd.s32 $0xFFFFC000  }
0x34: {  	s22 =	simm.s32 $0x0;
	s23 =	simm.s32 $0x0;
	[bflag:$0x0] =	sbarrier.arrive $0xFFFF  }
.LBB2_4:
0x35: {  	s24 =	sshll.u32 s23, $0x3  }
0x36: {  	s24 =	sadd.s32 s13, s24  }
0x37: {  	s25 =	sshll.u32 s24, $0x4  }
0x38: {  	s26 =	sadd.s32 s6, s25  }
0x39: {  	[tilespmem:s22], [sflag:$0x2] =	stream.linear.gather [hbm4b:s26+s22], $0x400, $0x38;
	[tilespmem:$0x1C800] =	vst v63  }
0x3a: {  	_ =	swait.ge [sflag:s17], $0x400  }
0x3b: {  	[sflag:s17] =	ssyncset.done $0x0  }
0x3c: {  	s25 =	sadd.s32 s7, s25;
	[sflag:s17] =	ssyncadd.s32 $0xFFFFFC00  }
0x3d: {  	[tilespmem:s18], [sflag:$0x2] =	stream.linear.gather [hbm4b:s25+s22], $0x400, $0x38;
	[tilespmem:$0x1C800] =	vst v63  }
0x3e: {  	_ =	swait.ge [sflag:s17], $0x400  }
0x3f: {  	[sflag:s17] =	ssyncset.done $0x0  }
0x40: {  	s25 =	simm.s32 $0x0;
	[sflag:s17] =	ssyncadd.s32 $0xFFFFFC00  }
.LBB2_5:
0x41: {  	s26 =	sshll.u32 s25, $0x7  }
0x42: {  	[tilespmem:s20], [sflag:$0x1] =	stream.indirect.gather [hbm4b:s4+s19], $0x80, s26, s19, $0xb8;
	[tilespmem:$0x1C800] =	vst v63  }
0x43: {  	s28 =	sadd.s32 s24, s25;
	_ =	swait.ge [sflag:s21], $0x4000  }
0x44: {  	s28 =	sshll.u32 s28, $0xB;
	[sflag:s21] =	ssyncset.done $0x0  }
0x45: {  	s29 =	simm.s32 $0x0;
	s28 =	sadd.s32 s5, s28;
	[sflag:s21] =	ssyncadd.s32 $0xFFFFC000  }
0x46: {  	[tilespmem:s16], [sflag:$0x2] =	stream.linear.gather [hbm4b:s28+s29], $0x4000, $0x38;
	[tilespmem:$0x1C800] =	vst v63  }
0x47: {  	_ =	swait.ge [sflag:s17], $0x4000  }
0x48: {  	[sflag:s17] =	ssyncset.done $0x0  }
0x49: {  	s28 =	simm.s32 $0x0;
	[sflag:s17] =	ssyncadd.s32 $0xFFFFC000  }
0x4a: {  	v7 =	vld [tilespmem:s28+$0x800]  }
0x4b: {  	v12 =	vld [tilespmem:s28+$0x810]  }
0x4c: {  	v6 =	vld [tilespmem:s28+$0x820]  }
0x4d: {  	v5 =	vld [tilespmem:s28+$0x830]  }
0x4e: {  	v4 =	vld [tilespmem:s28+$0x840]  }
0x4f: {  	v3 =	vld [tilespmem:s28+$0x850]  }
0x50: {  	v2 =	vld [tilespmem:s28+$0x860]  }
0x51: {  	v1 =	vld [tilespmem:s28+$0x870]  }
0x52: {  	v13 =	vld [tilespmem:s28+$0x4800]  }
0x53: {  	v14 =	vld [tilespmem:s28+$0x4810]  }
0x54: {  	v11 =	vld [tilespmem:s28+$0x4820]  }
0x55: {  	v10 =	vld [tilespmem:s28+$0x4830]  }
0x56: {  	v9 =	vld [tilespmem:s28+$0x4840]  }
0x57: {  	v8 =	vld [tilespmem:s28+$0x4850];
	v13 =	vadd.f32 v13, v7  }
0x58: {  	s29 =	simm.s32 $0x200;
	v12 =	vadd.f32 v14, v12;
	v7 =	vld [tilespmem:s28+$0x4860]  }
.LBB2_6:
0x59: {  	s30 =	sshra.s32 s29, $0x2;
	p0 =	sne.s32 s29, $0xFE00;
	v13 =	vmax.f32 v13, $0.0e+00;
	v6 =	vadd.f32 v11, v6;
	v11 =	vld [tilespmem:s28+$0x4870]  }
0x5a: {  	v14 =	vld [tilespmem:s30+$0x800];
	[tilespmem:s28+$0x4800] =	vst v13;
	v12 =	vmax.f32 v12, $0.0e+00;
	v5 =	vadd.f32 v10, v5  }
0x5b: {  	v15 =	vld [tilespmem:s30+$0x810];
	[tilespmem:s28+$0x4810] =	vst v12;
	v10 =	vmax.f32 v6, $0.0e+00;
	v4 =	vadd.f32 v9, v4  }
0x5c: {  	v6 =	vld [tilespmem:s30+$0x820];
	[tilespmem:s28+$0x4820] =	vst v10;
	v9 =	vmax.f32 v5, $0.0e+00;
	v3 =	vadd.f32 v8, v3  }
0x5d: {  	v5 =	vld [tilespmem:s30+$0x830];
	[tilespmem:s28+$0x4830] =	vst v9;
	v8 =	vmax.f32 v4, $0.0e+00;
	v2 =	vadd.f32 v7, v2  }
0x5e: {  	v4 =	vld [tilespmem:s30+$0x840];
	[tilespmem:s28+$0x4840] =	vst v8;
	v7 =	vmax.f32 v3, $0.0e+00;
	v1 =	vadd.f32 v11, v1  }
0x5f: {  	v3 =	vld [tilespmem:s30+$0x850];
	[tilespmem:s28+$0x4850] =	vst v7;
	v7 =	vmax.f32 v2, $0.0e+00  }
0x60: {  	v2 =	vld [tilespmem:s30+$0x860];
	[tilespmem:s28+$0x4860] =	vst v7;
	v7 =	vmax.f32 v1, $0.0e+00  }
0x61: {  	v1 =	vld [tilespmem:s30+$0x870];
	[tilespmem:s28+$0x4870] =	vst v7;
	s28 =	smov.u32 s30  }
0x62: {  	v7 =	vld [tilespmem:s28+$0x4800]  }
0x63: {  	v12 =	vld [tilespmem:s28+$0x4810]  }
.Ltmp1:
0x64: {  	v11 =	vld [tilespmem:s28+$0x4820];
	(pc) =	sbr.rel @p0 .LBB2_6-.Ltmp1, $4  }
0x65: {  	v10 =	vld [tilespmem:s28+$0x4830]  }
0x66: {  	v9 =	vld [tilespmem:s28+$0x4840]  }
0x67: {  	v13 =	vadd.f32 v7, v14;
	v8 =	vld [tilespmem:s28+$0x4850]  }
0x68: {  	s29 =	sadd.s32 $0x200, s29;
	v12 =	vadd.f32 v12, v15;
	v7 =	vld [tilespmem:s28+$0x4860]  }
0x69: {  	v13 =	vmax.f32 v13, $0.0e+00;
	v6 =	vadd.f32 v11, v6;
	v63 =	vld [tilespmem:s28+$0x4870]  }
0x6a: {  	[tilespmem:s28+$0x4800] =	vst v13;
	v12 =	vmax.f32 v12, $0.0e+00;
	v5 =	vadd.f32 v10, v5  }
0x6b: {  	[tilespmem:s28+$0x4810] =	vst v12;
	v6 =	vmax.f32 v6, $0.0e+00;
	v4 =	vadd.f32 v9, v4  }
0x6c: {  	[tilespmem:s28+$0x4820] =	vst v6;
	v5 =	vmax.f32 v5, $0.0e+00;
	v3 =	vadd.f32 v8, v3  }
0x6d: {  	[tilespmem:s28+$0x4830] =	vst v5;
	v4 =	vmax.f32 v4, $0.0e+00;
	v2 =	vadd.f32 v7, v2  }
0x6e: {  	[tilespmem:s28+$0x4840] =	vst v4;
	v3 =	vmax.f32 v3, $0.0e+00;
	v1 =	vadd.f32 v63, v1  }
0x6f: {  	s25 =	sadd.s32 $0x1, s25;
	[tilespmem:s28+$0x4850] =	vst v3;
	v2 =	vmax.f32 v2, $0.0e+00  }
0x70: {  	p0 =	sne.s32 s25, $0x8;
	[tilespmem:s28+$0x4860] =	vst v2;
	v1 =	vmax.f32 v1, $0.0e+00  }
.Ltmp2:
0x71: {  	s26 =	sadd.s32 $0x400, s26;
	[tilespmem:s28+$0x4870] =	vst v1;
	(pc) =	sbr.rel @p0 .LBB2_5-.Ltmp2, $4  }
0x72: {  	[spmem:s1] =	stream.indirect.scatter.add.f32 [tilespmem:s16], [sflag:$0x2], $0x80, s26, s19, $0xb8;
	[tilespmem:$0x1C800] =	vst v63  }
0x73: {  	_ =	swait.ge [sflag:s17], $0x4000  }
0x74: {  	[sflag:s17] =	ssyncset.done $0x0  }
0x75: {  	[sflag:s17] =	ssyncadd.s32 $0xFFFFC000  }
0x76: {  	s23 =	sadd.s32 $0x1, s23  }
0x77: {  	p0 =	sne.s32 s23, $0xA  }
.Ltmp3:
0x78: {  	_ = 	snop;
	(pc) =	sbr.rel @p0 .LBB2_4-.Ltmp3, $1  }
0x79: {  	_ =	sdelay $0x3  }
0x7a: {  	s3 =	sadd.s32 $0x1, s3  }
0x7b: {  	s22 =	sshll.u32 s2, $0x6;
	[bflag:$0x0] =	sbarrier.arrive $0xFFFF;
	p0 =	sne.s32 s3, s15  }
.Ltmp4:
0x7c: {  	s23 =	sshrl.u32 s8, $0x3;
	s22 =	sor.u32 $0x1C02, s22;
	(pc) =	sbr.rel @p0 .LBB2_1-.Ltmp4, $4  }
0x7d: {  	[hbm:s14], [sflag:s22] =	dma.local [spmem:s23], $0x2800  }
0x7e: {  	_ =	swait.ge [sflag:s17], $0x2800  }
0x7f: {  	[sflag:s17] =	ssyncset.done $0x0  }
0x80: {  	[sflag:s17] =	ssyncadd.s32 $0xFFFFD800  }
0x81: {  	_ =	sfence.sel $0x180000  }
0x82: {  	[bflag:$0x0] =	sbarrier.arrive $0xFFFF  }
0x83: {  	p0 =	sne.s32 s2, $0x0;
	_ =	strace $0x90000047  }
0x84: {  	s0 =	sadd.s32 @!p0 $0x100000, s0;
	[bflag:$0x2] =	sbarrier.arrive $0xFFFF  }
0x85: {  	[sflag:s0] =	ssyncadd.tile.s32 @!p0 $0x1;
	_ =	shalt  }
.Lfunc_end2:
_tile_overlayer_lowered:
.L_overlay_start_2:
0x86: {  	(tag) =	ssettag $0x2  }
0x87: {  	s0 =	rddreg [dreg:$0x0];
	s2 =	stileid.u32  }
0x88: {  	s1 =	rddreg [dreg:$0x1];
	p0 =	sne.s32 s2, $0x0  }
0x89: {  	s3 =	rddreg [dreg:$0x2];
	[bflag:$0x3] =	sbarrier.arrive $0xFFFF;
	s2 =	simm.s32 @!p0 $0x1C02  }
0x8a: {  	[timem:s3], [sflag:s2] =	dma.local @!p0 [hbm:s0], s1  }
0x8b: {  	s0 =	simm.s32 @!p0 $0x2  }
0x8c: {  	_ =	swait.ge @!p0 [sflag:s0], s1  }
0x8d: {  	s1 =	ssub.s32 @!p0 $0x0, s1;
	[sflag:s0] =	ssyncset.done @!p0 $0x0  }
0x8e: {  	[sflag:s0] =	ssyncadd.s32 @!p0 s1  }
0x8f: {  	[bflag:$0x3] =	sbarrier.arrive $0xFFFF  }
0x90: {  	_ =	shalt  }

// kernel: kernel.9.cloned.1.call-start
scs
__scs_entry_jumppad:
0x0: {  	(pc) =	sbr.rel $0x88, $3  }
0x1: {  	(tag) =	ssettag $0x0;
	lr =	simm.s32 $0x1  }
0x2: {  	[smem:$0x3F83] =	sst lr;
	_ =	strace $0xD0000000  }
0x3: {  	_ = 	snop  }
0x4: {  	_ = 	snop  }
0x5: {  	_ = 	snop  }
0x6: {  	_ = 	snop  }
0x7: {  	_ = 	snop  }
__scs_overlays_trampoline_lowered:
0x8: {  	[smem:$0x3F92] =	sst s0  }
0x9: {  	[smem:$0x3F93] =	sst s1  }
0xa: {  	[smem:$0x3F94] =	sst s2  }
0xb: {  	[smem:$0x3F95] =	sst s3  }
0xc: {  	[smem:$0x3F96] =	sst s4  }
0xd: {  	[smem:$0x3F97] =	sst s5  }
0xe: {  	[smem:$0x3F98] =	sst s6  }
0xf: {  	[smem:$0x3F99] =	sst s7  }
0x10: {  	[smem:$0x3F9A] =	sst s8  }
0x11: {  	[smem:$0x3F9B] =	sst s9;
	s0 =	simm.s32 @!p0 $0x0  }
0x12: {  	s1 =	sld [smem:$0x3F81];
	s0 =	simm.s32 @p0 $0x1  }
0x13: {  	[smem:$0x3F9C] =	sst s0;
	s0 =	simm.s32 @!p1 $0x0  }
0x14: {  	s2 =	sld [smem:$0x3F80];
	s0 =	simm.s32 @p1 $0x1  }
0x15: {  	[smem:$0x3F9D] =	sst s0;
	s0 =	simm.s32 @!p2 $0x0  }
0x16: {  	s3 =	sld [smem:$0x3FDB];
	s0 =	simm.s32 @p2 $0x1  }
0x17: {  	s4 =	simm.s32 $0x1BF5;
	[smem:$0x3F9F] =	sst s0  }
0x18: {  	s0 =	sld [smem:$0x3F82];
	_ =	swait.ge [sflag:s4], $0x0  }
0x19: {  	s7 =	sld [smem:$0x3F83]  }
0x1a: {  	s8 =	sadd.s32 $0xFFFFE003, lr  }
0x1b: {  	s9 =	sadd.s32 $0xFFFFFEF7, lr;
	s5 =	simm.s32 $0xFFFFFFFF;
	p2 =	slt.u32 s8, $0xFFFFF086  }
0x1c: {  	p1 =	slt.u32 s9, $0xF7A;
	s5 =	simm.s32 @!p2 $0x0  }
0x1d: {  	s5 =	simm.s32 @p1 $0x1;
	p0 =	seq.s32 s7, s2  }
0x1e: {  	s7 =	smul.u32 @!p0 $0xF7A, s2;
	p2 =	seq.s32 @!p0 s5, $0x0  }
0x1f: {  	s9 =	smul.u32 $0xF7A, s1;
	s8 =	simm.s32 @!p0 $0x1BF5;
	p2 =	por !p2, p0  }
0x20: {  	[sflag:s8] =	ssyncset.s32 @!p0 $0xFFFFF086;
	s6 =	sadd.s32 @!p0 s3, s7;
	s7 =	simm.s32 @!p0 $0x108  }
0x21: {  	s3 =	sadd.s32 s3, s9;
	s6 =	sadd.s32 @!p0 $0x88, s6;
	s7 =	simm.s32 @p2 $0x1082  }
0x22: {  	[simem:s7], [sflag:s8] =	dma.local @!p0 [hbm:s6], $0xF7A  }
0x23: {  	s9 =	sor.u32 $0xD0000000, s2;
	s6 =	simm.s32 $0x108;
	_ =	swait.ge @!p0 [sflag:s8], $0x0  }
0x24: {  	s3 =	sadd.s32 $0x88, s3;
	s6 =	simm.s32 @!p1 $0x1082;
	[sflag:s4] =	ssyncset.s32 $0xFFFFF086  }
0x25: {  	[simem:s6], [sflag:s4] =	dma.local [hbm:s3], $0xF7A  }
0x26: {  	[smem:$0x3F83] =	sst s1;
	(tag) =	ssettag s2;
	_ =	strace s9  }
0x27: {  	s1 =	sld [smem:$0x3F93]  }
0x28: {  	s2 =	sld [smem:$0x3F94]  }
0x29: {  	s4 =	sld [smem:$0x3F96]  }
0x2a: {  	p0 =	seq.s32 s5, $0x0;
	s5 =	sld [smem:$0x3F97]  }
0x2b: {  	s6 =	sld [smem:$0x3F98]  }
0x2c: {  	s7 =	sld [smem:$0x3F99]  }
0x2d: {  	s3 =	simm.s32 $0x108;
	s8 =	sld [smem:$0x3F9A]  }
0x2e: {  	s3 =	simm.s32 @!p0 $0x1082;
	s9 =	sld [smem:$0x3F9B]  }
0x2f: {  	lr =	sadd.s32 s0, s3;
	s0 =	sld [smem:$0x3F92]  }
0x30: {  	s3 =	sld [smem:$0x3F95]  }
0x31: {  	[smem:$0x3F9E] =	sst s10  }
0x32: {  	s10 =	sld [smem:$0x3F9C];
	_ =	sdelay $0x3  }
0x33: {  	p0 =	seq.s32 s10, $0x1;
	s10 =	sld [smem:$0x3F9E];
	_ =	sdelay $0x3  }
0x34: {  	[smem:$0x3F9E] =	sst s10  }
0x35: {  	s10 =	sld [smem:$0x3F9D];
	_ =	sdelay $0x3  }
0x36: {  	p1 =	seq.s32 s10, $0x1;
	s10 =	sld [smem:$0x3F9E];
	_ =	sdelay $0x3  }
0x37: {  	[smem:$0x3F9E] =	sst s10  }
0x38: {  	s10 =	sld [smem:$0x3F9F]  }
0x39: {  	_ = 	snop;
	(pc) =	sbr.ind lr, $3  }
0x3a: {  	_ = 	snop  }
0x3b: {  	_ = 	snop  }
0x3c: {  	p2 =	seq.s32 s10, $0x1;
	s10 =	sld [smem:$0x3F9E]  }
0x3d: {  	_ =	shalt  }
0x3e: {  	_ =	shalt  }
0x3f: {  	_ =	shalt  }
0x40: {  	_ =	shalt  }
0x41: {  	_ =	shalt  }
0x42: {  	_ =	shalt  }
0x43: {  	_ =	shalt  }
0x44: {  	_ =	shalt  }
0x45: {  	_ =	shalt  }
0x46: {  	_ =	shalt  }
0x47: {  	_ =	shalt  }
0x48: {  	_ =	shalt  }
0x49: {  	_ =	shalt  }
0x4a: {  	_ =	shalt  }
0x4b: {  	_ =	shalt  }
0x4c: {  	_ =	shalt  }
0x4d: {  	_ =	shalt  }
0x4e: {  	_ =	shalt  }
0x4f: {  	_ =	shalt  }
0x50: {  	_ =	shalt  }
0x51: {  	_ =	shalt  }
0x52: {  	_ =	shalt  }
0x53: {  	_ =	shalt  }
0x54: {  	_ =	shalt  }
0x55: {  	_ =	shalt  }
0x56: {  	_ =	shalt  }
0x57: {  	_ =	shalt  }
0x58: {  	_ =	shalt  }
0x59: {  	_ =	shalt  }
0x5a: {  	_ =	shalt  }
0x5b: {  	_ =	shalt  }
0x5c: {  	_ =	shalt  }
0x5d: {  	_ =	shalt  }
0x5e: {  	_ =	shalt  }
0x5f: {  	_ =	shalt  }
0x60: {  	_ =	shalt  }
0x61: {  	_ =	shalt  }
0x62: {  	_ =	shalt  }
0x63: {  	_ =	shalt  }
0x64: {  	_ =	shalt  }
0x65: {  	_ =	shalt  }
0x66: {  	_ =	shalt  }
0x67: {  	_ =	shalt  }
0x68: {  	_ =	shalt  }
0x69: {  	_ =	shalt  }
0x6a: {  	_ =	shalt  }
0x6b: {  	_ =	shalt  }
0x6c: {  	_ =	shalt  }
0x6d: {  	_ =	shalt  }
0x6e: {  	_ =	shalt  }
0x6f: {  	_ =	shalt  }
0x70: {  	_ =	shalt  }
0x71: {  	_ =	shalt  }
0x72: {  	_ =	shalt  }
0x73: {  	_ =	shalt  }
0x74: {  	_ =	shalt  }
0x75: {  	_ =	shalt  }
0x76: {  	_ =	shalt  }
0x77: {  	_ =	shalt  }
0x78: {  	_ =	shalt  }
0x79: {  	_ =	shalt  }
0x7a: {  	_ =	shalt  }
0x7b: {  	_ =	shalt  }
0x7c: {  	_ =	shalt  }
0x7d: {  	_ =	shalt  }
0x7e: {  	_ =	shalt  }
0x7f: {  	_ =	shalt  }
0x80: {  	_ =	shalt  }
0x81: {  	_ =	shalt  }
0x82: {  	_ =	shalt  }
0x83: {  	_ =	shalt  }
0x84: {  	_ =	shalt  }
0x85: {  	_ =	shalt  }
0x86: {  	_ =	shalt  }
0x87: {  	_ =	shalt  }
.Lfunc_end0:
.L_simem_size_0:
called_computation.1_lowered:
.L_overlay_start_0:
0x88: {  	s2 =	sld [smem:$0x3FD9]  }
0x89: {  	s3 =	sld [smem:$0x3FFE];
	_ =	sdelay $0x1  }
0x8a: {  	s1 =	srdreg.scid  }
0x8b: {  	s0 =	sand.u32 $0x1, s1  }
0x8c: {  	s16 =	sshll.u32 s0, $0xA;
	s2 =	sadd.s32 s3, s2  }
0x8d: {  	s2 =	sadd.s32 s2, s16  }
0x8e: {  	[smem:$0x3FAA] =	sst s2  }
0x8f: {  	_ = 	snop  }
0x90: {  	(tm) =	ssettm $0x1  }
0x91: {  	s17 =	sld [smem:$0x3FFB];
	_ =	sdelay $0x3  }
0x92: {  	_ =	strace s17  }
0x93: {  	s2 =	sld [smem:$0x3FFC];
	_ =	sdelay $0x3  }
0x94: {  	_ =	strace s2  }
0x95: {  	s2 =	sld [smem:$0x3FFD];
	_ =	sdelay $0x3  }
0x96: {  	_ =	strace s2  }
0x97: {  	_ =	strace $0x8FFFFFFF  }
0x98: {  	s18 =	sld [smem:$0x3FDB];
	_ =	sdelay $0x1  }
0x99: {  	s19 =	simm.s32 $_scs_section_size  }
0x9a: {  	s4 =	simm.s32 $_size__tile_overlayer_lowered;
	s5 =	simm.s32 $_tile_overlayer_lowered  }
0x9b: {  	s22 =	simm.s32 $0x1BFF;
	s21 =	sshll.u32 s5, $0x1;
	s2 =	sadd.s32 s19, s18  }
0x9c: {  	s6 =	simm.s32 $0x0;
	s20 =	sshll.u32 s4, $0x1;
	s4 =	sadd.s32 s21, s2  }
0x9d: {  	[timem:s6], [sflag:s22] =	dma.local [hbm:s4], s20  }
0x9e: {  	_ =	swait.ge [sflag:s22], s20  }
0x9f: {  	s3 =	ssub.s32 $0x0, s20;
	[sflag:s22] =	ssyncset.done $0x0  }
0xa0: {  	[sflag:s22] =	ssyncadd.s32 s3;
	_ =	sdelay $0x1  }
0xa1: {  	s23 =	simm.s32 $0x1B8B  }
0xa2: {  	_ =	swait.ge [sflag:s23], $0x1  }
0xa3: {  	[sflag:s23] =	ssyncset.done $0x0  }
0xa4: {  	s25 =	simm.s32 $0x1B8E;
	s24 =	sld [smem:$0x3FFE];
	[sflag:s23] =	ssyncadd.s32 $0xFFFFFFFF  }
0xa5: {  	s26 =	simm.s32 $execute0_lowered;
	[smem:$0x3FD2] =	sst s25  }
0xa6: {  	s4 =	sshll.u32 s26, $0x1;
	_ =	strace $0x80000049;
	[dreg:$0x1] =	wrdreg $0xFFFFFFFF  }
0xa7: {  	s28 =	simm.s32 $_size_execute0_lowered;
	s2 =	sadd.s32 s2, s4;
	[dreg:$0x0] =	wrdreg $0x0  }
0xa8: {  	s4 =	sshll.u32 s28, $0x1;
	[dreg:$0x2] =	wrdreg s2  }
0xa9: {  	[dreg:$0x3] =	wrdreg s4  }
0xaa: {  	[dreg:$0x4] =	wrdreg $0xC0  }
0xab: {  	_ =	task [dreg:s6], $0x5FFFF  }
0xac: {  	[dreg:$0x1] =	wrdreg $0xFFFFFFFF  }
0xad: {  	[dreg:$0x0] =	wrdreg $0x60  }
0xae: {  	[dreg:$0x2] =	wrdreg s24  }
0xaf: {  	[dreg:$0x3] =	wrdreg $0x88000  }
0xb0: {  	[dreg:$0x4] =	wrdreg $0x9  }
0xb1: {  	_ =	task.clear_ibuf [dreg:s6], $0x5FFFF;
	_ =	strace $0x90000049  }
0xb2: {  	s29 =	simm.s32 $0x9;
	_ =	strace $0x8000004B  }
0xb3: {  	_ =	swait.ge [sflag:s29], $0x1  }
0xb4: {  	[sflag:s29] =	ssyncadd.s32 $0xFFFFFFFF  }
0xb5: {  	_ =	strace $0x9000004B  }
0xb6: {  	_ =	sfence  }
0xb7: {  	s30 =	sld [smem:$0x0];
	_ =	sdelay $0x2  }
0xb8: {  	s31 =	sshll.u32 s1, $0xD;
	s1 =	sshrl.u32 s1, $0x2  }
0xb9: {  	s3 =	sand.u32 $0x4000, s31;
	s1 =	sadd.s32 s1, s30  }
0xba: {  	s0 =	sor.u32 s3, s0;
	s1 =	sshll.u32 s1, $0x11  }
0xbb: {  	s0 =	sor.u32 s1, s0  }
0xbc: {  	s0 =	sadd.s32 $0x8F2B, s0  }
0xbd: {  	[sflag:s0] =	ssyncadd.remote.s32 $0x1  }
0xbe: {  	_ =	sfence.sel $0xFFFF  }
0xbf: {  	[dreg:$0x0] =	wrdreg $0xFFFFFFFF;
	(pc) =	sbr.abs _section_cstart, $3  }
0xc0: {  	[dreg:$0x1] =	wrdreg $0xFFFFFFFF  }
0xc1: {  	_ =	task.clear_ibuf [dreg:s6], $0x2FFFF;
	_ =	strace $0x9FFFFFFF  }
0xc2: {  	(tm) =	ssettm $0x7FFFFFFF  }
0xc3: {  	_ =	shalt  }
tec
execute0_lowered:
.L_overlay_start_1:
0x0: {  	(tag) =	ssettag $0x1  }
0x1: {  	s8 =	rddreg [dreg:$0x0]  }
0x2: {  	s1 =	rddreg [dreg:$0x1];
	s2 =	srdreg.scid  }
0x3: {  	s0 =	rddreg [dreg:$0x2];
	s3 =	simm.s32 $0x0;
	s16 =	simm.s32 $0x4800  }
0x4: {  	s17 =	simm.s32 $0x2;
	s18 =	simm.s32 $0x400;
	s19 =	simm.s32 $0x80  }
0x5: {  	s20 =	simm.s32 $0x800;
	s9 =	sand.u32 $0x1, s2;
	s2 =	stileid.u32  }
0x6: {  	s21 =	simm.s32 $0x1;
	[smem:$0x7FF] =	sst s3;
	s6 =	smul.u32 $0x140000, s9  }
0x7: {  	s4 =	sadd.s32 $0xDAA00, s8;
	s5 =	sadd.s32 $0xFC5C00, s8;
	s7 =	smul.u32 $0x14000, s2  }
0x8: {  	_ =	strace $0x8000004A;
	s29 =	ssub.s32 $0x2, s9;
	s9 =	sshll.u32 s9, $0x4  }
0x9: {  	s11 =	smul.u32 $0x50000, s2;
	s31 =	sshrl.u32 s29, $0x1;
	s13 =	sor.u32 s2, s9  }
0xa: {  	s10 =	sadd.s32 s7, s6;
	s6 =	sadd.s32 $0x51A00, s8;
	s7 =	sadd.s32 $0x101C00, s8  }
0xb: {  	s30 =	sshrl.u32 s11, $0x2;
	s15 =	ssub.s32 s29, s31;
	s10 =	sshrl.u32 s10, $0x3  }
0xc: {  	s13 =	smul.u32 $0x50, s13;
	s14 =	sadd.s32 s10, s8;
	s8 =	sadd.s32 s30, s1  }
0xd: {  	s15 =	smax.u32 s15, $0x1;
	s9 =	sadd.s32 $0x4000, s8;
	s10 =	sadd.s32 $0x8000, s8  }
0xe: {  	v0 =	vimm.f32 $0.0e+00;
	s11 =	sadd.s32 $0xC000, s8;
	s12 =	sadd.s32 $0x10000, s8;
	s14 =	sadd.s32 $0x10BC00, s14  }
.LBB2_1:
0xf: {  	s22 =	simm.s32 $0x0;
	s23 =	simm.s32 $0x200  }
.LBB2_2:
0x10: {  	p0 =	sne.s32 s23, $0xFE00;
	[tilespmem:s22+$0x4870] =	vst v0  }
0x11: {  	[tilespmem:s22+$0x4800] =	vst v0  }
0x12: {  	[tilespmem:s22+$0x4810] =	vst v0  }
.Ltmp0:
0x13: {  	[tilespmem:s22+$0x4820] =	vst v0;
	(pc) =	sbr.rel @p0 .LBB2_2-.Ltmp0, $4  }
0x14: {  	[tilespmem:s22+$0x4830] =	vst v0  }
0x15: {  	[tilespmem:s22+$0x4840] =	vst v0  }
0x16: {  	[tilespmem:s22+$0x4850] =	vst v0  }
0x17: {  	[tilespmem:s22+$0x4860] =	vst v0;
	s22 =	sshra.s32 s23, $0x2;
	s23 =	sadd.s32 $0x200, s23  }
0x18: {  	[tilespmem:s22+$0x4870] =	vst v0  }
0x19: {  	[tilespmem:s22+$0x4800] =	vst v0  }
0x1a: {  	[tilespmem:s22+$0x4810] =	vst v0  }
0x1b: {  	[tilespmem:s22+$0x4820] =	vst v0  }
0x1c: {  	[tilespmem:s22+$0x4830] =	vst v0  }
0x1d: {  	[tilespmem:s22+$0x4840] =	vst v0  }
0x1e: {  	[tilespmem:s22+$0x4850] =	vst v0  }
0x1f: {  	[tilespmem:s22+$0x4860] =	vst v0  }
0x20: {  	[spmem:s8] =	stream.linear.scatter [tilespmem:s16], [sflag:$0x2], $0x4000, $0x38;
	[tilespmem:$0x1C800] =	vst v63  }
0x21: {  	_ =	swait.ge [sflag:s17], $0x4000  }
0x22: {  	[sflag:s17] =	ssyncset.done $0x0  }
0x23: {  	[sflag:s17] =	ssyncadd.s32 $0xFFFFC000  }
0x24: {  	[spmem:s9] =	stream.linear.scatter [tilespmem:s16], [sflag:$0x2], $0x4000, $0x38;
	[tilespmem:$0x1C800] =	vst v63  }
0x25: {  	_ =	swait.ge [sflag:s17], $0x4000  }
0x26: {  	[sflag:s17] =	ssyncset.done $0x0  }
0x27: {  	[sflag:s17] =	ssyncadd.s32 $0xFFFFC000  }
0x28: {  	[spmem:s10] =	stream.linear.scatter [tilespmem:s16], [sflag:$0x2], $0x4000, $0x38;
	[tilespmem:$0x1C800] =	vst v63  }
0x29: {  	_ =	swait.ge [sflag:s17], $0x4000  }
0x2a: {  	[sflag:s17] =	ssyncset.done $0x0  }
0x2b: {  	[sflag:s17] =	ssyncadd.s32 $0xFFFFC000  }
0x2c: {  	[spmem:s11] =	stream.linear.scatter [tilespmem:s16], [sflag:$0x2], $0x4000, $0x38;
	[tilespmem:$0x1C800] =	vst v63  }
0x2d: {  	_ =	swait.ge [sflag:s17], $0x4000  }
0x2e: {  	[sflag:s17] =	ssyncset.done $0x0  }
0x2f: {  	[sflag:s17] =	ssyncadd.s32 $0xFFFFC000  }
0x30: {  	[spmem:s12] =	stream.linear.scatter [tilespmem:s16], [sflag:$0x2], $0x4000, $0x38;
	[tilespmem:$0x1C800] =	vst v63  }
0x31: {  	_ =	swait.ge [sflag:s17], $0x4000  }
0x32: {  	[sflag:s17] =	ssyncset.done $0x0  }
0x33: {  	[sflag:s17] =	ssyncadd.s32 $0xFFFFC000  }
0x34: {  	s22 =	simm.s32 $0x0;
	s23 =	simm.s32 $0x0;
	[bflag:$0x0] =	sbarrier.arrive $0xFFFF  }
.LBB2_4:
0x35: {  	s24 =	sshll.u32 s23, $0x3  }
0x36: {  	s24 =	sadd.s32 s13, s24  }
0x37: {  	s25 =	sshll.u32 s24, $0x4  }
0x38: {  	s26 =	sadd.s32 s6, s25  }
0x39: {  	[tilespmem:s22], [sflag:$0x2] =	stream.linear.gather [hbm4b:s26+s22], $0x400, $0x38;
	[tilespmem:$0x1C800] =	vst v63  }
0x3a: {  	_ =	swait.ge [sflag:s17], $0x400  }
0x3b: {  	[sflag:s17] =	ssyncset.done $0x0  }
0x3c: {  	s25 =	sadd.s32 s7, s25;
	[sflag:s17] =	ssyncadd.s32 $0xFFFFFC00  }
0x3d: {  	[tilespmem:s18], [sflag:$0x2] =	stream.linear.gather [hbm4b:s25+s22], $0x400, $0x38;
	[tilespmem:$0x1C800] =	vst v63  }
0x3e: {  	_ =	swait.ge [sflag:s17], $0x400  }
0x3f: {  	[sflag:s17] =	ssyncset.done $0x0  }
0x40: {  	s25 =	simm.s32 $0x0;
	[sflag:s17] =	ssyncadd.s32 $0xFFFFFC00  }
.LBB2_5:
0x41: {  	s26 =	sshll.u32 s25, $0x7  }
0x42: {  	[tilespmem:s20], [sflag:$0x1] =	stream.indirect.gather [hbm4b:s4+s19], $0x80, s26, s19, $0xb8;
	[tilespmem:$0x1C800] =	vst v63  }
0x43: {  	s28 =	sadd.s32 s24, s25;
	_ =	swait.ge [sflag:s21], $0x4000  }
0x44: {  	s28 =	sshll.u32 s28, $0xB;
	[sflag:s21] =	ssyncset.done $0x0  }
0x45: {  	s29 =	simm.s32 $0x0;
	s28 =	sadd.s32 s5, s28;
	[sflag:s21] =	ssyncadd.s32 $0xFFFFC000  }
0x46: {  	[tilespmem:s16], [sflag:$0x2] =	stream.linear.gather [hbm4b:s28+s29], $0x4000, $0x38;
	[tilespmem:$0x1C800] =	vst v63  }
0x47: {  	_ =	swait.ge [sflag:s17], $0x4000  }
0x48: {  	[sflag:s17] =	ssyncset.done $0x0  }
0x49: {  	s28 =	simm.s32 $0x0;
	[sflag:s17] =	ssyncadd.s32 $0xFFFFC000  }
0x4a: {  	v7 =	vld [tilespmem:s28+$0x800]  }
0x4b: {  	v12 =	vld [tilespmem:s28+$0x810]  }
0x4c: {  	v6 =	vld [tilespmem:s28+$0x820]  }
0x4d: {  	v5 =	vld [tilespmem:s28+$0x830]  }
0x4e: {  	v4 =	vld [tilespmem:s28+$0x840]  }
0x4f: {  	v3 =	vld [tilespmem:s28+$0x850]  }
0x50: {  	v2 =	vld [tilespmem:s28+$0x860]  }
0x51: {  	v1 =	vld [tilespmem:s28+$0x870]  }
0x52: {  	v13 =	vld [tilespmem:s28+$0x4800]  }
0x53: {  	v14 =	vld [tilespmem:s28+$0x4810]  }
0x54: {  	v11 =	vld [tilespmem:s28+$0x4820]  }
0x55: {  	v10 =	vld [tilespmem:s28+$0x4830]  }
0x56: {  	v9 =	vld [tilespmem:s28+$0x4840]  }
0x57: {  	v8 =	vld [tilespmem:s28+$0x4850];
	v13 =	vadd.f32 v13, v7  }
0x58: {  	s29 =	simm.s32 $0x200;
	v12 =	vadd.f32 v14, v12;
	v7 =	vld [tilespmem:s28+$0x4860]  }
.LBB2_6:
0x59: {  	s30 =	sshra.s32 s29, $0x2;
	p0 =	sne.s32 s29, $0xFE00;
	v13 =	vmax.f32 v13, $0.0e+00;
	v6 =	vadd.f32 v11, v6;
	v11 =	vld [tilespmem:s28+$0x4870]  }
0x5a: {  	v14 =	vld [tilespmem:s30+$0x800];
	[tilespmem:s28+$0x4800] =	vst v13;
	v12 =	vmax.f32 v12, $0.0e+00;
	v5 =	vadd.f32 v10, v5  }
0x5b: {  	v15 =	vld [tilespmem:s30+$0x810];
	[tilespmem:s28+$0x4810] =	vst v12;
	v10 =	vmax.f32 v6, $0.0e+00;
	v4 =	vadd.f32 v9, v4  }
0x5c: {  	v6 =	vld [tilespmem:s30+$0x820];
	[tilespmem:s28+$0x4820] =	vst v10;
	v9 =	vmax.f32 v5, $0.0e+00;
	v3 =	vadd.f32 v8, v3  }
0x5d: {  	v5 =	vld [tilespmem:s30+$0x830];
	[tilespmem:s28+$0x4830] =	vst v9;
	v8 =	vmax.f32 v4, $0.0e+00;
	v2 =	vadd.f32 v7, v2  }
0x5e: {  	v4 =	vld [tilespmem:s30+$0x840];
	[tilespmem:s28+$0x4840] =	vst v8;
	v7 =	vmax.f32 v3, $0.0e+00;
	v1 =	vadd.f32 v11, v1  }
0x5f: {  	v3 =	vld [tilespmem:s30+$0x850];
	[tilespmem:s28+$0x4850] =	vst v7;
	v7 =	vmax.f32 v2, $0.0e+00  }
0x60: {  	v2 =	vld [tilespmem:s30+$0x860];
	[tilespmem:s28+$0x4860] =	vst v7;
	v7 =	vmax.f32 v1, $0.0e+00  }
0x61: {  	v1 =	vld [tilespmem:s30+$0x870];
	[tilespmem:s28+$0x4870] =	vst v7;
	s28 =	smov.u32 s30  }
0x62: {  	v7 =	vld [tilespmem:s28+$0x4800]  }
0x63: {  	v12 =	vld [tilespmem:s28+$0x4810]  }
.Ltmp1:
0x64: {  	v11 =	vld [tilespmem:s28+$0x4820];
	(pc) =	sbr.rel @p0 .LBB2_6-.Ltmp1, $4  }
0x65: {  	v10 =	vld [tilespmem:s28+$0x4830]  }
0x66: {  	v9 =	vld [tilespmem:s28+$0x4840]  }
0x67: {  	v13 =	vadd.f32 v7, v14;
	v8 =	vld [tilespmem:s28+$0x4850]  }
0x68: {  	s29 =	sadd.s32 $0x200, s29;
	v12 =	vadd.f32 v12, v15;
	v7 =	vld [tilespmem:s28+$0x4860]  }
0x69: {  	v13 =	vmax.f32 v13, $0.0e+00;
	v6 =	vadd.f32 v11, v6;
	v63 =	vld [tilespmem:s28+$0x4870]  }
0x6a: {  	[tilespmem:s28+$0x4800] =	vst v13;
	v12 =	vmax.f32 v12, $0.0e+00;
	v5 =	vadd.f32 v10, v5  }
0x6b: {  	[tilespmem:s28+$0x4810] =	vst v12;
	v6 =	vmax.f32 v6, $0.0e+00;
	v4 =	vadd.f32 v9, v4  }
0x6c: {  	[tilespmem:s28+$0x4820] =	vst v6;
	v5 =	vmax.f32 v5, $0.0e+00;
	v3 =	vadd.f32 v8, v3  }
0x6d: {  	[tilespmem:s28+$0x4830] =	vst v5;
	v4 =	vmax.f32 v4, $0.0e+00;
	v2 =	vadd.f32 v7, v2  }
0x6e: {  	[tilespmem:s28+$0x4840] =	vst v4;
	v3 =	vmax.f32 v3, $0.0e+00;
	v1 =	vadd.f32 v63, v1  }
0x6f: {  	s25 =	sadd.s32 $0x1, s25;
	[tilespmem:s28+$0x4850] =	vst v3;
	v2 =	vmax.f32 v2, $0.0e+00  }
0x70: {  	p0 =	sne.s32 s25, $0x8;
	[tilespmem:s28+$0x4860] =	vst v2;
	v1 =	vmax.f32 v1, $0.0e+00  }
.Ltmp2:
0x71: {  	s26 =	sadd.s32 $0x400, s26;
	[tilespmem:s28+$0x4870] =	vst v1;
	(pc) =	sbr.rel @p0 .LBB2_5-.Ltmp2, $4  }
0x72: {  	[spmem:s1] =	stream.indirect.scatter.add.f32 [tilespmem:s16], [sflag:$0x2], $0x80, s26, s19, $0xb8;
	[tilespmem:$0x1C800] =	vst v63  }
0x73: {  	_ =	swait.ge [sflag:s17], $0x4000  }
0x74: {  	[sflag:s17] =	ssyncset.done $0x0  }
0x75: {  	[sflag:s17] =	ssyncadd.s32 $0xFFFFC000  }
0x76: {  	s23 =	sadd.s32 $0x1, s23  }
0x77: {  	p0 =	sne.s32 s23, $0xA  }
.Ltmp3:
0x78: {  	_ = 	snop;
	(pc) =	sbr.rel @p0 .LBB2_4-.Ltmp3, $1  }
0x79: {  	_ =	sdelay $0x3  }
0x7a: {  	s3 =	sadd.s32 $0x1, s3  }
0x7b: {  	s22 =	sshll.u32 s2, $0x6;
	[bflag:$0x0] =	sbarrier.arrive $0xFFFF;
	p0 =	sne.s32 s3, s15  }
.Ltmp4:
0x7c: {  	s23 =	sshrl.u32 s8, $0x3;
	s22 =	sor.u32 $0x1C02, s22;
	(pc) =	sbr.rel @p0 .LBB2_1-.Ltmp4, $4  }
0x7d: {  	[hbm:s14], [sflag:s22] =	dma.local [spmem:s23], $0x2800  }
0x7e: {  	_ =	swait.ge [sflag:s17], $0x2800  }
0x7f: {  	[sflag:s17] =	ssyncset.done $0x0  }
0x80: {  	[sflag:s17] =	ssyncadd.s32 $0xFFFFD800  }
0x81: {  	_ =	sfence.sel $0x180000  }
0x82: {  	[bflag:$0x0] =	sbarrier.arrive $0xFFFF  }
0x83: {  	p0 =	sne.s32 s2, $0x0;
	_ =	strace $0x9000004A  }
0x84: {  	s0 =	sadd.s32 @!p0 $0x100000, s0;
	[bflag:$0x2] =	sbarrier.arrive $0xFFFF  }
0x85: {  	[sflag:s0] =	ssyncadd.tile.s32 @!p0 $0x1;
	_ =	shalt  }
.Lfunc_end2:
_tile_overlayer_lowered:
.L_overlay_start_2:
0x86: {  	(tag) =	ssettag $0x2  }
0x87: {  	s0 =	rddreg [dreg:$0x0];
	s2 =	stileid.u32  }
0x88: {  	s1 =	rddreg [dreg:$0x1];
	p0 =	sne.s32 s2, $0x0  }
0x89: {  	s3 =	rddreg [dreg:$0x2];
	[bflag:$0x3] =	sbarrier.arrive $0xFFFF;
	s2 =	simm.s32 @!p0 $0x1C02  }
0x8a: {  	[timem:s3], [sflag:s2] =	dma.local @!p0 [hbm:s0], s1  }
0x8b: {  	s0 =	simm.s32 @!p0 $0x2  }
0x8c: {  	_ =	swait.ge @!p0 [sflag:s0], s1  }
0x8d: {  	s1 =	ssub.s32 @!p0 $0x0, s1;
	[sflag:s0] =	ssyncset.done @!p0 $0x0  }
0x8e: {  	[sflag:s0] =	ssyncadd.s32 @!p0 s1  }
0x8f: {  	[bflag:$0x3] =	sbarrier.arrive $0xFFFF  }
0x90: {  	_ =	shalt  }

</sc_bundles>
